<compile_context>
chip_gen: v7x
topology: tpu7x:2x2x1
jax: 0.10.2.dev20260603
libtpu: 0.0.44.dev20260713+nightly
codegen_flags: <defaults>
</compile_context>

<pallas_src>
import jax
import jax.numpy as jnp
import numpy as np
from jax import lax
from jax.experimental import pallas as pl
from jax.experimental.pallas import tpu as pltpu
from jax.experimental.pallas import tpu_sc as plsc

_MARGIN = 0.1
_N = 16384
_PAIRS = 8192
_LANES = 16
_NT = 16
_CHUNK = _N // _NT
_SPT = _PAIRS // _NT


def _rotl32(x, r):
    return ((x << np.uint32(r)) | (x >> np.uint32(32 - r))).astype(np.uint32)


def _threefry2x32(k1, k2, x0, x1):
    x0 = x0.astype(np.uint32).copy()
    x1 = x1.astype(np.uint32).copy()
    ks = [np.uint32(k1), np.uint32(k2),
          np.uint32(np.uint32(k1) ^ np.uint32(k2) ^ np.uint32(0x1BD11BDA))]
    rotations = [[13, 15, 26, 6], [17, 29, 16, 24]]
    x0 += ks[0]
    x1 += ks[1]
    for i in range(5):
        for r in rotations[i % 2]:
            x0 += x1
            x1 = _rotl32(x1, r)
            x1 ^= x0
        x0 += ks[(i + 1) % 3]
        x1 += np.uint32(ks[(i + 2) % 3] + np.uint32(i + 1))
    return x0, x1


def _fry_bits(k, n):
    i = np.arange(n, dtype=np.uint64)
    o0, o1 = _threefry2x32(k[0], k[1], (i >> np.uint64(32)).astype(np.uint32),
                           (i & np.uint64(0xFFFFFFFF)).astype(np.uint32))
    return o0 ^ o1


def _fry_split(k):
    o0, o1 = _threefry2x32(k[0], k[1], np.zeros(2, np.uint32),
                           np.arange(2, dtype=np.uint32))
    return (o0[0], o1[0]), (o0[1], o1[1])


def _sample_bits():
    sk1, sk2 = _fry_split((np.uint32(0), np.uint32(42)))
    out = []
    for k in (sk1, sk2):
        ra, rb = _fry_split(k)
        for kk in (ra, rb):
            out.append(_fry_bits(kk, _PAIRS).view(np.int32))
    return tuple(out)


def _packed_bits():
    ue, ve, un, vn = _sample_bits()
    tiles = []
    for w in range(_NT):
        sl = slice(w * _SPT, (w + 1) * _SPT)
        tiles.append(np.concatenate([ue[sl], ve[sl], un[sl], vn[sl]]))
    return np.concatenate(tiles)


_RAW_BITS = _packed_bits()


def _vmod(x, span_v, rinv_v):
    q1 = (x.astype(jnp.float32) * rinv_v).astype(jnp.int32)
    r = x - q1 * span_v
    q2 = (r.astype(jnp.float32) * rinv_v).astype(jnp.int32)
    r = r - q2 * span_v
    r = jnp.where(r >= span_v, r - span_v, r)
    r = jnp.where(r < 0, r + span_v, r)
    r = jnp.where(r < 0, r + span_v, r)
    return r


def _ridx(u, v, bf, bh, bg, span_v, rinv_v):
    uhi = lax.shift_right_logical(u, 16)
    ulo = lax.bitwise_and(u, 0xFFFF)
    vhi = lax.shift_right_logical(v, 16)
    vlo = lax.bitwise_and(v, 0xFFFF)
    p1 = _vmod(uhi * bg + ulo * bh, span_v, rinv_v)
    r = _vmod(p1 + vhi * bf + vlo, span_v, rinv_v)
    return jnp.minimum(jnp.maximum(r, 0), span_v - 1)


def _chunk_of(a, ce_tab):
    w = a * 0
    for s in (8, 4, 2, 1):
        probe = plsc.load_gather(ce_tab, [w + (s - 1)])
        w = w + jnp.where(probe <= a, s, 0)
    return w


def _body(probs_hbm, tgt_hbm, bits_hbm, out_hbm,
          pv, tv, locb, cntw, bits, cnts, ce_tab, cx_tab, cen_tab, cxn_tab,
          pos_loc, buf, posf, accw, accl, outv, sem_bits, sem_buf, sem_in,
          sh_data, sh_cnt, sh_acc, sh_pos):
    cid = lax.axis_index("c")
    sid = lax.axis_index("s")

    @pl.when(cid == 0)
    def _():
        lane = lax.iota(jnp.int32, _LANES)

        cp_bits = pltpu.async_copy(bits_hbm.at[pl.ds(sid * 4 * _SPT, 4 * _SPT)],
                                   bits, sem_bits)

        base = sid * _CHUNK
        cp_p = pltpu.async_copy(probs_hbm.at[pl.ds(base, _CHUNK)], pv, sem_in)
        cp_t = pltpu.async_copy(tgt_hbm.at[pl.ds(base, _CHUNK)], tv, sem_in)
        cp_p.wait()
        cp_t.wait()

        def compact4(i, off_v):
            for k in range(8):
                j = i * 8 + k
                sl = pl.ds(j * _LANES, _LANES)
                t = tv[sl]
                p = pv[sl]
                m32 = jnp.where(t == 1, 1, 0)
                rank_e = plsc.cumsum(m32) - m32
                pc = plsc.all_reduce_population_count(t == 1)
                dest = jnp.where(m32 == 1, off_v + rank_e,
                                 (_CHUNK + j * _LANES) + lane - off_v - rank_e)
                plsc.store_scatter(locb, [dest], p)
                off_v = off_v + pc
            return off_v

        off_v = lax.fori_loop(0, _CHUNK // _LANES // 8, compact4,
                              jnp.zeros((_LANES,), jnp.int32))
        pltpu.sync_copy(locb, sh_data.at[pl.ds(sid * 2 * _CHUNK, 2 * _CHUNK)])
        cntw[...] = off_v
        pltpu.sync_copy(cntw, sh_cnt.at[sid])
        plsc.subcore_barrier()

        pltpu.async_copy(sh_data, buf, sem_buf)

        pltpu.sync_copy(sh_cnt, cnts)
        ce_vec = plsc.load_gather(cnts, [lane, lane * 0])
        ce_inc = plsc.cumsum(ce_vec)
        cx_exc = ce_inc - ce_vec
        cn_vec = _CHUNK - ce_vec
        cn_inc = plsc.cumsum(cn_vec)
        cxn_exc = cn_inc - cn_vec
        ce_tab[...] = ce_inc
        cx_tab[...] = cx_exc
        cen_tab[...] = cn_inc
        cxn_tab[...] = cxn_exc
        n_ess = ce_inc[_LANES - 1]
        n_non = _N - n_ess

        cp_bits.wait()

        se_v = lane * 0 + jnp.maximum(n_ess, 1)
        sn_v = lane * 0 + jnp.maximum(n_non, 1)
        rinv_e = 1.0 / se_v.astype(jnp.float32)
        rinv_n = 1.0 / sn_v.astype(jnp.float32)
        c64k = jnp.full((_LANES,), 65536, jnp.int32)
        bf_e = _vmod(c64k, se_v, rinv_e)
        bh_e = _vmod(bf_e * bf_e, se_v, rinv_e)
        bg_e = _vmod(lax.shift_left(bh_e, 16), se_v, rinv_e)
        bf_n = _vmod(c64k, sn_v, rinv_n)
        bh_n = _vmod(bf_n * bf_n, sn_v, rinv_n)
        bg_n = _vmod(lax.shift_left(bh_n, 16), sn_v, rinv_n)

        def samp4(i, carry):
            for k in range(4):
                v = i * 4 + k
                sl0 = pl.ds(v * _LANES, _LANES)
                a = _ridx(bits[sl0], bits[pl.ds(_SPT + v * _LANES, _LANES)],
                          bf_e, bh_e, bg_e, se_v, rinv_e)
                b = _ridx(bits[pl.ds(2 * _SPT + v * _LANES, _LANES)],
                          bits[pl.ds(3 * _SPT + v * _LANES, _LANES)],
                          bf_n, bh_n, bg_n, sn_v, rinv_n)
                wa = _chunk_of(a, ce_tab)
                pos_a = lax.shift_left(wa, 11) + a - plsc.load_gather(cx_tab, [wa])
                wb = _chunk_of(b, cen_tab)
                pos_b = (lax.shift_left(wb, 11) + _CHUNK + b
                         - plsc.load_gather(cxn_tab, [wb]))
                pos_loc[sl0] = pos_a
                pos_loc[pl.ds(_SPT + v * _LANES, _LANES)] = pos_b
            return carry

        lax.fori_loop(0, _SPT // _LANES // 4, samp4, jnp.int32(0))
        pltpu.sync_copy(pos_loc, sh_pos.at[pl.ds(sid * 2 * _SPT, 2 * _SPT)])
        plsc.subcore_barrier()

        pltpu.make_async_copy(sh_data, buf, sem_buf).wait()
        plsc.subcore_barrier()

        def hinge8(i, a_):
            for k in range(8):
                o = (i * 8 + k) * _LANES
                ra = pos_loc[pl.ds(o, _LANES)]
                rb = pos_loc[pl.ds(_SPT + o, _LANES)]
                pe = plsc.load_gather(buf, [ra])
                pn = plsc.load_gather(buf, [rb])
                a_ = a_ + jnp.maximum(pn - pe + _MARGIN, 0.0)
            return a_

        acc = lax.fori_loop(0, _SPT // _LANES // 8, hinge8,
                            jnp.zeros((_LANES,), jnp.float32))
        accw[...] = acc
        pltpu.sync_copy(accw, sh_acc.at[sid])
        plsc.subcore_barrier()

        @pl.when(sid == 0)
        def _():
            pltpu.sync_copy(sh_acc, accl)
            tot = jnp.zeros((_LANES,), jnp.float32)
            for r in range(_NT):
                tot = tot + plsc.load_gather(accl, [lane * 0 + r, lane])
            mean = jnp.sum(tot) * (1.0 / _PAIRS)
            ok = jnp.logical_and(n_ess > 0, n_non > 0)
            res = jnp.where(ok, mean, 0.0)
            outv[...] = jnp.full((_LANES,), 1.0, jnp.float32) * res
            pltpu.sync_copy(outv, out_hbm)


def kernel(probs, targets):
    bits_all = jnp.asarray(_RAW_BITS)
    tgt = targets.astype(jnp.int32)
    mesh = plsc.VectorSubcoreMesh(core_axis_name="c", subcore_axis_name="s", num_cores=1)
    f = pl.kernel(
        _body,
        out_type=jax.ShapeDtypeStruct((_LANES,), jnp.float32),
        mesh=mesh,
        compiler_params=pltpu.CompilerParams(needs_layout_passes=False),
        scratch_types=[
            pltpu.VMEM((_CHUNK,), jnp.float32),
            pltpu.VMEM((_CHUNK,), jnp.int32),
            pltpu.VMEM((2 * _CHUNK,), jnp.float32),
            pltpu.VMEM((_LANES,), jnp.int32),
            pltpu.VMEM((4 * _SPT,), jnp.int32),
            pltpu.VMEM((_NT, _LANES), jnp.int32),
            pltpu.VMEM((_LANES,), jnp.int32),
            pltpu.VMEM((_LANES,), jnp.int32),
            pltpu.VMEM((_LANES,), jnp.int32),
            pltpu.VMEM((_LANES,), jnp.int32),
            pltpu.VMEM((2 * _SPT,), jnp.int32),
            pltpu.VMEM((2 * _N,), jnp.float32),
            pltpu.VMEM((_NT * 2 * _SPT,), jnp.int32),
            pltpu.VMEM((_LANES,), jnp.float32),
            pltpu.VMEM((_NT, _LANES), jnp.float32),
            pltpu.VMEM((_LANES,), jnp.float32),
            pltpu.SemaphoreType.DMA,
            pltpu.SemaphoreType.DMA,
            pltpu.SemaphoreType.DMA,
            pltpu.VMEM_SHARED((2 * _N,), jnp.float32),
            pltpu.VMEM_SHARED((_NT, _LANES), jnp.int32),
            pltpu.VMEM_SHARED((_NT, _LANES), jnp.float32),
            pltpu.VMEM_SHARED((_NT * 2 * _SPT,), jnp.int32),
        ],
    )
    out = f(probs, tgt, bits_all)
    return out[0]

# --- scband reference (transcript-rebuilt; emitter-appended) ---
"""Pipeline reference for scband-pairwise-ranking-loss-28260884807778 (READ-ONLY COPY).

The authoritative reference and input builder live on the scoring server;
editing this copy changes nothing except your own understanding.
"""

import jax, jax.numpy as jnp
import numpy as np

MARGIN = 0.1
MAX_PAIRS = 8192
N = 16384

def setup_inputs(seed: int = 0) -> dict:
    key = jax.random.key(seed)
    k1, k2 = jax.random.split(key)
    probs = jax.random.uniform(k1, (N,), dtype=jnp.float32)
    targets = jax.random.randint(k2, (N,), 0, 2).astype(jnp.int64)
    return {"probs": probs, "targets": targets}

def reference(probs, targets):
    n = targets.shape[0]
    ess_idx = jnp.nonzero(targets == 1, size=n, fill_value=0)[0]
    non_idx = jnp.nonzero(targets == 0, size=n, fill_value=0)[0]
    n_ess = jnp.sum(targets == 1)
    n_non = jnp.sum(targets == 0)
    n_pairs = min(MAX_PAIRS, n * n)
    skey = jax.random.key(42)
    sk1, sk2 = jax.random.split(skey)
    ess_sample = ess_idx[jax.random.randint(sk1, (n_pairs,), 0, jnp.maximum(n_ess, 1))]
    non_sample = non_idx[jax.random.randint(sk2, (n_pairs,), 0, jnp.maximum(n_non, 1))]
    loss = jnp.maximum(MARGIN + probs[non_sample] - probs[ess_sample], 0.0)
    both_present = (n_ess > 0) & (n_non > 0)
    return jnp.where(both_present, loss.mean(), probs.sum() * 0.0)

if __name__ == "__main__":
    import jax
    _d = setup_inputs()
    print(jax.jit(kernel)(*tuple(_d.values())))

</pallas_src>

<mosaic_0001>
#map = affine_map<(d0, d1) -> (0)>
module attributes {stable_mosaic.version = 14 : i64} {
  func.func @_body(%arg0: i32, %arg1: i32, %arg2: memref<16384xf32, #tpu.memory_space<hbm>>, %arg3: memref<16384xi32, #tpu.memory_space<hbm>>, %arg4: memref<32768xi32, #tpu.memory_space<hbm>>, %arg5: memref<16xf32, #tpu.memory_space<hbm>>, %arg6: memref<1024xf32, #tpu.memory_space<vmem>>, %arg7: memref<1024xi32, #tpu.memory_space<vmem>>, %arg8: memref<2048xf32, #tpu.memory_space<vmem>>, %arg9: memref<16xi32, #tpu.memory_space<vmem>>, %arg10: memref<2048xi32, #tpu.memory_space<vmem>>, %arg11: memref<16x16xi32, #tpu.memory_space<vmem>>, %arg12: memref<16xi32, #tpu.memory_space<vmem>>, %arg13: memref<16xi32, #tpu.memory_space<vmem>>, %arg14: memref<16xi32, #tpu.memory_space<vmem>>, %arg15: memref<16xi32, #tpu.memory_space<vmem>>, %arg16: memref<1024xi32, #tpu.memory_space<vmem>>, %arg17: memref<32768xf32, #tpu.memory_space<vmem>>, %arg18: memref<16384xi32, #tpu.memory_space<vmem>>, %arg19: memref<16xf32, #tpu.memory_space<vmem>>, %arg20: memref<16x16xf32, #tpu.memory_space<vmem>>, %arg21: memref<16xf32, #tpu.memory_space<vmem>>, %arg22: memref<!tpu.dma_semaphore, #tpu.memory_space<semaphore_mem>>, %arg23: memref<!tpu.dma_semaphore, #tpu.memory_space<semaphore_mem>>, %arg24: memref<!tpu.dma_semaphore, #tpu.memory_space<semaphore_mem>>, %arg25: memref<32768xf32, #tpu.memory_space<vmem_shared>>, %arg26: memref<16x16xi32, #tpu.memory_space<vmem_shared>>, %arg27: memref<16x16xf32, #tpu.memory_space<vmem_shared>>, %arg28: memref<16384xi32, #tpu.memory_space<vmem_shared>>) attributes {dimension_semantics = [#tpu.dimension_semantics<core_parallel>, #tpu.dimension_semantics<subcore_parallel>], iteration_bounds = array<i64: 1, 16>, scalar_prefetch = 0 : i64, scratch_operands = 23 : i64, tpu.core_type = #tpu.core_type<sc_vector_subcore>, window_params = [{transform_indices = #map}, {transform_indices = #map}, {transform_indices = #map}, {transform_indices = #map}]} {
    %eq3A = arith.constant 0 : i32
    %eq3A_0 = arith.cmpi eq, %arg0, %eq3A : i32
    %convert_element_type3A = arith.extui %eq3A_0 : i1 to i32
    %cond3A = arith.constant 0 : i32
    %cond3A_1 = arith.cmpi ne, %convert_element_type3A, %cond3A : i32
    scf.if %cond3A_1 {
      %iota3A = tpu.iota {dimensions = array<i32: 0>} : vector<16xi32>
      %mul3A = arith.constant 4 : i32
      %mul3A_2 = arith.muli %arg1, %mul3A : i32
      %mul3A_3 = arith.constant 512 : i32
      %mul3A_4 = arith.muli %mul3A_2, %mul3A_3 : i32
      %dma_start3A = tpu.memref_slice %arg4[%mul3A_4] : memref<32768xi32, #tpu.memory_space<hbm>> -> memref<2048xi32, #tpu.memory_space<hbm>>
      %dma_start3A_5 = tpu.memref_slice %arg4[%mul3A_4] : memref<32768xi32, #tpu.memory_space<hbm>> -> memref<2048xi32, #tpu.memory_space<hbm>>
      tpu.enqueue_dma source(%dma_start3A_5 : memref<2048xi32, #tpu.memory_space<hbm>>) target(%arg10 : memref<2048xi32, #tpu.memory_space<vmem>>) target_semaphore(%arg22 : memref<!tpu.dma_semaphore, #tpu.memory_space<semaphore_mem>>)
      %mul3A_6 = arith.constant 1024 : i32
      %mul3A_7 = arith.muli %arg1, %mul3A_6 : i32
      %dma_start3A_8 = tpu.memref_slice %arg2[%mul3A_7] : memref<16384xf32, #tpu.memory_space<hbm>> -> memref<1024xf32, #tpu.memory_space<hbm>>
      %dma_start3A_9 = tpu.memref_slice %arg2[%mul3A_7] : memref<16384xf32, #tpu.memory_space<hbm>> -> memref<1024xf32, #tpu.memory_space<hbm>>
      tpu.enqueue_dma source(%dma_start3A_9 : memref<1024xf32, #tpu.memory_space<hbm>>) target(%arg6 : memref<1024xf32, #tpu.memory_space<vmem>>) target_semaphore(%arg24 : memref<!tpu.dma_semaphore, #tpu.memory_space<semaphore_mem>>)
      %dma_start3A_10 = tpu.memref_slice %arg3[%mul3A_7] : memref<16384xi32, #tpu.memory_space<hbm>> -> memref<1024xi32, #tpu.memory_space<hbm>>
      %dma_start3A_11 = tpu.memref_slice %arg3[%mul3A_7] : memref<16384xi32, #tpu.memory_space<hbm>> -> memref<1024xi32, #tpu.memory_space<hbm>>
      tpu.enqueue_dma source(%dma_start3A_11 : memref<1024xi32, #tpu.memory_space<hbm>>) target(%arg7 : memref<1024xi32, #tpu.memory_space<vmem>>) target_semaphore(%arg24 : memref<!tpu.dma_semaphore, #tpu.memory_space<semaphore_mem>>)
      %dma_wait3A = tpu.memref_slice %arg2[%mul3A_7] : memref<16384xf32, #tpu.memory_space<hbm>> -> memref<1024xf32, #tpu.memory_space<hbm>>
      %dma_wait3A_12 = tpu.memref_slice %arg2[%mul3A_7] : memref<16384xf32, #tpu.memory_space<hbm>> -> memref<1024xf32, #tpu.memory_space<hbm>>
      tpu.wait_dma2 semaphore(%arg24 : memref<!tpu.dma_semaphore, #tpu.memory_space<semaphore_mem>>) src(%dma_wait3A_12 : memref<1024xf32, #tpu.memory_space<hbm>>) dst(%arg6 : memref<1024xf32, #tpu.memory_space<vmem>>)
      %dma_wait3A_13 = tpu.memref_slice %arg3[%mul3A_7] : memref<16384xi32, #tpu.memory_space<hbm>> -> memref<1024xi32, #tpu.memory_space<hbm>>
      %dma_wait3A_14 = tpu.memref_slice %arg3[%mul3A_7] : memref<16384xi32, #tpu.memory_space<hbm>> -> memref<1024xi32, #tpu.memory_space<hbm>>
      tpu.wait_dma2 semaphore(%arg24 : memref<!tpu.dma_semaphore, #tpu.memory_space<semaphore_mem>>) src(%dma_wait3A_14 : memref<1024xi32, #tpu.memory_space<hbm>>) dst(%arg7 : memref<1024xi32, #tpu.memory_space<vmem>>)
      %broadcast_in_dim3A = arith.constant 0 : i32
      %broadcast_in_dim3A_15 = vector.broadcast %broadcast_in_dim3A : i32 to vector<16xi32>
      %scan3A = arith.constant 0 : i32
      %scan3A_16 = arith.constant 8 : i32
      %scan3A_17 = arith.addi %scan3A, %scan3A_16 : i32
      %scan3A_18 = arith.constant 1 : i32
      %scan3A_19 = scf.for %scan3A_241 = %scan3A to %scan3A_17 step %scan3A_18 iter_args(%scan3A_242 = %broadcast_in_dim3A_15) -> (vector<16xi32>)  : i32 {
        %mul3A_243 = arith.constant 8 : i32
        %mul3A_244 = arith.muli %scan3A_241, %mul3A_243 : i32
        %add3A_245 = arith.constant 0 : i32
        %add3A_246 = arith.addi %mul3A_244, %add3A_245 : i32
        %mul3A_247 = arith.constant 16 : i32
        %mul3A_248 = arith.muli %add3A_246, %mul3A_247 : i32
        %get3A = arith.index_cast %mul3A_248 : i32 to index
        %get3A_249 = tpu.vector_load %arg7[%get3A] {strides = array<i32>} : memref<1024xi32, #tpu.memory_space<vmem>>, vector<16xi32>,
        %get3A_250 = arith.index_cast %mul3A_248 : i32 to index
        %get3A_251 = tpu.vector_load %arg6[%get3A_250] {strides = array<i32>} : memref<1024xf32, #tpu.memory_space<vmem>>, vector<16xf32>,
        %eq3A_252 = arith.constant 1 : i32
        %eq3A_253 = vector.broadcast %eq3A_252 : i32 to vector<16xi32>
        %eq3A_254 = arith.cmpi eq, %get3A_249, %eq3A_253 : vector<16xi32>
        %jit3A = arith.constant 1 : i32
        %jit3A_255 = arith.constant 0 : i32
        %broadcast_in_dim3A_256 = vector.broadcast %jit3A : i32 to vector<16xi32>
        %broadcast_in_dim3A_257 = vector.broadcast %jit3A_255 : i32 to vector<16xi32>
        %select_n3A_258 = arith.select %eq3A_254, %broadcast_in_dim3A_256, %broadcast_in_dim3A_257 : vector<16xi1>, vector<16xi32>
        %broadcast_in_dim3A_259 = arith.constant true
        %broadcast_in_dim3A_260 = vector.broadcast %broadcast_in_dim3A_259 : i1 to vector<16xi1>
        %masked_cumsum3A_261 = tpu.scan <sum>, %select_n3A_258 masked %broadcast_in_dim3A_260 : vector<16xi32>, vector<16xi1> -> vector<16xi32>
        %sub3A_262 = arith.subi %masked_cumsum3A_261, %select_n3A_258 : vector<16xi32>
        %eq3A_263 = arith.constant 1 : i32
        %eq3A_264 = vector.broadcast %eq3A_263 : i32 to vector<16xi32>
        %eq3A_265 = arith.cmpi eq, %get3A_249, %eq3A_264 : vector<16xi32>
        %all_reduce_population_count3A = tpu.all_reduce %eq3A_265 {dim = 0 : i64, kind = #tpu.reduction_kind<sum>} : vector<16xi1> -> vector<16xi32>
        %eq3A_266 = arith.constant 1 : i32
        %eq3A_267 = vector.broadcast %eq3A_266 : i32 to vector<16xi32>
        %eq3A_268 = arith.cmpi eq, %select_n3A_258, %eq3A_267 : vector<16xi32>
        %add3A_269 = arith.addi %scan3A_242, %sub3A_262 : vector<16xi32>
        %mul3A_270 = arith.constant 16 : i32
        %mul3A_271 = arith.muli %add3A_246, %mul3A_270 : i32
        %add3A_272 = arith.constant 1024 : i32
        %add3A_273 = arith.addi %add3A_272, %mul3A_271 : i32
        %add3A_274 = vector.broadcast %add3A_273 : i32 to vector<16xi32>
        %add3A_275 = arith.addi %add3A_274, %iota3A : vector<16xi32>
        %sub3A_276 = arith.subi %add3A_275, %scan3A_242 : vector<16xi32>
        %sub3A_277 = arith.subi %sub3A_276, %sub3A_262 : vector<16xi32>
        %select_n3A_278 = arith.select %eq3A_268, %add3A_269, %sub3A_277 : vector<16xi1>, vector<16xi32>
        tpu.vector_store_idx %arg8[%select_n3A_278], %get3A_251 : memref<2048xf32, #tpu.memory_space<vmem>>[vector<16xi32>], vector<16xf32>,
        %add3A_279 = arith.addi %scan3A_242, %all_reduce_population_count3A : vector<16xi32>
        %mul3A_280 = arith.constant 8 : i32
        %mul3A_281 = arith.muli %scan3A_241, %mul3A_280 : i32
        %add3A_282 = arith.constant 1 : i32
        %add3A_283 = arith.addi %mul3A_281, %add3A_282 : i32
        %mul3A_284 = arith.constant 16 : i32
        %mul3A_285 = arith.muli %add3A_283, %mul3A_284 : i32
        %get3A_286 = arith.index_cast %mul3A_285 : i32 to index
        %get3A_287 = tpu.vector_load %arg7[%get3A_286] {strides = array<i32>} : memref<1024xi32, #tpu.memory_space<vmem>>, vector<16xi32>,
        %get3A_288 = arith.index_cast %mul3A_285 : i32 to index
        %get3A_289 = tpu.vector_load %arg6[%get3A_288] {strides = array<i32>} : memref<1024xf32, #tpu.memory_space<vmem>>, vector<16xf32>,
        %eq3A_290 = arith.constant 1 : i32
        %eq3A_291 = vector.broadcast %eq3A_290 : i32 to vector<16xi32>
        %eq3A_292 = arith.cmpi eq, %get3A_287, %eq3A_291 : vector<16xi32>
        %jit3A_293 = arith.constant 1 : i32
        %jit3A_294 = arith.constant 0 : i32
        %broadcast_in_dim3A_295 = vector.broadcast %jit3A_293 : i32 to vector<16xi32>
        %broadcast_in_dim3A_296 = vector.broadcast %jit3A_294 : i32 to vector<16xi32>
        %select_n3A_297 = arith.select %eq3A_292, %broadcast_in_dim3A_295, %broadcast_in_dim3A_296 : vector<16xi1>, vector<16xi32>
        %broadcast_in_dim3A_298 = arith.constant true
        %broadcast_in_dim3A_299 = vector.broadcast %broadcast_in_dim3A_298 : i1 to vector<16xi1>
        %masked_cumsum3A_300 = tpu.scan <sum>, %select_n3A_297 masked %broadcast_in_dim3A_299 : vector<16xi32>, vector<16xi1> -> vector<16xi32>
        %sub3A_301 = arith.subi %masked_cumsum3A_300, %select_n3A_297 : vector<16xi32>
        %eq3A_302 = arith.constant 1 : i32
        %eq3A_303 = vector.broadcast %eq3A_302 : i32 to vector<16xi32>
        %eq3A_304 = arith.cmpi eq, %get3A_287, %eq3A_303 : vector<16xi32>
        %all_reduce_population_count3A_305 = tpu.all_reduce %eq3A_304 {dim = 0 : i64, kind = #tpu.reduction_kind<sum>} : vector<16xi1> -> vector<16xi32>
        %eq3A_306 = arith.constant 1 : i32
        %eq3A_307 = vector.broadcast %eq3A_306 : i32 to vector<16xi32>
        %eq3A_308 = arith.cmpi eq, %select_n3A_297, %eq3A_307 : vector<16xi32>
        %add3A_309 = arith.addi %add3A_279, %sub3A_301 : vector<16xi32>
        %mul3A_310 = arith.constant 16 : i32
        %mul3A_311 = arith.muli %add3A_283, %mul3A_310 : i32
        %add3A_312 = arith.constant 1024 : i32
        %add3A_313 = arith.addi %add3A_312, %mul3A_311 : i32
        %add3A_314 = vector.broadcast %add3A_313 : i32 to vector<16xi32>
        %add3A_315 = arith.addi %add3A_314, %iota3A : vector<16xi32>
        %sub3A_316 = arith.subi %add3A_315, %add3A_279 : vector<16xi32>
        %sub3A_317 = arith.subi %sub3A_316, %sub3A_301 : vector<16xi32>
        %select_n3A_318 = arith.select %eq3A_308, %add3A_309, %sub3A_317 : vector<16xi1>, vector<16xi32>
        tpu.vector_store_idx %arg8[%select_n3A_318], %get3A_289 : memref<2048xf32, #tpu.memory_space<vmem>>[vector<16xi32>], vector<16xf32>,
        %add3A_319 = arith.addi %add3A_279, %all_reduce_population_count3A_305 : vector<16xi32>
        %mul3A_320 = arith.constant 8 : i32
        %mul3A_321 = arith.muli %scan3A_241, %mul3A_320 : i32
        %add3A_322 = arith.constant 2 : i32
        %add3A_323 = arith.addi %mul3A_321, %add3A_322 : i32
        %mul3A_324 = arith.constant 16 : i32
        %mul3A_325 = arith.muli %add3A_323, %mul3A_324 : i32
        %get3A_326 = arith.index_cast %mul3A_325 : i32 to index
        %get3A_327 = tpu.vector_load %arg7[%get3A_326] {strides = array<i32>} : memref<1024xi32, #tpu.memory_space<vmem>>, vector<16xi32>,
        %get3A_328 = arith.index_cast %mul3A_325 : i32 to index
        %get3A_329 = tpu.vector_load %arg6[%get3A_328] {strides = array<i32>} : memref<1024xf32, #tpu.memory_space<vmem>>, vector<16xf32>,
        %eq3A_330 = arith.constant 1 : i32
        %eq3A_331 = vector.broadcast %eq3A_330 : i32 to vector<16xi32>
        %eq3A_332 = arith.cmpi eq, %get3A_327, %eq3A_331 : vector<16xi32>
        %jit3A_333 = arith.constant 1 : i32
        %jit3A_334 = arith.constant 0 : i32
        %broadcast_in_dim3A_335 = vector.broadcast %jit3A_333 : i32 to vector<16xi32>
        %broadcast_in_dim3A_336 = vector.broadcast %jit3A_334 : i32 to vector<16xi32>
        %select_n3A_337 = arith.select %eq3A_332, %broadcast_in_dim3A_335, %broadcast_in_dim3A_336 : vector<16xi1>, vector<16xi32>
        %broadcast_in_dim3A_338 = arith.constant true
        %broadcast_in_dim3A_339 = vector.broadcast %broadcast_in_dim3A_338 : i1 to vector<16xi1>
        %masked_cumsum3A_340 = tpu.scan <sum>, %select_n3A_337 masked %broadcast_in_dim3A_339 : vector<16xi32>, vector<16xi1> -> vector<16xi32>
        %sub3A_341 = arith.subi %masked_cumsum3A_340, %select_n3A_337 : vector<16xi32>
        %eq3A_342 = arith.constant 1 : i32
        %eq3A_343 = vector.broadcast %eq3A_342 : i32 to vector<16xi32>
        %eq3A_344 = arith.cmpi eq, %get3A_327, %eq3A_343 : vector<16xi32>
        %all_reduce_population_count3A_345 = tpu.all_reduce %eq3A_344 {dim = 0 : i64, kind = #tpu.reduction_kind<sum>} : vector<16xi1> -> vector<16xi32>
        %eq3A_346 = arith.constant 1 : i32
        %eq3A_347 = vector.broadcast %eq3A_346 : i32 to vector<16xi32>
        %eq3A_348 = arith.cmpi eq, %select_n3A_337, %eq3A_347 : vector<16xi32>
        %add3A_349 = arith.addi %add3A_319, %sub3A_341 : vector<16xi32>
        %mul3A_350 = arith.constant 16 : i32
        %mul3A_351 = arith.muli %add3A_323, %mul3A_350 : i32
        %add3A_352 = arith.constant 1024 : i32
        %add3A_353 = arith.addi %add3A_352, %mul3A_351 : i32
        %add3A_354 = vector.broadcast %add3A_353 : i32 to vector<16xi32>
        %add3A_355 = arith.addi %add3A_354, %iota3A : vector<16xi32>
        %sub3A_356 = arith.subi %add3A_355, %add3A_319 : vector<16xi32>
        %sub3A_357 = arith.subi %sub3A_356, %sub3A_341 : vector<16xi32>
        %select_n3A_358 = arith.select %eq3A_348, %add3A_349, %sub3A_357 : vector<16xi1>, vector<16xi32>
        tpu.vector_store_idx %arg8[%select_n3A_358], %get3A_329 : memref<2048xf32, #tpu.memory_space<vmem>>[vector<16xi32>], vector<16xf32>,
        %add3A_359 = arith.addi %add3A_319, %all_reduce_population_count3A_345 : vector<16xi32>
        %mul3A_360 = arith.constant 8 : i32
        %mul3A_361 = arith.muli %scan3A_241, %mul3A_360 : i32
        %add3A_362 = arith.constant 3 : i32
        %add3A_363 = arith.addi %mul3A_361, %add3A_362 : i32
        %mul3A_364 = arith.constant 16 : i32
        %mul3A_365 = arith.muli %add3A_363, %mul3A_364 : i32
        %get3A_366 = arith.index_cast %mul3A_365 : i32 to index
        %get3A_367 = tpu.vector_load %arg7[%get3A_366] {strides = array<i32>} : memref<1024xi32, #tpu.memory_space<vmem>>, vector<16xi32>,
        %get3A_368 = arith.index_cast %mul3A_365 : i32 to index
        %get3A_369 = tpu.vector_load %arg6[%get3A_368] {strides = array<i32>} : memref<1024xf32, #tpu.memory_space<vmem>>, vector<16xf32>,
        %eq3A_370 = arith.constant 1 : i32
        %eq3A_371 = vector.broadcast %eq3A_370 : i32 to vector<16xi32>
        %eq3A_372 = arith.cmpi eq, %get3A_367, %eq3A_371 : vector<16xi32>
        %jit3A_373 = arith.constant 1 : i32
        %jit3A_374 = arith.constant 0 : i32
        %broadcast_in_dim3A_375 = vector.broadcast %jit3A_373 : i32 to vector<16xi32>
        %broadcast_in_dim3A_376 = vector.broadcast %jit3A_374 : i32 to vector<16xi32>
        %select_n3A_377 = arith.select %eq3A_372, %broadcast_in_dim3A_375, %broadcast_in_dim3A_376 : vector<16xi1>, vector<16xi32>
        %broadcast_in_dim3A_378 = arith.constant true
        %broadcast_in_dim3A_379 = vector.broadcast %broadcast_in_dim3A_378 : i1 to vector<16xi1>
        %masked_cumsum3A_380 = tpu.scan <sum>, %select_n3A_377 masked %broadcast_in_dim3A_379 : vector<16xi32>, vector<16xi1> -> vector<16xi32>
        %sub3A_381 = arith.subi %masked_cumsum3A_380, %select_n3A_377 : vector<16xi32>
        %eq3A_382 = arith.constant 1 : i32
        %eq3A_383 = vector.broadcast %eq3A_382 : i32 to vector<16xi32>
        %eq3A_384 = arith.cmpi eq, %get3A_367, %eq3A_383 : vector<16xi32>
        %all_reduce_population_count3A_385 = tpu.all_reduce %eq3A_384 {dim = 0 : i64, kind = #tpu.reduction_kind<sum>} : vector<16xi1> -> vector<16xi32>
        %eq3A_386 = arith.constant 1 : i32
        %eq3A_387 = vector.broadcast %eq3A_386 : i32 to vector<16xi32>
        %eq3A_388 = arith.cmpi eq, %select_n3A_377, %eq3A_387 : vector<16xi32>
        %add3A_389 = arith.addi %add3A_359, %sub3A_381 : vector<16xi32>
        %mul3A_390 = arith.constant 16 : i32
        %mul3A_391 = arith.muli %add3A_363, %mul3A_390 : i32
        %add3A_392 = arith.constant 1024 : i32
        %add3A_393 = arith.addi %add3A_392, %mul3A_391 : i32
        %add3A_394 = vector.broadcast %add3A_393 : i32 to vector<16xi32>
        %add3A_395 = arith.addi %add3A_394, %iota3A : vector<16xi32>
        %sub3A_396 = arith.subi %add3A_395, %add3A_359 : vector<16xi32>
        %sub3A_397 = arith.subi %sub3A_396, %sub3A_381 : vector<16xi32>
        %select_n3A_398 = arith.select %eq3A_388, %add3A_389, %sub3A_397 : vector<16xi1>, vector<16xi32>
        tpu.vector_store_idx %arg8[%select_n3A_398], %get3A_369 : memref<2048xf32, #tpu.memory_space<vmem>>[vector<16xi32>], vector<16xf32>,
        %add3A_399 = arith.addi %add3A_359, %all_reduce_population_count3A_385 : vector<16xi32>
        %mul3A_400 = arith.constant 8 : i32
        %mul3A_401 = arith.muli %scan3A_241, %mul3A_400 : i32
        %add3A_402 = arith.constant 4 : i32
        %add3A_403 = arith.addi %mul3A_401, %add3A_402 : i32
        %mul3A_404 = arith.constant 16 : i32
        %mul3A_405 = arith.muli %add3A_403, %mul3A_404 : i32
        %get3A_406 = arith.index_cast %mul3A_405 : i32 to index
        %get3A_407 = tpu.vector_load %arg7[%get3A_406] {strides = array<i32>} : memref<1024xi32, #tpu.memory_space<vmem>>, vector<16xi32>,
        %get3A_408 = arith.index_cast %mul3A_405 : i32 to index
        %get3A_409 = tpu.vector_load %arg6[%get3A_408] {strides = array<i32>} : memref<1024xf32, #tpu.memory_space<vmem>>, vector<16xf32>,
        %eq3A_410 = arith.constant 1 : i32
        %eq3A_411 = vector.broadcast %eq3A_410 : i32 to vector<16xi32>
        %eq3A_412 = arith.cmpi eq, %get3A_407, %eq3A_411 : vector<16xi32>
        %jit3A_413 = arith.constant 1 : i32
        %jit3A_414 = arith.constant 0 : i32
        %broadcast_in_dim3A_415 = vector.broadcast %jit3A_413 : i32 to vector<16xi32>
        %broadcast_in_dim3A_416 = vector.broadcast %jit3A_414 : i32 to vector<16xi32>
        %select_n3A_417 = arith.select %eq3A_412, %broadcast_in_dim3A_415, %broadcast_in_dim3A_416 : vector<16xi1>, vector<16xi32>
        %broadcast_in_dim3A_418 = arith.constant true
        %broadcast_in_dim3A_419 = vector.broadcast %broadcast_in_dim3A_418 : i1 to vector<16xi1>
        %masked_cumsum3A_420 = tpu.scan <sum>, %select_n3A_417 masked %broadcast_in_dim3A_419 : vector<16xi32>, vector<16xi1> -> vector<16xi32>
        %sub3A_421 = arith.subi %masked_cumsum3A_420, %select_n3A_417 : vector<16xi32>
        %eq3A_422 = arith.constant 1 : i32
        %eq3A_423 = vector.broadcast %eq3A_422 : i32 to vector<16xi32>
        %eq3A_424 = arith.cmpi eq, %get3A_407, %eq3A_423 : vector<16xi32>
        %all_reduce_population_count3A_425 = tpu.all_reduce %eq3A_424 {dim = 0 : i64, kind = #tpu.reduction_kind<sum>} : vector<16xi1> -> vector<16xi32>
        %eq3A_426 = arith.constant 1 : i32
        %eq3A_427 = vector.broadcast %eq3A_426 : i32 to vector<16xi32>
        %eq3A_428 = arith.cmpi eq, %select_n3A_417, %eq3A_427 : vector<16xi32>
        %add3A_429 = arith.addi %add3A_399, %sub3A_421 : vector<16xi32>
        %mul3A_430 = arith.constant 16 : i32
        %mul3A_431 = arith.muli %add3A_403, %mul3A_430 : i32
        %add3A_432 = arith.constant 1024 : i32
        %add3A_433 = arith.addi %add3A_432, %mul3A_431 : i32
        %add3A_434 = vector.broadcast %add3A_433 : i32 to vector<16xi32>
        %add3A_435 = arith.addi %add3A_434, %iota3A : vector<16xi32>
        %sub3A_436 = arith.subi %add3A_435, %add3A_399 : vector<16xi32>
        %sub3A_437 = arith.subi %sub3A_436, %sub3A_421 : vector<16xi32>
        %select_n3A_438 = arith.select %eq3A_428, %add3A_429, %sub3A_437 : vector<16xi1>, vector<16xi32>
        tpu.vector_store_idx %arg8[%select_n3A_438], %get3A_409 : memref<2048xf32, #tpu.memory_space<vmem>>[vector<16xi32>], vector<16xf32>,
        %add3A_439 = arith.addi %add3A_399, %all_reduce_population_count3A_425 : vector<16xi32>
        %mul3A_440 = arith.constant 8 : i32
        %mul3A_441 = arith.muli %scan3A_241, %mul3A_440 : i32
        %add3A_442 = arith.constant 5 : i32
        %add3A_443 = arith.addi %mul3A_441, %add3A_442 : i32
        %mul3A_444 = arith.constant 16 : i32
        %mul3A_445 = arith.muli %add3A_443, %mul3A_444 : i32
        %get3A_446 = arith.index_cast %mul3A_445 : i32 to index
        %get3A_447 = tpu.vector_load %arg7[%get3A_446] {strides = array<i32>} : memref<1024xi32, #tpu.memory_space<vmem>>, vector<16xi32>,
        %get3A_448 = arith.index_cast %mul3A_445 : i32 to index
        %get3A_449 = tpu.vector_load %arg6[%get3A_448] {strides = array<i32>} : memref<1024xf32, #tpu.memory_space<vmem>>, vector<16xf32>,
        %eq3A_450 = arith.constant 1 : i32
        %eq3A_451 = vector.broadcast %eq3A_450 : i32 to vector<16xi32>
        %eq3A_452 = arith.cmpi eq, %get3A_447, %eq3A_451 : vector<16xi32>
        %jit3A_453 = arith.constant 1 : i32
        %jit3A_454 = arith.constant 0 : i32
        %broadcast_in_dim3A_455 = vector.broadcast %jit3A_453 : i32 to vector<16xi32>
        %broadcast_in_dim3A_456 = vector.broadcast %jit3A_454 : i32 to vector<16xi32>
        %select_n3A_457 = arith.select %eq3A_452, %broadcast_in_dim3A_455, %broadcast_in_dim3A_456 : vector<16xi1>, vector<16xi32>
        %broadcast_in_dim3A_458 = arith.constant true
        %broadcast_in_dim3A_459 = vector.broadcast %broadcast_in_dim3A_458 : i1 to vector<16xi1>
        %masked_cumsum3A_460 = tpu.scan <sum>, %select_n3A_457 masked %broadcast_in_dim3A_459 : vector<16xi32>, vector<16xi1> -> vector<16xi32>
        %sub3A_461 = arith.subi %masked_cumsum3A_460, %select_n3A_457 : vector<16xi32>
        %eq3A_462 = arith.constant 1 : i32
        %eq3A_463 = vector.broadcast %eq3A_462 : i32 to vector<16xi32>
        %eq3A_464 = arith.cmpi eq, %get3A_447, %eq3A_463 : vector<16xi32>
        %all_reduce_population_count3A_465 = tpu.all_reduce %eq3A_464 {dim = 0 : i64, kind = #tpu.reduction_kind<sum>} : vector<16xi1> -> vector<16xi32>
        %eq3A_466 = arith.constant 1 : i32
        %eq3A_467 = vector.broadcast %eq3A_466 : i32 to vector<16xi32>
        %eq3A_468 = arith.cmpi eq, %select_n3A_457, %eq3A_467 : vector<16xi32>
        %add3A_469 = arith.addi %add3A_439, %sub3A_461 : vector<16xi32>
        %mul3A_470 = arith.constant 16 : i32
        %mul3A_471 = arith.muli %add3A_443, %mul3A_470 : i32
        %add3A_472 = arith.constant 1024 : i32
        %add3A_473 = arith.addi %add3A_472, %mul3A_471 : i32
        %add3A_474 = vector.broadcast %add3A_473 : i32 to vector<16xi32>
        %add3A_475 = arith.addi %add3A_474, %iota3A : vector<16xi32>
        %sub3A_476 = arith.subi %add3A_475, %add3A_439 : vector<16xi32>
        %sub3A_477 = arith.subi %sub3A_476, %sub3A_461 : vector<16xi32>
        %select_n3A_478 = arith.select %eq3A_468, %add3A_469, %sub3A_477 : vector<16xi1>, vector<16xi32>
        tpu.vector_store_idx %arg8[%select_n3A_478], %get3A_449 : memref<2048xf32, #tpu.memory_space<vmem>>[vector<16xi32>], vector<16xf32>,
        %add3A_479 = arith.addi %add3A_439, %all_reduce_population_count3A_465 : vector<16xi32>
        %mul3A_480 = arith.constant 8 : i32
        %mul3A_481 = arith.muli %scan3A_241, %mul3A_480 : i32
        %add3A_482 = arith.constant 6 : i32
        %add3A_483 = arith.addi %mul3A_481, %add3A_482 : i32
        %mul3A_484 = arith.constant 16 : i32
        %mul3A_485 = arith.muli %add3A_483, %mul3A_484 : i32
        %get3A_486 = arith.index_cast %mul3A_485 : i32 to index
        %get3A_487 = tpu.vector_load %arg7[%get3A_486] {strides = array<i32>} : memref<1024xi32, #tpu.memory_space<vmem>>, vector<16xi32>,
        %get3A_488 = arith.index_cast %mul3A_485 : i32 to index
        %get3A_489 = tpu.vector_load %arg6[%get3A_488] {strides = array<i32>} : memref<1024xf32, #tpu.memory_space<vmem>>, vector<16xf32>,
        %eq3A_490 = arith.constant 1 : i32
        %eq3A_491 = vector.broadcast %eq3A_490 : i32 to vector<16xi32>
        %eq3A_492 = arith.cmpi eq, %get3A_487, %eq3A_491 : vector<16xi32>
        %jit3A_493 = arith.constant 1 : i32
        %jit3A_494 = arith.constant 0 : i32
        %broadcast_in_dim3A_495 = vector.broadcast %jit3A_493 : i32 to vector<16xi32>
        %broadcast_in_dim3A_496 = vector.broadcast %jit3A_494 : i32 to vector<16xi32>
        %select_n3A_497 = arith.select %eq3A_492, %broadcast_in_dim3A_495, %broadcast_in_dim3A_496 : vector<16xi1>, vector<16xi32>
        %broadcast_in_dim3A_498 = arith.constant true
        %broadcast_in_dim3A_499 = vector.broadcast %broadcast_in_dim3A_498 : i1 to vector<16xi1>
        %masked_cumsum3A_500 = tpu.scan <sum>, %select_n3A_497 masked %broadcast_in_dim3A_499 : vector<16xi32>, vector<16xi1> -> vector<16xi32>
        %sub3A_501 = arith.subi %masked_cumsum3A_500, %select_n3A_497 : vector<16xi32>
        %eq3A_502 = arith.constant 1 : i32
        %eq3A_503 = vector.broadcast %eq3A_502 : i32 to vector<16xi32>
        %eq3A_504 = arith.cmpi eq, %get3A_487, %eq3A_503 : vector<16xi32>
        %all_reduce_population_count3A_505 = tpu.all_reduce %eq3A_504 {dim = 0 : i64, kind = #tpu.reduction_kind<sum>} : vector<16xi1> -> vector<16xi32>
        %eq3A_506 = arith.constant 1 : i32
        %eq3A_507 = vector.broadcast %eq3A_506 : i32 to vector<16xi32>
        %eq3A_508 = arith.cmpi eq, %select_n3A_497, %eq3A_507 : vector<16xi32>
        %add3A_509 = arith.addi %add3A_479, %sub3A_501 : vector<16xi32>
        %mul3A_510 = arith.constant 16 : i32
        %mul3A_511 = arith.muli %add3A_483, %mul3A_510 : i32
        %add3A_512 = arith.constant 1024 : i32
        %add3A_513 = arith.addi %add3A_512, %mul3A_511 : i32
        %add3A_514 = vector.broadcast %add3A_513 : i32 to vector<16xi32>
        %add3A_515 = arith.addi %add3A_514, %iota3A : vector<16xi32>
        %sub3A_516 = arith.subi %add3A_515, %add3A_479 : vector<16xi32>
        %sub3A_517 = arith.subi %sub3A_516, %sub3A_501 : vector<16xi32>
        %select_n3A_518 = arith.select %eq3A_508, %add3A_509, %sub3A_517 : vector<16xi1>, vector<16xi32>
        tpu.vector_store_idx %arg8[%select_n3A_518], %get3A_489 : memref<2048xf32, #tpu.memory_space<vmem>>[vector<16xi32>], vector<16xf32>,
        %add3A_519 = arith.addi %add3A_479, %all_reduce_population_count3A_505 : vector<16xi32>
        %mul3A_520 = arith.constant 8 : i32
        %mul3A_521 = arith.muli %scan3A_241, %mul3A_520 : i32
        %add3A_522 = arith.constant 7 : i32
        %add3A_523 = arith.addi %mul3A_521, %add3A_522 : i32
        %mul3A_524 = arith.constant 16 : i32
        %mul3A_525 = arith.muli %add3A_523, %mul3A_524 : i32
        %get3A_526 = arith.index_cast %mul3A_525 : i32 to index
        %get3A_527 = tpu.vector_load %arg7[%get3A_526] {strides = array<i32>} : memref<1024xi32, #tpu.memory_space<vmem>>, vector<16xi32>,
        %get3A_528 = arith.index_cast %mul3A_525 : i32 to index
        %get3A_529 = tpu.vector_load %arg6[%get3A_528] {strides = array<i32>} : memref<1024xf32, #tpu.memory_space<vmem>>, vector<16xf32>,
        %eq3A_530 = arith.constant 1 : i32
        %eq3A_531 = vector.broadcast %eq3A_530 : i32 to vector<16xi32>
        %eq3A_532 = arith.cmpi eq, %get3A_527, %eq3A_531 : vector<16xi32>
        %jit3A_533 = arith.constant 1 : i32
        %jit3A_534 = arith.constant 0 : i32
        %broadcast_in_dim3A_535 = vector.broadcast %jit3A_533 : i32 to vector<16xi32>
        %broadcast_in_dim3A_536 = vector.broadcast %jit3A_534 : i32 to vector<16xi32>
        %select_n3A_537 = arith.select %eq3A_532, %broadcast_in_dim3A_535, %broadcast_in_dim3A_536 : vector<16xi1>, vector<16xi32>
        %broadcast_in_dim3A_538 = arith.constant true
        %broadcast_in_dim3A_539 = vector.broadcast %broadcast_in_dim3A_538 : i1 to vector<16xi1>
        %masked_cumsum3A_540 = tpu.scan <sum>, %select_n3A_537 masked %broadcast_in_dim3A_539 : vector<16xi32>, vector<16xi1> -> vector<16xi32>
        %sub3A_541 = arith.subi %masked_cumsum3A_540, %select_n3A_537 : vector<16xi32>
        %eq3A_542 = arith.constant 1 : i32
        %eq3A_543 = vector.broadcast %eq3A_542 : i32 to vector<16xi32>
        %eq3A_544 = arith.cmpi eq, %get3A_527, %eq3A_543 : vector<16xi32>
        %all_reduce_population_count3A_545 = tpu.all_reduce %eq3A_544 {dim = 0 : i64, kind = #tpu.reduction_kind<sum>} : vector<16xi1> -> vector<16xi32>
        %eq3A_546 = arith.constant 1 : i32
        %eq3A_547 = vector.broadcast %eq3A_546 : i32 to vector<16xi32>
        %eq3A_548 = arith.cmpi eq, %select_n3A_537, %eq3A_547 : vector<16xi32>
        %add3A_549 = arith.addi %add3A_519, %sub3A_541 : vector<16xi32>
        %mul3A_550 = arith.constant 16 : i32
        %mul3A_551 = arith.muli %add3A_523, %mul3A_550 : i32
        %add3A_552 = arith.constant 1024 : i32
        %add3A_553 = arith.addi %add3A_552, %mul3A_551 : i32
        %add3A_554 = vector.broadcast %add3A_553 : i32 to vector<16xi32>
        %add3A_555 = arith.addi %add3A_554, %iota3A : vector<16xi32>
        %sub3A_556 = arith.subi %add3A_555, %add3A_519 : vector<16xi32>
        %sub3A_557 = arith.subi %sub3A_556, %sub3A_541 : vector<16xi32>
        %select_n3A_558 = arith.select %eq3A_548, %add3A_549, %sub3A_557 : vector<16xi1>, vector<16xi32>
        tpu.vector_store_idx %arg8[%select_n3A_558], %get3A_529 : memref<2048xf32, #tpu.memory_space<vmem>>[vector<16xi32>], vector<16xf32>,
        %add3A_559 = arith.addi %add3A_519, %all_reduce_population_count3A_545 : vector<16xi32>
        scf.yield %add3A_559 : vector<16xi32>
      }
      %scan3A_20 = arith.constant 8 : i32
      %mul3A_21 = arith.constant 2 : i32
      %mul3A_22 = arith.muli %arg1, %mul3A_21 : i32
      %mul3A_23 = arith.constant 1024 : i32
      %mul3A_24 = arith.muli %mul3A_22, %mul3A_23 : i32
      "tpu.region"() ({
        %run_scoped3A = tpu.sem_alloc : memref<!tpu.dma_semaphore, #tpu.memory_space<semaphore_mem>>
        %dma_start3A_241 = tpu.memref_slice %arg25[%mul3A_24] : memref<32768xf32, #tpu.memory_space<vmem_shared>> -> memref<2048xf32, #tpu.memory_space<vmem_shared>>
        %dma_start3A_242 = tpu.memref_slice %arg25[%mul3A_24] : memref<32768xf32, #tpu.memory_space<vmem_shared>> -> memref<2048xf32, #tpu.memory_space<vmem_shared>>
        tpu.enqueue_dma source(%arg8 : memref<2048xf32, #tpu.memory_space<vmem>>) target(%dma_start3A_242 : memref<2048xf32, #tpu.memory_space<vmem_shared>>) target_semaphore(%run_scoped3A : memref<!tpu.dma_semaphore, #tpu.memory_space<semaphore_mem>>)
        %dma_wait3A_243 = tpu.memref_slice %arg25[%mul3A_24] : memref<32768xf32, #tpu.memory_space<vmem_shared>> -> memref<2048xf32, #tpu.memory_space<vmem_shared>>
        %dma_wait3A_244 = tpu.memref_slice %arg25[%mul3A_24] : memref<32768xf32, #tpu.memory_space<vmem_shared>> -> memref<2048xf32, #tpu.memory_space<vmem_shared>>
        tpu.wait_dma2 semaphore(%run_scoped3A : memref<!tpu.dma_semaphore, #tpu.memory_space<semaphore_mem>>) src(%arg8 : memref<2048xf32, #tpu.memory_space<vmem>>) dst(%dma_wait3A_244 : memref<2048xf32, #tpu.memory_space<vmem_shared>>)
        tpu.yield
      }) : () -> ()
      %swap3A = arith.constant 0 : index
      %swap3A_25 = tpu.vector_load %arg9[%swap3A] {strides = array<i32>} : memref<16xi32, #tpu.memory_space<vmem>>, vector<16xi32>,
      tpu.vector_store %arg9[%swap3A], %scan3A_19 {strides = array<i32>} : memref<16xi32, #tpu.memory_space<vmem>>, vector<16xi32>,
      "tpu.region"() ({
        %run_scoped3A = tpu.sem_alloc : memref<!tpu.dma_semaphore, #tpu.memory_space<semaphore_mem>>
        %dma_start3A_241 = arith.constant 0 : i32
        %dma_start3A_242 = tpu.memref_slice %arg26[%arg1, %dma_start3A_241] : memref<16x16xi32, #tpu.memory_space<vmem_shared>> -> memref<1x16xi32, #tpu.memory_space<vmem_shared>>
        %dma_start3A_243 = tpu.memref_squeeze %dma_start3A_242 : memref<1x16xi32, #tpu.memory_space<vmem_shared>> -> memref<16xi32, #tpu.memory_space<vmem_shared>>
        %dma_start3A_244 = arith.constant 0 : i32
        %dma_start3A_245 = tpu.memref_slice %arg26[%arg1, %dma_start3A_244] : memref<16x16xi32, #tpu.memory_space<vmem_shared>> -> memref<1x16xi32, #tpu.memory_space<vmem_shared>>
        %dma_start3A_246 = tpu.memref_squeeze %dma_start3A_245 : memref<1x16xi32, #tpu.memory_space<vmem_shared>> -> memref<16xi32, #tpu.memory_space<vmem_shared>>
        tpu.enqueue_dma source(%arg9 : memref<16xi32, #tpu.memory_space<vmem>>) target(%dma_start3A_246 : memref<16xi32, #tpu.memory_space<vmem_shared>>) target_semaphore(%run_scoped3A : memref<!tpu.dma_semaphore, #tpu.memory_space<semaphore_mem>>)
        %dma_wait3A_247 = arith.constant 0 : i32
        %dma_wait3A_248 = tpu.memref_slice %arg26[%arg1, %dma_wait3A_247] : memref<16x16xi32, #tpu.memory_space<vmem_shared>> -> memref<1x16xi32, #tpu.memory_space<vmem_shared>>
        %dma_wait3A_249 = tpu.memref_squeeze %dma_wait3A_248 : memref<1x16xi32, #tpu.memory_space<vmem_shared>> -> memref<16xi32, #tpu.memory_space<vmem_shared>>
        %dma_wait3A_250 = arith.constant 0 : i32
        %dma_wait3A_251 = tpu.memref_slice %arg26[%arg1, %dma_wait3A_250] : memref<16x16xi32, #tpu.memory_space<vmem_shared>> -> memref<1x16xi32, #tpu.memory_space<vmem_shared>>
        %dma_wait3A_252 = tpu.memref_squeeze %dma_wait3A_251 : memref<1x16xi32, #tpu.memory_space<vmem_shared>> -> memref<16xi32, #tpu.memory_space<vmem_shared>>
        tpu.wait_dma2 semaphore(%run_scoped3A : memref<!tpu.dma_semaphore, #tpu.memory_space<semaphore_mem>>) src(%arg9 : memref<16xi32, #tpu.memory_space<vmem>>) dst(%dma_wait3A_252 : memref<16xi32, #tpu.memory_space<vmem_shared>>)
        tpu.yield
      }) : () -> ()
      %barrier3A = arith.constant 0 : index
      tpu.barrier barrier_id(%barrier3A)
      tpu.enqueue_dma source(%arg25 : memref<32768xf32, #tpu.memory_space<vmem_shared>>) target(%arg17 : memref<32768xf32, #tpu.memory_space<vmem>>) target_semaphore(%arg23 : memref<!tpu.dma_semaphore, #tpu.memory_space<semaphore_mem>>)
      "tpu.region"() ({
        %run_scoped3A = tpu.sem_alloc : memref<!tpu.dma_semaphore, #tpu.memory_space<semaphore_mem>>
        tpu.enqueue_dma source(%arg26 : memref<16x16xi32, #tpu.memory_space<vmem_shared>>) target(%arg11 : memref<16x16xi32, #tpu.memory_space<vmem>>) target_semaphore(%run_scoped3A : memref<!tpu.dma_semaphore, #tpu.memory_space<semaphore_mem>>)
        tpu.wait_dma2 semaphore(%run_scoped3A : memref<!tpu.dma_semaphore, #tpu.memory_space<semaphore_mem>>) src(%arg26 : memref<16x16xi32, #tpu.memory_space<vmem_shared>>) dst(%arg11 : memref<16x16xi32, #tpu.memory_space<vmem>>)
        tpu.yield
      }) : () -> ()
      %mul3A_26 = arith.constant 0 : i32
      %mul3A_27 = vector.broadcast %mul3A_26 : i32 to vector<16xi32>
      %mul3A_28 = arith.muli %iota3A, %mul3A_27 : vector<16xi32>
      %gather3A = tpu.vector_load_idx %arg11[%iota3A, %mul3A_28] : memref<16x16xi32, #tpu.memory_space<vmem>>[vector<16xi32>, vector<16xi32>], vector<16xi32>,
      %broadcast_in_dim3A_29 = arith.constant true
      %broadcast_in_dim3A_30 = vector.broadcast %broadcast_in_dim3A_29 : i1 to vector<16xi1>
      %masked_cumsum3A = tpu.scan <sum>, %gather3A masked %broadcast_in_dim3A_30 : vector<16xi32>, vector<16xi1> -> vector<16xi32>
      %sub3A = arith.subi %masked_cumsum3A, %gather3A : vector<16xi32>
      %sub3A_31 = arith.constant 1024 : i32
      %sub3A_32 = vector.broadcast %sub3A_31 : i32 to vector<16xi32>
      %sub3A_33 = arith.subi %sub3A_32, %gather3A : vector<16xi32>
      %broadcast_in_dim3A_34 = arith.constant true
      %broadcast_in_dim3A_35 = vector.broadcast %broadcast_in_dim3A_34 : i1 to vector<16xi1>
      %masked_cumsum3A_36 = tpu.scan <sum>, %sub3A_33 masked %broadcast_in_dim3A_35 : vector<16xi32>, vector<16xi1> -> vector<16xi32>
      %sub3A_37 = arith.subi %masked_cumsum3A_36, %sub3A_33 : vector<16xi32>
      %swap3A_38 = arith.constant 0 : index
      %swap3A_39 = tpu.vector_load %arg12[%swap3A_38] {strides = array<i32>} : memref<16xi32, #tpu.memory_space<vmem>>, vector<16xi32>,
      tpu.vector_store %arg12[%swap3A_38], %masked_cumsum3A {strides = array<i32>} : memref<16xi32, #tpu.memory_space<vmem>>, vector<16xi32>,
      %swap3A_40 = arith.constant 0 : index
      %swap3A_41 = tpu.vector_load %arg13[%swap3A_40] {strides = array<i32>} : memref<16xi32, #tpu.memory_space<vmem>>, vector<16xi32>,
      tpu.vector_store %arg13[%swap3A_40], %sub3A {strides = array<i32>} : memref<16xi32, #tpu.memory_space<vmem>>, vector<16xi32>,
      %swap3A_42 = arith.constant 0 : index
      %swap3A_43 = tpu.vector_load %arg14[%swap3A_42] {strides = array<i32>} : memref<16xi32, #tpu.memory_space<vmem>>, vector<16xi32>,
      tpu.vector_store %arg14[%swap3A_42], %masked_cumsum3A_36 {strides = array<i32>} : memref<16xi32, #tpu.memory_space<vmem>>, vector<16xi32>,
      %swap3A_44 = arith.constant 0 : index
      %swap3A_45 = tpu.vector_load %arg15[%swap3A_44] {strides = array<i32>} : memref<16xi32, #tpu.memory_space<vmem>>, vector<16xi32>,
      tpu.vector_store %arg15[%swap3A_44], %sub3A_37 {strides = array<i32>} : memref<16xi32, #tpu.memory_space<vmem>>, vector<16xi32>,
      %slice3A = vector.extract_strided_slice %masked_cumsum3A {offsets = [15], sizes = [1], strides = [1]} : vector<16xi32> to vector<1xi32>
      %squeeze3A = vector.extract %slice3A[0] : i32 from vector<1xi32>
      %sub3A_46 = arith.constant 16384 : i32
      %sub3A_47 = arith.subi %sub3A_46, %squeeze3A : i32
      %dma_wait3A_48 = tpu.memref_slice %arg4[%mul3A_4] : memref<32768xi32, #tpu.memory_space<hbm>> -> memref<2048xi32, #tpu.memory_space<hbm>>
      %dma_wait3A_49 = tpu.memref_slice %arg4[%mul3A_4] : memref<32768xi32, #tpu.memory_space<hbm>> -> memref<2048xi32, #tpu.memory_space<hbm>>
      tpu.wait_dma2 semaphore(%arg22 : memref<!tpu.dma_semaphore, #tpu.memory_space<semaphore_mem>>) src(%dma_wait3A_49 : memref<2048xi32, #tpu.memory_space<hbm>>) dst(%arg10 : memref<2048xi32, #tpu.memory_space<vmem>>)
      %mul3A_50 = arith.constant 0 : i32
      %mul3A_51 = vector.broadcast %mul3A_50 : i32 to vector<16xi32>
      %mul3A_52 = arith.muli %iota3A, %mul3A_51 : vector<16xi32>
      %max3A = arith.constant 1 : i32
      %max3A_53 = arith.maxsi %squeeze3A, %max3A : i32
      %add3A = vector.broadcast %max3A_53 : i32 to vector<16xi32>
      %add3A_54 = arith.addi %mul3A_52, %add3A : vector<16xi32>
      %mul3A_55 = arith.constant 0 : i32
      %mul3A_56 = vector.broadcast %mul3A_55 : i32 to vector<16xi32>
      %mul3A_57 = arith.muli %iota3A, %mul3A_56 : vector<16xi32>
      %max3A_58 = arith.constant 1 : i32
      %max3A_59 = arith.maxsi %sub3A_47, %max3A_58 : i32
      %add3A_60 = vector.broadcast %max3A_59 : i32 to vector<16xi32>
      %add3A_61 = arith.addi %mul3A_57, %add3A_60 : vector<16xi32>
      %convert_element_type3A_62 = arith.sitofp %add3A_54 : vector<16xi32> to vector<16xf32>
      %div3A = arith.constant 1.000000e+00 : f32
      %div3A_63 = vector.broadcast %div3A : f32 to vector<16xf32>
      %div3A_64 = arith.divf %div3A_63, %convert_element_type3A_62 : vector<16xf32>
      %convert_element_type3A_65 = arith.sitofp %add3A_61 : vector<16xi32> to vector<16xf32>
      %div3A_66 = arith.constant 1.000000e+00 : f32
      %div3A_67 = vector.broadcast %div3A_66 : f32 to vector<16xf32>
      %div3A_68 = arith.divf %div3A_67, %convert_element_type3A_65 : vector<16xf32>
      %broadcast_in_dim3A_69 = arith.constant 65536 : i32
      %broadcast_in_dim3A_70 = vector.broadcast %broadcast_in_dim3A_69 : i32 to vector<16xi32>
      %convert_element_type3A_71 = arith.sitofp %broadcast_in_dim3A_70 : vector<16xi32> to vector<16xf32>
      %mul3A_72 = arith.mulf %convert_element_type3A_71, %div3A_64 : vector<16xf32>
      %convert_element_type3A_73 = arith.fptosi %mul3A_72 : vector<16xf32> to vector<16xi32>
      %mul3A_74 = arith.muli %convert_element_type3A_73, %add3A_54 : vector<16xi32>
      %sub3A_75 = arith.subi %broadcast_in_dim3A_70, %mul3A_74 : vector<16xi32>
      %convert_element_type3A_76 = arith.sitofp %sub3A_75 : vector<16xi32> to vector<16xf32>
      %mul3A_77 = arith.mulf %convert_element_type3A_76, %div3A_64 : vector<16xf32>
      %convert_element_type3A_78 = arith.fptosi %mul3A_77 : vector<16xf32> to vector<16xi32>
      %mul3A_79 = arith.muli %convert_element_type3A_78, %add3A_54 : vector<16xi32>
      %sub3A_80 = arith.subi %sub3A_75, %mul3A_79 : vector<16xi32>
      %ge3A = arith.cmpi sge, %sub3A_80, %add3A_54 : vector<16xi32>
      %sub3A_81 = arith.subi %sub3A_80, %add3A_54 : vector<16xi32>
      %select_n3A = arith.select %ge3A, %sub3A_81, %sub3A_80 : vector<16xi1>, vector<16xi32>
      %lt3A = arith.constant 0 : i32
      %lt3A_82 = vector.broadcast %lt3A : i32 to vector<16xi32>
      %lt3A_83 = arith.cmpi slt, %select_n3A, %lt3A_82 : vector<16xi32>
      %add3A_84 = arith.addi %select_n3A, %add3A_54 : vector<16xi32>
      %select_n3A_85 = arith.select %lt3A_83, %add3A_84, %select_n3A : vector<16xi1>, vector<16xi32>
      %lt3A_86 = arith.constant 0 : i32
      %lt3A_87 = vector.broadcast %lt3A_86 : i32 to vector<16xi32>
      %lt3A_88 = arith.cmpi slt, %select_n3A_85, %lt3A_87 : vector<16xi32>
      %add3A_89 = arith.addi %select_n3A_85, %add3A_54 : vector<16xi32>
      %select_n3A_90 = arith.select %lt3A_88, %add3A_89, %select_n3A_85 : vector<16xi1>, vector<16xi32>
      %mul3A_91 = arith.muli %select_n3A_90, %select_n3A_90 : vector<16xi32>
      %convert_element_type3A_92 = arith.sitofp %mul3A_91 : vector<16xi32> to vector<16xf32>
      %mul3A_93 = arith.mulf %convert_element_type3A_92, %div3A_64 : vector<16xf32>
      %convert_element_type3A_94 = arith.fptosi %mul3A_93 : vector<16xf32> to vector<16xi32>
      %mul3A_95 = arith.muli %convert_element_type3A_94, %add3A_54 : vector<16xi32>
      %sub3A_96 = arith.subi %mul3A_91, %mul3A_95 : vector<16xi32>
      %convert_element_type3A_97 = arith.sitofp %sub3A_96 : vector<16xi32> to vector<16xf32>
      %mul3A_98 = arith.mulf %convert_element_type3A_97, %div3A_64 : vector<16xf32>
      %convert_element_type3A_99 = arith.fptosi %mul3A_98 : vector<16xf32> to vector<16xi32>
      %mul3A_100 = arith.muli %convert_element_type3A_99, %add3A_54 : vector<16xi32>
      %sub3A_101 = arith.subi %sub3A_96, %mul3A_100 : vector<16xi32>
      %ge3A_102 = arith.cmpi sge, %sub3A_101, %add3A_54 : vector<16xi32>
      %sub3A_103 = arith.subi %sub3A_101, %add3A_54 : vector<16xi32>
      %select_n3A_104 = arith.select %ge3A_102, %sub3A_103, %sub3A_101 : vector<16xi1>, vector<16xi32>
      %lt3A_105 = arith.constant 0 : i32
      %lt3A_106 = vector.broadcast %lt3A_105 : i32 to vector<16xi32>
      %lt3A_107 = arith.cmpi slt, %select_n3A_104, %lt3A_106 : vector<16xi32>
      %add3A_108 = arith.addi %select_n3A_104, %add3A_54 : vector<16xi32>
      %select_n3A_109 = arith.select %lt3A_107, %add3A_108, %select_n3A_104 : vector<16xi1>, vector<16xi32>
      %lt3A_110 = arith.constant 0 : i32
      %lt3A_111 = vector.broadcast %lt3A_110 : i32 to vector<16xi32>
      %lt3A_112 = arith.cmpi slt, %select_n3A_109, %lt3A_111 : vector<16xi32>
      %add3A_113 = arith.addi %select_n3A_109, %add3A_54 : vector<16xi32>
      %select_n3A_114 = arith.select %lt3A_112, %add3A_113, %select_n3A_109 : vector<16xi1>, vector<16xi32>
      %shift_left3A = arith.constant 16 : i32
      %shift_left3A_115 = vector.broadcast %shift_left3A : i32 to vector<16xi32>
      %shift_left3A_116 = arith.shli %select_n3A_114, %shift_left3A_115 : vector<16xi32>
      %convert_element_type3A_117 = arith.sitofp %shift_left3A_116 : vector<16xi32> to vector<16xf32>
      %mul3A_118 = arith.mulf %convert_element_type3A_117, %div3A_64 : vector<16xf32>
      %convert_element_type3A_119 = arith.fptosi %mul3A_118 : vector<16xf32> to vector<16xi32>
      %mul3A_120 = arith.muli %convert_element_type3A_119, %add3A_54 : vector<16xi32>
      %sub3A_121 = arith.subi %shift_left3A_116, %mul3A_120 : vector<16xi32>
      %convert_element_type3A_122 = arith.sitofp %sub3A_121 : vector<16xi32> to vector<16xf32>
      %mul3A_123 = arith.mulf %convert_element_type3A_122, %div3A_64 : vector<16xf32>
      %convert_element_type3A_124 = arith.fptosi %mul3A_123 : vector<16xf32> to vector<16xi32>
      %mul3A_125 = arith.muli %convert_element_type3A_124, %add3A_54 : vector<16xi32>
      %sub3A_126 = arith.subi %sub3A_121, %mul3A_125 : vector<16xi32>
      %ge3A_127 = arith.cmpi sge, %sub3A_126, %add3A_54 : vector<16xi32>
      %sub3A_128 = arith.subi %sub3A_126, %add3A_54 : vector<16xi32>
      %select_n3A_129 = arith.select %ge3A_127, %sub3A_128, %sub3A_126 : vector<16xi1>, vector<16xi32>
      %lt3A_130 = arith.constant 0 : i32
      %lt3A_131 = vector.broadcast %lt3A_130 : i32 to vector<16xi32>
      %lt3A_132 = arith.cmpi slt, %select_n3A_129, %lt3A_131 : vector<16xi32>
      %add3A_133 = arith.addi %select_n3A_129, %add3A_54 : vector<16xi32>
      %select_n3A_134 = arith.select %lt3A_132, %add3A_133, %select_n3A_129 : vector<16xi1>, vector<16xi32>
      %lt3A_135 = arith.constant 0 : i32
      %lt3A_136 = vector.broadcast %lt3A_135 : i32 to vector<16xi32>
      %lt3A_137 = arith.cmpi slt, %select_n3A_134, %lt3A_136 : vector<16xi32>
      %add3A_138 = arith.addi %select_n3A_134, %add3A_54 : vector<16xi32>
      %select_n3A_139 = arith.select %lt3A_137, %add3A_138, %select_n3A_134 : vector<16xi1>, vector<16xi32>
      %convert_element_type3A_140 = arith.sitofp %broadcast_in_dim3A_70 : vector<16xi32> to vector<16xf32>
      %mul3A_141 = arith.mulf %convert_element_type3A_140, %div3A_68 : vector<16xf32>
      %convert_element_type3A_142 = arith.fptosi %mul3A_141 : vector<16xf32> to vector<16xi32>
      %mul3A_143 = arith.muli %convert_element_type3A_142, %add3A_61 : vector<16xi32>
      %sub3A_144 = arith.subi %broadcast_in_dim3A_70, %mul3A_143 : vector<16xi32>
      %convert_element_type3A_145 = arith.sitofp %sub3A_144 : vector<16xi32> to vector<16xf32>
      %mul3A_146 = arith.mulf %convert_element_type3A_145, %div3A_68 : vector<16xf32>
      %convert_element_type3A_147 = arith.fptosi %mul3A_146 : vector<16xf32> to vector<16xi32>
      %mul3A_148 = arith.muli %convert_element_type3A_147, %add3A_61 : vector<16xi32>
      %sub3A_149 = arith.subi %sub3A_144, %mul3A_148 : vector<16xi32>
      %ge3A_150 = arith.cmpi sge, %sub3A_149, %add3A_61 : vector<16xi32>
      %sub3A_151 = arith.subi %sub3A_149, %add3A_61 : vector<16xi32>
      %select_n3A_152 = arith.select %ge3A_150, %sub3A_151, %sub3A_149 : vector<16xi1>, vector<16xi32>
      %lt3A_153 = arith.constant 0 : i32
      %lt3A_154 = vector.broadcast %lt3A_153 : i32 to vector<16xi32>
      %lt3A_155 = arith.cmpi slt, %select_n3A_152, %lt3A_154 : vector<16xi32>
      %add3A_156 = arith.addi %select_n3A_152, %add3A_61 : vector<16xi32>
      %select_n3A_157 = arith.select %lt3A_155, %add3A_156, %select_n3A_152 : vector<16xi1>, vector<16xi32>
      %lt3A_158 = arith.constant 0 : i32
      %lt3A_159 = vector.broadcast %lt3A_158 : i32 to vector<16xi32>
      %lt3A_160 = arith.cmpi slt, %select_n3A_157, %lt3A_159 : vector<16xi32>
      %add3A_161 = arith.addi %select_n3A_157, %add3A_61 : vector<16xi32>
      %select_n3A_162 = arith.select %lt3A_160, %add3A_161, %select_n3A_157 : vector<16xi1>, vector<16xi32>
      %mul3A_163 = arith.muli %select_n3A_162, %select_n3A_162 : vector<16xi32>
      %convert_element_type3A_164 = arith.sitofp %mul3A_163 : vector<16xi32> to vector<16xf32>
      %mul3A_165 = arith.mulf %convert_element_type3A_164, %div3A_68 : vector<16xf32>
      %convert_element_type3A_166 = arith.fptosi %mul3A_165 : vector<16xf32> to vector<16xi32>
      %mul3A_167 = arith.muli %convert_element_type3A_166, %add3A_61 : vector<16xi32>
      %sub3A_168 = arith.subi %mul3A_163, %mul3A_167 : vector<16xi32>
      %convert_element_type3A_169 = arith.sitofp %sub3A_168 : vector<16xi32> to vector<16xf32>
      %mul3A_170 = arith.mulf %convert_element_type3A_169, %div3A_68 : vector<16xf32>
      %convert_element_type3A_171 = arith.fptosi %mul3A_170 : vector<16xf32> to vector<16xi32>
      %mul3A_172 = arith.muli %convert_element_type3A_171, %add3A_61 : vector<16xi32>
      %sub3A_173 = arith.subi %sub3A_168, %mul3A_172 : vector<16xi32>
      %ge3A_174 = arith.cmpi sge, %sub3A_173, %add3A_61 : vector<16xi32>
      %sub3A_175 = arith.subi %sub3A_173, %add3A_61 : vector<16xi32>
      %select_n3A_176 = arith.select %ge3A_174, %sub3A_175, %sub3A_173 : vector<16xi1>, vector<16xi32>
      %lt3A_177 = arith.constant 0 : i32
      %lt3A_178 = vector.broadcast %lt3A_177 : i32 to vector<16xi32>
      %lt3A_179 = arith.cmpi slt, %select_n3A_176, %lt3A_178 : vector<16xi32>
      %add3A_180 = arith.addi %select_n3A_176, %add3A_61 : vector<16xi32>
      %select_n3A_181 = arith.select %lt3A_179, %add3A_180, %select_n3A_176 : vector<16xi1>, vector<16xi32>
      %lt3A_182 = arith.constant 0 : i32
      %lt3A_183 = vector.broadcast %lt3A_182 : i32 to vector<16xi32>
      %lt3A_184 = arith.cmpi slt, %select_n3A_181, %lt3A_183 : vector<16xi32>
      %add3A_185 = arith.addi %select_n3A_181, %add3A_61 : vector<16xi32>
      %select_n3A_186 = arith.select %lt3A_184, %add3A_185, %select_n3A_181 : vector<16xi1>, vector<16xi32>
      %shift_left3A_187 = arith.constant 16 : i32
      %shift_left3A_188 = vector.broadcast %shift_left3A_187 : i32 to vector<16xi32>
      %shift_left3A_189 = arith.shli %select_n3A_186, %shift_left3A_188 : vector<16xi32>
      %convert_element_type3A_190 = arith.sitofp %shift_left3A_189 : vector<16xi32> to vector<16xf32>
      %mul3A_191 = arith.mulf %convert_element_type3A_190, %div3A_68 : vector<16xf32>
      %convert_element_type3A_192 = arith.fptosi %mul3A_191 : vector<16xf32> to vector<16xi32>
      %mul3A_193 = arith.muli %convert_element_type3A_192, %add3A_61 : vector<16xi32>
      %sub3A_194 = arith.subi %shift_left3A_189, %mul3A_193 : vector<16xi32>
      %convert_element_type3A_195 = arith.sitofp %sub3A_194 : vector<16xi32> to vector<16xf32>
      %mul3A_196 = arith.mulf %convert_element_type3A_195, %div3A_68 : vector<16xf32>
      %convert_element_type3A_197 = arith.fptosi %mul3A_196 : vector<16xf32> to vector<16xi32>
      %mul3A_198 = arith.muli %convert_element_type3A_197, %add3A_61 : vector<16xi32>
      %sub3A_199 = arith.subi %sub3A_194, %mul3A_198 : vector<16xi32>
      %ge3A_200 = arith.cmpi sge, %sub3A_199, %add3A_61 : vector<16xi32>
      %sub3A_201 = arith.subi %sub3A_199, %add3A_61 : vector<16xi32>
      %select_n3A_202 = arith.select %ge3A_200, %sub3A_201, %sub3A_199 : vector<16xi1>, vector<16xi32>
      %lt3A_203 = arith.constant 0 : i32
      %lt3A_204 = vector.broadcast %lt3A_203 : i32 to vector<16xi32>
      %lt3A_205 = arith.cmpi slt, %select_n3A_202, %lt3A_204 : vector<16xi32>
      %add3A_206 = arith.addi %select_n3A_202, %add3A_61 : vector<16xi32>
      %select_n3A_207 = arith.select %lt3A_205, %add3A_206, %select_n3A_202 : vector<16xi1>, vector<16xi32>
      %lt3A_208 = arith.constant 0 : i32
      %lt3A_209 = vector.broadcast %lt3A_208 : i32 to vector<16xi32>
      %lt3A_210 = arith.cmpi slt, %select_n3A_207, %lt3A_209 : vector<16xi32>
      %add3A_211 = arith.addi %select_n3A_207, %add3A_61 : vector<16xi32>
      %select_n3A_212 = arith.select %lt3A_210, %add3A_211, %select_n3A_207 : vector<16xi1>, vector<16xi32>
      %scan3A_213 = arith.constant 0 : i32
      %scan3A_214 = arith.constant 0 : i32
      %scan3A_215 = arith.constant 8 : i32
      %scan3A_216 = arith.addi %scan3A_214, %scan3A_215 : i32
      %scan3A_217 = arith.constant 1 : i32
      scf.for %scan3A_241 = %scan3A_214 to %scan3A_216 step %scan3A_217  : i32 {
        %mul3A_242 = arith.constant 4 : i32
        %mul3A_243 = arith.muli %scan3A_241, %mul3A_242 : i32
        %add3A_244 = arith.constant 0 : i32
        %add3A_245 = arith.addi %mul3A_243, %add3A_244 : i32
        %mul3A_246 = arith.constant 16 : i32
        %mul3A_247 = arith.muli %add3A_245, %mul3A_246 : i32
        %get3A = arith.index_cast %mul3A_247 : i32 to index
        %get3A_248 = tpu.vector_load %arg10[%get3A] {strides = array<i32>} : memref<2048xi32, #tpu.memory_space<vmem>>, vector<16xi32>,
        %mul3A_249 = arith.constant 16 : i32
        %mul3A_250 = arith.muli %add3A_245, %mul3A_249 : i32
        %add3A_251 = arith.constant 512 : i32
        %add3A_252 = arith.addi %add3A_251, %mul3A_250 : i32
        %get3A_253 = arith.index_cast %add3A_252 : i32 to index
        %get3A_254 = tpu.vector_load %arg10[%get3A_253] {strides = array<i32>} : memref<2048xi32, #tpu.memory_space<vmem>>, vector<16xi32>,
        %shift_right_logical3A = arith.constant 16 : i32
        %shift_right_logical3A_255 = vector.broadcast %shift_right_logical3A : i32 to vector<16xi32>
        %shift_right_logical3A_256 = arith.shrui %get3A_248, %shift_right_logical3A_255 : vector<16xi32>
        %and3A = arith.constant 65535 : i32
        %and3A_257 = vector.broadcast %and3A : i32 to vector<16xi32>
        %and3A_258 = arith.andi %get3A_248, %and3A_257 : vector<16xi32>
        %shift_right_logical3A_259 = arith.constant 16 : i32
        %shift_right_logical3A_260 = vector.broadcast %shift_right_logical3A_259 : i32 to vector<16xi32>
        %shift_right_logical3A_261 = arith.shrui %get3A_254, %shift_right_logical3A_260 : vector<16xi32>
        %and3A_262 = arith.constant 65535 : i32
        %and3A_263 = vector.broadcast %and3A_262 : i32 to vector<16xi32>
        %and3A_264 = arith.andi %get3A_254, %and3A_263 : vector<16xi32>
        %mul3A_265 = arith.muli %shift_right_logical3A_256, %select_n3A_139 : vector<16xi32>
        %mul3A_266 = arith.muli %and3A_258, %select_n3A_114 : vector<16xi32>
        %add3A_267 = arith.addi %mul3A_265, %mul3A_266 : vector<16xi32>
        %convert_element_type3A_268 = arith.sitofp %add3A_267 : vector<16xi32> to vector<16xf32>
        %mul3A_269 = arith.mulf %convert_element_type3A_268, %div3A_64 : vector<16xf32>
        %convert_element_type3A_270 = arith.fptosi %mul3A_269 : vector<16xf32> to vector<16xi32>
        %mul3A_271 = arith.muli %convert_element_type3A_270, %add3A_54 : vector<16xi32>
        %sub3A_272 = arith.subi %add3A_267, %mul3A_271 : vector<16xi32>
        %convert_element_type3A_273 = arith.sitofp %sub3A_272 : vector<16xi32> to vector<16xf32>
        %mul3A_274 = arith.mulf %convert_element_type3A_273, %div3A_64 : vector<16xf32>
        %convert_element_type3A_275 = arith.fptosi %mul3A_274 : vector<16xf32> to vector<16xi32>
        %mul3A_276 = arith.muli %convert_element_type3A_275, %add3A_54 : vector<16xi32>
        %sub3A_277 = arith.subi %sub3A_272, %mul3A_276 : vector<16xi32>
        %ge3A_278 = arith.cmpi sge, %sub3A_277, %add3A_54 : vector<16xi32>
        %sub3A_279 = arith.subi %sub3A_277, %add3A_54 : vector<16xi32>
        %select_n3A_280 = arith.select %ge3A_278, %sub3A_279, %sub3A_277 : vector<16xi1>, vector<16xi32>
        %lt3A_281 = arith.constant 0 : i32
        %lt3A_282 = vector.broadcast %lt3A_281 : i32 to vector<16xi32>
        %lt3A_283 = arith.cmpi slt, %select_n3A_280, %lt3A_282 : vector<16xi32>
        %add3A_284 = arith.addi %select_n3A_280, %add3A_54 : vector<16xi32>
        %select_n3A_285 = arith.select %lt3A_283, %add3A_284, %select_n3A_280 : vector<16xi1>, vector<16xi32>
        %lt3A_286 = arith.constant 0 : i32
        %lt3A_287 = vector.broadcast %lt3A_286 : i32 to vector<16xi32>
        %lt3A_288 = arith.cmpi slt, %select_n3A_285, %lt3A_287 : vector<16xi32>
        %add3A_289 = arith.addi %select_n3A_285, %add3A_54 : vector<16xi32>
        %select_n3A_290 = arith.select %lt3A_288, %add3A_289, %select_n3A_285 : vector<16xi1>, vector<16xi32>
        %mul3A_291 = arith.muli %shift_right_logical3A_261, %select_n3A_90 : vector<16xi32>
        %add3A_292 = arith.addi %select_n3A_290, %mul3A_291 : vector<16xi32>
        %add3A_293 = arith.addi %add3A_292, %and3A_264 : vector<16xi32>
        %convert_element_type3A_294 = arith.sitofp %add3A_293 : vector<16xi32> to vector<16xf32>
        %mul3A_295 = arith.mulf %convert_element_type3A_294, %div3A_64 : vector<16xf32>
        %convert_element_type3A_296 = arith.fptosi %mul3A_295 : vector<16xf32> to vector<16xi32>
        %mul3A_297 = arith.muli %convert_element_type3A_296, %add3A_54 : vector<16xi32>
        %sub3A_298 = arith.subi %add3A_293, %mul3A_297 : vector<16xi32>
        %convert_element_type3A_299 = arith.sitofp %sub3A_298 : vector<16xi32> to vector<16xf32>
        %mul3A_300 = arith.mulf %convert_element_type3A_299, %div3A_64 : vector<16xf32>
        %convert_element_type3A_301 = arith.fptosi %mul3A_300 : vector<16xf32> to vector<16xi32>
        %mul3A_302 = arith.muli %convert_element_type3A_301, %add3A_54 : vector<16xi32>
        %sub3A_303 = arith.subi %sub3A_298, %mul3A_302 : vector<16xi32>
        %ge3A_304 = arith.cmpi sge, %sub3A_303, %add3A_54 : vector<16xi32>
        %sub3A_305 = arith.subi %sub3A_303, %add3A_54 : vector<16xi32>
        %select_n3A_306 = arith.select %ge3A_304, %sub3A_305, %sub3A_303 : vector<16xi1>, vector<16xi32>
        %lt3A_307 = arith.constant 0 : i32
        %lt3A_308 = vector.broadcast %lt3A_307 : i32 to vector<16xi32>
        %lt3A_309 = arith.cmpi slt, %select_n3A_306, %lt3A_308 : vector<16xi32>
        %add3A_310 = arith.addi %select_n3A_306, %add3A_54 : vector<16xi32>
        %select_n3A_311 = arith.select %lt3A_309, %add3A_310, %select_n3A_306 : vector<16xi1>, vector<16xi32>
        %lt3A_312 = arith.constant 0 : i32
        %lt3A_313 = vector.broadcast %lt3A_312 : i32 to vector<16xi32>
        %lt3A_314 = arith.cmpi slt, %select_n3A_311, %lt3A_313 : vector<16xi32>
        %add3A_315 = arith.addi %select_n3A_311, %add3A_54 : vector<16xi32>
        %select_n3A_316 = arith.select %lt3A_314, %add3A_315, %select_n3A_311 : vector<16xi1>, vector<16xi32>
        %max3A_317 = arith.constant 0 : i32
        %max3A_318 = vector.broadcast %max3A_317 : i32 to vector<16xi32>
        %max3A_319 = arith.maxsi %select_n3A_316, %max3A_318 : vector<16xi32>
        %sub3A_320 = arith.constant 1 : i32
        %sub3A_321 = vector.broadcast %sub3A_320 : i32 to vector<16xi32>
        %sub3A_322 = arith.subi %add3A_54, %sub3A_321 : vector<16xi32>
        %min3A = arith.minsi %max3A_319, %sub3A_322 : vector<16xi32>
        %mul3A_323 = arith.constant 16 : i32
        %mul3A_324 = arith.muli %add3A_245, %mul3A_323 : i32
        %add3A_325 = arith.constant 1024 : i32
        %add3A_326 = arith.addi %add3A_325, %mul3A_324 : i32
        %get3A_327 = arith.index_cast %add3A_326 : i32 to index
        %get3A_328 = tpu.vector_load %arg10[%get3A_327] {strides = array<i32>} : memref<2048xi32, #tpu.memory_space<vmem>>, vector<16xi32>,
        %mul3A_329 = arith.constant 16 : i32
        %mul3A_330 = arith.muli %add3A_245, %mul3A_329 : i32
        %add3A_331 = arith.constant 1536 : i32
        %add3A_332 = arith.addi %add3A_331, %mul3A_330 : i32
        %get3A_333 = arith.index_cast %add3A_332 : i32 to index
        %get3A_334 = tpu.vector_load %arg10[%get3A_333] {strides = array<i32>} : memref<2048xi32, #tpu.memory_space<vmem>>, vector<16xi32>,
        %shift_right_logical3A_335 = arith.constant 16 : i32
        %shift_right_logical3A_336 = vector.broadcast %shift_right_logical3A_335 : i32 to vector<16xi32>
        %shift_right_logical3A_337 = arith.shrui %get3A_328, %shift_right_logical3A_336 : vector<16xi32>
        %and3A_338 = arith.constant 65535 : i32
        %and3A_339 = vector.broadcast %and3A_338 : i32 to vector<16xi32>
        %and3A_340 = arith.andi %get3A_328, %and3A_339 : vector<16xi32>
        %shift_right_logical3A_341 = arith.constant 16 : i32
        %shift_right_logical3A_342 = vector.broadcast %shift_right_logical3A_341 : i32 to vector<16xi32>
        %shift_right_logical3A_343 = arith.shrui %get3A_334, %shift_right_logical3A_342 : vector<16xi32>
        %and3A_344 = arith.constant 65535 : i32
        %and3A_345 = vector.broadcast %and3A_344 : i32 to vector<16xi32>
        %and3A_346 = arith.andi %get3A_334, %and3A_345 : vector<16xi32>
        %mul3A_347 = arith.muli %shift_right_logical3A_337, %select_n3A_212 : vector<16xi32>
        %mul3A_348 = arith.muli %and3A_340, %select_n3A_186 : vector<16xi32>
        %add3A_349 = arith.addi %mul3A_347, %mul3A_348 : vector<16xi32>
        %convert_element_type3A_350 = arith.sitofp %add3A_349 : vector<16xi32> to vector<16xf32>
        %mul3A_351 = arith.mulf %convert_element_type3A_350, %div3A_68 : vector<16xf32>
        %convert_element_type3A_352 = arith.fptosi %mul3A_351 : vector<16xf32> to vector<16xi32>
        %mul3A_353 = arith.muli %convert_element_type3A_352, %add3A_61 : vector<16xi32>
        %sub3A_354 = arith.subi %add3A_349, %mul3A_353 : vector<16xi32>
        %convert_element_type3A_355 = arith.sitofp %sub3A_354 : vector<16xi32> to vector<16xf32>
        %mul3A_356 = arith.mulf %convert_element_type3A_355, %div3A_68 : vector<16xf32>
        %convert_element_type3A_357 = arith.fptosi %mul3A_356 : vector<16xf32> to vector<16xi32>
        %mul3A_358 = arith.muli %convert_element_type3A_357, %add3A_61 : vector<16xi32>
        %sub3A_359 = arith.subi %sub3A_354, %mul3A_358 : vector<16xi32>
        %ge3A_360 = arith.cmpi sge, %sub3A_359, %add3A_61 : vector<16xi32>
        %sub3A_361 = arith.subi %sub3A_359, %add3A_61 : vector<16xi32>
        %select_n3A_362 = arith.select %ge3A_360, %sub3A_361, %sub3A_359 : vector<16xi1>, vector<16xi32>
        %lt3A_363 = arith.constant 0 : i32
        %lt3A_364 = vector.broadcast %lt3A_363 : i32 to vector<16xi32>
        %lt3A_365 = arith.cmpi slt, %select_n3A_362, %lt3A_364 : vector<16xi32>
        %add3A_366 = arith.addi %select_n3A_362, %add3A_61 : vector<16xi32>
        %select_n3A_367 = arith.select %lt3A_365, %add3A_366, %select_n3A_362 : vector<16xi1>, vector<16xi32>
        %lt3A_368 = arith.constant 0 : i32
        %lt3A_369 = vector.broadcast %lt3A_368 : i32 to vector<16xi32>
        %lt3A_370 = arith.cmpi slt, %select_n3A_367, %lt3A_369 : vector<16xi32>
        %add3A_371 = arith.addi %select_n3A_367, %add3A_61 : vector<16xi32>
        %select_n3A_372 = arith.select %lt3A_370, %add3A_371, %select_n3A_367 : vector<16xi1>, vector<16xi32>
        %mul3A_373 = arith.muli %shift_right_logical3A_343, %select_n3A_162 : vector<16xi32>
        %add3A_374 = arith.addi %select_n3A_372, %mul3A_373 : vector<16xi32>
        %add3A_375 = arith.addi %add3A_374, %and3A_346 : vector<16xi32>
        %convert_element_type3A_376 = arith.sitofp %add3A_375 : vector<16xi32> to vector<16xf32>
        %mul3A_377 = arith.mulf %convert_element_type3A_376, %div3A_68 : vector<16xf32>
        %convert_element_type3A_378 = arith.fptosi %mul3A_377 : vector<16xf32> to vector<16xi32>
        %mul3A_379 = arith.muli %convert_element_type3A_378, %add3A_61 : vector<16xi32>
        %sub3A_380 = arith.subi %add3A_375, %mul3A_379 : vector<16xi32>
        %convert_element_type3A_381 = arith.sitofp %sub3A_380 : vector<16xi32> to vector<16xf32>
        %mul3A_382 = arith.mulf %convert_element_type3A_381, %div3A_68 : vector<16xf32>
        %convert_element_type3A_383 = arith.fptosi %mul3A_382 : vector<16xf32> to vector<16xi32>
        %mul3A_384 = arith.muli %convert_element_type3A_383, %add3A_61 : vector<16xi32>
        %sub3A_385 = arith.subi %sub3A_380, %mul3A_384 : vector<16xi32>
        %ge3A_386 = arith.cmpi sge, %sub3A_385, %add3A_61 : vector<16xi32>
        %sub3A_387 = arith.subi %sub3A_385, %add3A_61 : vector<16xi32>
        %select_n3A_388 = arith.select %ge3A_386, %sub3A_387, %sub3A_385 : vector<16xi1>, vector<16xi32>
        %lt3A_389 = arith.constant 0 : i32
        %lt3A_390 = vector.broadcast %lt3A_389 : i32 to vector<16xi32>
        %lt3A_391 = arith.cmpi slt, %select_n3A_388, %lt3A_390 : vector<16xi32>
        %add3A_392 = arith.addi %select_n3A_388, %add3A_61 : vector<16xi32>
        %select_n3A_393 = arith.select %lt3A_391, %add3A_392, %select_n3A_388 : vector<16xi1>, vector<16xi32>
        %lt3A_394 = arith.constant 0 : i32
        %lt3A_395 = vector.broadcast %lt3A_394 : i32 to vector<16xi32>
        %lt3A_396 = arith.cmpi slt, %select_n3A_393, %lt3A_395 : vector<16xi32>
        %add3A_397 = arith.addi %select_n3A_393, %add3A_61 : vector<16xi32>
        %select_n3A_398 = arith.select %lt3A_396, %add3A_397, %select_n3A_393 : vector<16xi1>, vector<16xi32>
        %max3A_399 = arith.constant 0 : i32
        %max3A_400 = vector.broadcast %max3A_399 : i32 to vector<16xi32>
        %max3A_401 = arith.maxsi %select_n3A_398, %max3A_400 : vector<16xi32>
        %sub3A_402 = arith.constant 1 : i32
        %sub3A_403 = vector.broadcast %sub3A_402 : i32 to vector<16xi32>
        %sub3A_404 = arith.subi %add3A_61, %sub3A_403 : vector<16xi32>
        %min3A_405 = arith.minsi %max3A_401, %sub3A_404 : vector<16xi32>
        %mul3A_406 = arith.constant 0 : i32
        %mul3A_407 = vector.broadcast %mul3A_406 : i32 to vector<16xi32>
        %mul3A_408 = arith.muli %min3A, %mul3A_407 : vector<16xi32>
        %add3A_409 = arith.constant 7 : i32
        %add3A_410 = vector.broadcast %add3A_409 : i32 to vector<16xi32>
        %add3A_411 = arith.addi %mul3A_408, %add3A_410 : vector<16xi32>
        %gather3A_412 = tpu.vector_load_idx %arg12[%add3A_411] : memref<16xi32, #tpu.memory_space<vmem>>[vector<16xi32>], vector<16xi32>,
        %le3A = arith.cmpi sle, %gather3A_412, %min3A : vector<16xi32>
        %jit3A = arith.constant 8 : i32
        %jit3A_413 = arith.constant 0 : i32
        %broadcast_in_dim3A_414 = vector.broadcast %jit3A : i32 to vector<16xi32>
        %broadcast_in_dim3A_415 = vector.broadcast %jit3A_413 : i32 to vector<16xi32>
        %select_n3A_416 = arith.select %le3A, %broadcast_in_dim3A_414, %broadcast_in_dim3A_415 : vector<16xi1>, vector<16xi32>
        %add3A_417 = arith.addi %mul3A_408, %select_n3A_416 : vector<16xi32>
        %add3A_418 = arith.constant 3 : i32
        %add3A_419 = vector.broadcast %add3A_418 : i32 to vector<16xi32>
        %add3A_420 = arith.addi %add3A_417, %add3A_419 : vector<16xi32>
        %gather3A_421 = tpu.vector_load_idx %arg12[%add3A_420] : memref<16xi32, #tpu.memory_space<vmem>>[vector<16xi32>], vector<16xi32>,
        %le3A_422 = arith.cmpi sle, %gather3A_421, %min3A : vector<16xi32>
        %jit3A_423 = arith.constant 4 : i32
        %jit3A_424 = arith.constant 0 : i32
        %broadcast_in_dim3A_425 = vector.broadcast %jit3A_423 : i32 to vector<16xi32>
        %broadcast_in_dim3A_426 = vector.broadcast %jit3A_424 : i32 to vector<16xi32>
        %select_n3A_427 = arith.select %le3A_422, %broadcast_in_dim3A_425, %broadcast_in_dim3A_426 : vector<16xi1>, vector<16xi32>
        %add3A_428 = arith.addi %add3A_417, %select_n3A_427 : vector<16xi32>
        %add3A_429 = arith.constant 1 : i32
        %add3A_430 = vector.broadcast %add3A_429 : i32 to vector<16xi32>
        %add3A_431 = arith.addi %add3A_428, %add3A_430 : vector<16xi32>
        %gather3A_432 = tpu.vector_load_idx %arg12[%add3A_431] : memref<16xi32, #tpu.memory_space<vmem>>[vector<16xi32>], vector<16xi32>,
        %le3A_433 = arith.cmpi sle, %gather3A_432, %min3A : vector<16xi32>
        %jit3A_434 = arith.constant 2 : i32
        %jit3A_435 = arith.constant 0 : i32
        %broadcast_in_dim3A_436 = vector.broadcast %jit3A_434 : i32 to vector<16xi32>
        %broadcast_in_dim3A_437 = vector.broadcast %jit3A_435 : i32 to vector<16xi32>
        %select_n3A_438 = arith.select %le3A_433, %broadcast_in_dim3A_436, %broadcast_in_dim3A_437 : vector<16xi1>, vector<16xi32>
        %add3A_439 = arith.addi %add3A_428, %select_n3A_438 : vector<16xi32>
        %add3A_440 = arith.constant 0 : i32
        %add3A_441 = vector.broadcast %add3A_440 : i32 to vector<16xi32>
        %add3A_442 = arith.addi %add3A_439, %add3A_441 : vector<16xi32>
        %gather3A_443 = tpu.vector_load_idx %arg12[%add3A_442] : memref<16xi32, #tpu.memory_space<vmem>>[vector<16xi32>], vector<16xi32>,
        %le3A_444 = arith.cmpi sle, %gather3A_443, %min3A : vector<16xi32>
        %jit3A_445 = arith.constant 1 : i32
        %jit3A_446 = arith.constant 0 : i32
        %broadcast_in_dim3A_447 = vector.broadcast %jit3A_445 : i32 to vector<16xi32>
        %broadcast_in_dim3A_448 = vector.broadcast %jit3A_446 : i32 to vector<16xi32>
        %select_n3A_449 = arith.select %le3A_444, %broadcast_in_dim3A_447, %broadcast_in_dim3A_448 : vector<16xi1>, vector<16xi32>
        %add3A_450 = arith.addi %add3A_439, %select_n3A_449 : vector<16xi32>
        %shift_left3A_451 = arith.constant 11 : i32
        %shift_left3A_452 = vector.broadcast %shift_left3A_451 : i32 to vector<16xi32>
        %shift_left3A_453 = arith.shli %add3A_450, %shift_left3A_452 : vector<16xi32>
        %add3A_454 = arith.addi %shift_left3A_453, %min3A : vector<16xi32>
        %gather3A_455 = tpu.vector_load_idx %arg13[%add3A_450] : memref<16xi32, #tpu.memory_space<vmem>>[vector<16xi32>], vector<16xi32>,
        %sub3A_456 = arith.subi %add3A_454, %gather3A_455 : vector<16xi32>
        %mul3A_457 = arith.constant 0 : i32
        %mul3A_458 = vector.broadcast %mul3A_457 : i32 to vector<16xi32>
        %mul3A_459 = arith.muli %min3A_405, %mul3A_458 : vector<16xi32>
        %add3A_460 = arith.constant 7 : i32
        %add3A_461 = vector.broadcast %add3A_460 : i32 to vector<16xi32>
        %add3A_462 = arith.addi %mul3A_459, %add3A_461 : vector<16xi32>
        %gather3A_463 = tpu.vector_load_idx %arg14[%add3A_462] : memref<16xi32, #tpu.memory_space<vmem>>[vector<16xi32>], vector<16xi32>,
        %le3A_464 = arith.cmpi sle, %gather3A_463, %min3A_405 : vector<16xi32>
        %jit3A_465 = arith.constant 8 : i32
        %jit3A_466 = arith.constant 0 : i32
        %broadcast_in_dim3A_467 = vector.broadcast %jit3A_465 : i32 to vector<16xi32>
        %broadcast_in_dim3A_468 = vector.broadcast %jit3A_466 : i32 to vector<16xi32>
        %select_n3A_469 = arith.select %le3A_464, %broadcast_in_dim3A_467, %broadcast_in_dim3A_468 : vector<16xi1>, vector<16xi32>
        %add3A_470 = arith.addi %mul3A_459, %select_n3A_469 : vector<16xi32>
        %add3A_471 = arith.constant 3 : i32
        %add3A_472 = vector.broadcast %add3A_471 : i32 to vector<16xi32>
        %add3A_473 = arith.addi %add3A_470, %add3A_472 : vector<16xi32>
        %gather3A_474 = tpu.vector_load_idx %arg14[%add3A_473] : memref<16xi32, #tpu.memory_space<vmem>>[vector<16xi32>], vector<16xi32>,
        %le3A_475 = arith.cmpi sle, %gather3A_474, %min3A_405 : vector<16xi32>
        %jit3A_476 = arith.constant 4 : i32
        %jit3A_477 = arith.constant 0 : i32
        %broadcast_in_dim3A_478 = vector.broadcast %jit3A_476 : i32 to vector<16xi32>
        %broadcast_in_dim3A_479 = vector.broadcast %jit3A_477 : i32 to vector<16xi32>
        %select_n3A_480 = arith.select %le3A_475, %broadcast_in_dim3A_478, %broadcast_in_dim3A_479 : vector<16xi1>, vector<16xi32>
        %add3A_481 = arith.addi %add3A_470, %select_n3A_480 : vector<16xi32>
        %add3A_482 = arith.constant 1 : i32
        %add3A_483 = vector.broadcast %add3A_482 : i32 to vector<16xi32>
        %add3A_484 = arith.addi %add3A_481, %add3A_483 : vector<16xi32>
        %gather3A_485 = tpu.vector_load_idx %arg14[%add3A_484] : memref<16xi32, #tpu.memory_space<vmem>>[vector<16xi32>], vector<16xi32>,
        %le3A_486 = arith.cmpi sle, %gather3A_485, %min3A_405 : vector<16xi32>
        %jit3A_487 = arith.constant 2 : i32
        %jit3A_488 = arith.constant 0 : i32
        %broadcast_in_dim3A_489 = vector.broadcast %jit3A_487 : i32 to vector<16xi32>
        %broadcast_in_dim3A_490 = vector.broadcast %jit3A_488 : i32 to vector<16xi32>
        %select_n3A_491 = arith.select %le3A_486, %broadcast_in_dim3A_489, %broadcast_in_dim3A_490 : vector<16xi1>, vector<16xi32>
        %add3A_492 = arith.addi %add3A_481, %select_n3A_491 : vector<16xi32>
        %add3A_493 = arith.constant 0 : i32
        %add3A_494 = vector.broadcast %add3A_493 : i32 to vector<16xi32>
        %add3A_495 = arith.addi %add3A_492, %add3A_494 : vector<16xi32>
        %gather3A_496 = tpu.vector_load_idx %arg14[%add3A_495] : memref<16xi32, #tpu.memory_space<vmem>>[vector<16xi32>], vector<16xi32>,
        %le3A_497 = arith.cmpi sle, %gather3A_496, %min3A_405 : vector<16xi32>
        %jit3A_498 = arith.constant 1 : i32
        %jit3A_499 = arith.constant 0 : i32
        %broadcast_in_dim3A_500 = vector.broadcast %jit3A_498 : i32 to vector<16xi32>
        %broadcast_in_dim3A_501 = vector.broadcast %jit3A_499 : i32 to vector<16xi32>
        %select_n3A_502 = arith.select %le3A_497, %broadcast_in_dim3A_500, %broadcast_in_dim3A_501 : vector<16xi1>, vector<16xi32>
        %add3A_503 = arith.addi %add3A_492, %select_n3A_502 : vector<16xi32>
        %shift_left3A_504 = arith.constant 11 : i32
        %shift_left3A_505 = vector.broadcast %shift_left3A_504 : i32 to vector<16xi32>
        %shift_left3A_506 = arith.shli %add3A_503, %shift_left3A_505 : vector<16xi32>
        %add3A_507 = arith.constant 1024 : i32
        %add3A_508 = vector.broadcast %add3A_507 : i32 to vector<16xi32>
        %add3A_509 = arith.addi %shift_left3A_506, %add3A_508 : vector<16xi32>
        %add3A_510 = arith.addi %add3A_509, %min3A_405 : vector<16xi32>
        %gather3A_511 = tpu.vector_load_idx %arg15[%add3A_503] : memref<16xi32, #tpu.memory_space<vmem>>[vector<16xi32>], vector<16xi32>,
        %sub3A_512 = arith.subi %add3A_510, %gather3A_511 : vector<16xi32>
        %swap3A_513 = arith.index_cast %mul3A_247 : i32 to index
        %swap3A_514 = tpu.vector_load %arg16[%swap3A_513] {strides = array<i32>} : memref<1024xi32, #tpu.memory_space<vmem>>, vector<16xi32>,
        tpu.vector_store %arg16[%swap3A_513], %sub3A_456 {strides = array<i32>} : memref<1024xi32, #tpu.memory_space<vmem>>, vector<16xi32>,
        %mul3A_515 = arith.constant 16 : i32
        %mul3A_516 = arith.muli %add3A_245, %mul3A_515 : i32
        %add3A_517 = arith.constant 512 : i32
        %add3A_518 = arith.addi %add3A_517, %mul3A_516 : i32
        %swap3A_519 = arith.index_cast %add3A_518 : i32 to index
        %swap3A_520 = tpu.vector_load %arg16[%swap3A_519] {strides = array<i32>} : memref<1024xi32, #tpu.memory_space<vmem>>, vector<16xi32>,
        tpu.vector_store %arg16[%swap3A_519], %sub3A_512 {strides = array<i32>} : memref<1024xi32, #tpu.memory_space<vmem>>, vector<16xi32>,
        %mul3A_521 = arith.constant 4 : i32
        %mul3A_522 = arith.muli %scan3A_241, %mul3A_521 : i32
        %add3A_523 = arith.constant 1 : i32
        %add3A_524 = arith.addi %mul3A_522, %add3A_523 : i32
        %mul3A_525 = arith.constant 16 : i32
        %mul3A_526 = arith.muli %add3A_524, %mul3A_525 : i32
        %get3A_527 = arith.index_cast %mul3A_526 : i32 to index
        %get3A_528 = tpu.vector_load %arg10[%get3A_527] {strides = array<i32>} : memref<2048xi32, #tpu.memory_space<vmem>>, vector<16xi32>,
        %mul3A_529 = arith.constant 16 : i32
        %mul3A_530 = arith.muli %add3A_524, %mul3A_529 : i32
        %add3A_531 = arith.constant 512 : i32
        %add3A_532 = arith.addi %add3A_531, %mul3A_530 : i32
        %get3A_533 = arith.index_cast %add3A_532 : i32 to index
        %get3A_534 = tpu.vector_load %arg10[%get3A_533] {strides = array<i32>} : memref<2048xi32, #tpu.memory_space<vmem>>, vector<16xi32>,
        %shift_right_logical3A_535 = arith.constant 16 : i32
        %shift_right_logical3A_536 = vector.broadcast %shift_right_logical3A_535 : i32 to vector<16xi32>
        %shift_right_logical3A_537 = arith.shrui %get3A_528, %shift_right_logical3A_536 : vector<16xi32>
        %and3A_538 = arith.constant 65535 : i32
        %and3A_539 = vector.broadcast %and3A_538 : i32 to vector<16xi32>
        %and3A_540 = arith.andi %get3A_528, %and3A_539 : vector<16xi32>
        %shift_right_logical3A_541 = arith.constant 16 : i32
        %shift_right_logical3A_542 = vector.broadcast %shift_right_logical3A_541 : i32 to vector<16xi32>
        %shift_right_logical3A_543 = arith.shrui %get3A_534, %shift_right_logical3A_542 : vector<16xi32>
        %and3A_544 = arith.constant 65535 : i32
        %and3A_545 = vector.broadcast %and3A_544 : i32 to vector<16xi32>
        %and3A_546 = arith.andi %get3A_534, %and3A_545 : vector<16xi32>
        %mul3A_547 = arith.muli %shift_right_logical3A_537, %select_n3A_139 : vector<16xi32>
        %mul3A_548 = arith.muli %and3A_540, %select_n3A_114 : vector<16xi32>
        %add3A_549 = arith.addi %mul3A_547, %mul3A_548 : vector<16xi32>
        %convert_element_type3A_550 = arith.sitofp %add3A_549 : vector<16xi32> to vector<16xf32>
        %mul3A_551 = arith.mulf %convert_element_type3A_550, %div3A_64 : vector<16xf32>
        %convert_element_type3A_552 = arith.fptosi %mul3A_551 : vector<16xf32> to vector<16xi32>
        %mul3A_553 = arith.muli %convert_element_type3A_552, %add3A_54 : vector<16xi32>
        %sub3A_554 = arith.subi %add3A_549, %mul3A_553 : vector<16xi32>
        %convert_element_type3A_555 = arith.sitofp %sub3A_554 : vector<16xi32> to vector<16xf32>
        %mul3A_556 = arith.mulf %convert_element_type3A_555, %div3A_64 : vector<16xf32>
        %convert_element_type3A_557 = arith.fptosi %mul3A_556 : vector<16xf32> to vector<16xi32>
        %mul3A_558 = arith.muli %convert_element_type3A_557, %add3A_54 : vector<16xi32>
        %sub3A_559 = arith.subi %sub3A_554, %mul3A_558 : vector<16xi32>
        %ge3A_560 = arith.cmpi sge, %sub3A_559, %add3A_54 : vector<16xi32>
        %sub3A_561 = arith.subi %sub3A_559, %add3A_54 : vector<16xi32>
        %select_n3A_562 = arith.select %ge3A_560, %sub3A_561, %sub3A_559 : vector<16xi1>, vector<16xi32>
        %lt3A_563 = arith.constant 0 : i32
        %lt3A_564 = vector.broadcast %lt3A_563 : i32 to vector<16xi32>
        %lt3A_565 = arith.cmpi slt, %select_n3A_562, %lt3A_564 : vector<16xi32>
        %add3A_566 = arith.addi %select_n3A_562, %add3A_54 : vector<16xi32>
        %select_n3A_567 = arith.select %lt3A_565, %add3A_566, %select_n3A_562 : vector<16xi1>, vector<16xi32>
        %lt3A_568 = arith.constant 0 : i32
        %lt3A_569 = vector.broadcast %lt3A_568 : i32 to vector<16xi32>
        %lt3A_570 = arith.cmpi slt, %select_n3A_567, %lt3A_569 : vector<16xi32>
        %add3A_571 = arith.addi %select_n3A_567, %add3A_54 : vector<16xi32>
        %select_n3A_572 = arith.select %lt3A_570, %add3A_571, %select_n3A_567 : vector<16xi1>, vector<16xi32>
        %mul3A_573 = arith.muli %shift_right_logical3A_543, %select_n3A_90 : vector<16xi32>
        %add3A_574 = arith.addi %select_n3A_572, %mul3A_573 : vector<16xi32>
        %add3A_575 = arith.addi %add3A_574, %and3A_546 : vector<16xi32>
        %convert_element_type3A_576 = arith.sitofp %add3A_575 : vector<16xi32> to vector<16xf32>
        %mul3A_577 = arith.mulf %convert_element_type3A_576, %div3A_64 : vector<16xf32>
        %convert_element_type3A_578 = arith.fptosi %mul3A_577 : vector<16xf32> to vector<16xi32>
        %mul3A_579 = arith.muli %convert_element_type3A_578, %add3A_54 : vector<16xi32>
        %sub3A_580 = arith.subi %add3A_575, %mul3A_579 : vector<16xi32>
        %convert_element_type3A_581 = arith.sitofp %sub3A_580 : vector<16xi32> to vector<16xf32>
        %mul3A_582 = arith.mulf %convert_element_type3A_581, %div3A_64 : vector<16xf32>
        %convert_element_type3A_583 = arith.fptosi %mul3A_582 : vector<16xf32> to vector<16xi32>
        %mul3A_584 = arith.muli %convert_element_type3A_583, %add3A_54 : vector<16xi32>
        %sub3A_585 = arith.subi %sub3A_580, %mul3A_584 : vector<16xi32>
        %ge3A_586 = arith.cmpi sge, %sub3A_585, %add3A_54 : vector<16xi32>
        %sub3A_587 = arith.subi %sub3A_585, %add3A_54 : vector<16xi32>
        %select_n3A_588 = arith.select %ge3A_586, %sub3A_587, %sub3A_585 : vector<16xi1>, vector<16xi32>
        %lt3A_589 = arith.constant 0 : i32
        %lt3A_590 = vector.broadcast %lt3A_589 : i32 to vector<16xi32>
        %lt3A_591 = arith.cmpi slt, %select_n3A_588, %lt3A_590 : vector<16xi32>
        %add3A_592 = arith.addi %select_n3A_588, %add3A_54 : vector<16xi32>
        %select_n3A_593 = arith.select %lt3A_591, %add3A_592, %select_n3A_588 : vector<16xi1>, vector<16xi32>
        %lt3A_594 = arith.constant 0 : i32
        %lt3A_595 = vector.broadcast %lt3A_594 : i32 to vector<16xi32>
        %lt3A_596 = arith.cmpi slt, %select_n3A_593, %lt3A_595 : vector<16xi32>
        %add3A_597 = arith.addi %select_n3A_593, %add3A_54 : vector<16xi32>
        %select_n3A_598 = arith.select %lt3A_596, %add3A_597, %select_n3A_593 : vector<16xi1>, vector<16xi32>
        %max3A_599 = arith.constant 0 : i32
        %max3A_600 = vector.broadcast %max3A_599 : i32 to vector<16xi32>
        %max3A_601 = arith.maxsi %select_n3A_598, %max3A_600 : vector<16xi32>
        %sub3A_602 = arith.constant 1 : i32
        %sub3A_603 = vector.broadcast %sub3A_602 : i32 to vector<16xi32>
        %sub3A_604 = arith.subi %add3A_54, %sub3A_603 : vector<16xi32>
        %min3A_605 = arith.minsi %max3A_601, %sub3A_604 : vector<16xi32>
        %mul3A_606 = arith.constant 16 : i32
        %mul3A_607 = arith.muli %add3A_524, %mul3A_606 : i32
        %add3A_608 = arith.constant 1024 : i32
        %add3A_609 = arith.addi %add3A_608, %mul3A_607 : i32
        %get3A_610 = arith.index_cast %add3A_609 : i32 to index
        %get3A_611 = tpu.vector_load %arg10[%get3A_610] {strides = array<i32>} : memref<2048xi32, #tpu.memory_space<vmem>>, vector<16xi32>,
        %mul3A_612 = arith.constant 16 : i32
        %mul3A_613 = arith.muli %add3A_524, %mul3A_612 : i32
        %add3A_614 = arith.constant 1536 : i32
        %add3A_615 = arith.addi %add3A_614, %mul3A_613 : i32
        %get3A_616 = arith.index_cast %add3A_615 : i32 to index
        %get3A_617 = tpu.vector_load %arg10[%get3A_616] {strides = array<i32>} : memref<2048xi32, #tpu.memory_space<vmem>>, vector<16xi32>,
        %shift_right_logical3A_618 = arith.constant 16 : i32
        %shift_right_logical3A_619 = vector.broadcast %shift_right_logical3A_618 : i32 to vector<16xi32>
        %shift_right_logical3A_620 = arith.shrui %get3A_611, %shift_right_logical3A_619 : vector<16xi32>
        %and3A_621 = arith.constant 65535 : i32
        %and3A_622 = vector.broadcast %and3A_621 : i32 to vector<16xi32>
        %and3A_623 = arith.andi %get3A_611, %and3A_622 : vector<16xi32>
        %shift_right_logical3A_624 = arith.constant 16 : i32
        %shift_right_logical3A_625 = vector.broadcast %shift_right_logical3A_624 : i32 to vector<16xi32>
        %shift_right_logical3A_626 = arith.shrui %get3A_617, %shift_right_logical3A_625 : vector<16xi32>
        %and3A_627 = arith.constant 65535 : i32
        %and3A_628 = vector.broadcast %and3A_627 : i32 to vector<16xi32>
        %and3A_629 = arith.andi %get3A_617, %and3A_628 : vector<16xi32>
        %mul3A_630 = arith.muli %shift_right_logical3A_620, %select_n3A_212 : vector<16xi32>
        %mul3A_631 = arith.muli %and3A_623, %select_n3A_186 : vector<16xi32>
        %add3A_632 = arith.addi %mul3A_630, %mul3A_631 : vector<16xi32>
        %convert_element_type3A_633 = arith.sitofp %add3A_632 : vector<16xi32> to vector<16xf32>
        %mul3A_634 = arith.mulf %convert_element_type3A_633, %div3A_68 : vector<16xf32>
        %convert_element_type3A_635 = arith.fptosi %mul3A_634 : vector<16xf32> to vector<16xi32>
        %mul3A_636 = arith.muli %convert_element_type3A_635, %add3A_61 : vector<16xi32>
        %sub3A_637 = arith.subi %add3A_632, %mul3A_636 : vector<16xi32>
        %convert_element_type3A_638 = arith.sitofp %sub3A_637 : vector<16xi32> to vector<16xf32>
        %mul3A_639 = arith.mulf %convert_element_type3A_638, %div3A_68 : vector<16xf32>
        %convert_element_type3A_640 = arith.fptosi %mul3A_639 : vector<16xf32> to vector<16xi32>
        %mul3A_641 = arith.muli %convert_element_type3A_640, %add3A_61 : vector<16xi32>
        %sub3A_642 = arith.subi %sub3A_637, %mul3A_641 : vector<16xi32>
        %ge3A_643 = arith.cmpi sge, %sub3A_642, %add3A_61 : vector<16xi32>
        %sub3A_644 = arith.subi %sub3A_642, %add3A_61 : vector<16xi32>
        %select_n3A_645 = arith.select %ge3A_643, %sub3A_644, %sub3A_642 : vector<16xi1>, vector<16xi32>
        %lt3A_646 = arith.constant 0 : i32
        %lt3A_647 = vector.broadcast %lt3A_646 : i32 to vector<16xi32>
        %lt3A_648 = arith.cmpi slt, %select_n3A_645, %lt3A_647 : vector<16xi32>
        %add3A_649 = arith.addi %select_n3A_645, %add3A_61 : vector<16xi32>
        %select_n3A_650 = arith.select %lt3A_648, %add3A_649, %select_n3A_645 : vector<16xi1>, vector<16xi32>
        %lt3A_651 = arith.constant 0 : i32
        %lt3A_652 = vector.broadcast %lt3A_651 : i32 to vector<16xi32>
        %lt3A_653 = arith.cmpi slt, %select_n3A_650, %lt3A_652 : vector<16xi32>
        %add3A_654 = arith.addi %select_n3A_650, %add3A_61 : vector<16xi32>
        %select_n3A_655 = arith.select %lt3A_653, %add3A_654, %select_n3A_650 : vector<16xi1>, vector<16xi32>
        %mul3A_656 = arith.muli %shift_right_logical3A_626, %select_n3A_162 : vector<16xi32>
        %add3A_657 = arith.addi %select_n3A_655, %mul3A_656 : vector<16xi32>
        %add3A_658 = arith.addi %add3A_657, %and3A_629 : vector<16xi32>
        %convert_element_type3A_659 = arith.sitofp %add3A_658 : vector<16xi32> to vector<16xf32>
        %mul3A_660 = arith.mulf %convert_element_type3A_659, %div3A_68 : vector<16xf32>
        %convert_element_type3A_661 = arith.fptosi %mul3A_660 : vector<16xf32> to vector<16xi32>
        %mul3A_662 = arith.muli %convert_element_type3A_661, %add3A_61 : vector<16xi32>
        %sub3A_663 = arith.subi %add3A_658, %mul3A_662 : vector<16xi32>
        %convert_element_type3A_664 = arith.sitofp %sub3A_663 : vector<16xi32> to vector<16xf32>
        %mul3A_665 = arith.mulf %convert_element_type3A_664, %div3A_68 : vector<16xf32>
        %convert_element_type3A_666 = arith.fptosi %mul3A_665 : vector<16xf32> to vector<16xi32>
        %mul3A_667 = arith.muli %convert_element_type3A_666, %add3A_61 : vector<16xi32>
        %sub3A_668 = arith.subi %sub3A_663, %mul3A_667 : vector<16xi32>
        %ge3A_669 = arith.cmpi sge, %sub3A_668, %add3A_61 : vector<16xi32>
        %sub3A_670 = arith.subi %sub3A_668, %add3A_61 : vector<16xi32>
        %select_n3A_671 = arith.select %ge3A_669, %sub3A_670, %sub3A_668 : vector<16xi1>, vector<16xi32>
        %lt3A_672 = arith.constant 0 : i32
        %lt3A_673 = vector.broadcast %lt3A_672 : i32 to vector<16xi32>
        %lt3A_674 = arith.cmpi slt, %select_n3A_671, %lt3A_673 : vector<16xi32>
        %add3A_675 = arith.addi %select_n3A_671, %add3A_61 : vector<16xi32>
        %select_n3A_676 = arith.select %lt3A_674, %add3A_675, %select_n3A_671 : vector<16xi1>, vector<16xi32>
        %lt3A_677 = arith.constant 0 : i32
        %lt3A_678 = vector.broadcast %lt3A_677 : i32 to vector<16xi32>
        %lt3A_679 = arith.cmpi slt, %select_n3A_676, %lt3A_678 : vector<16xi32>
        %add3A_680 = arith.addi %select_n3A_676, %add3A_61 : vector<16xi32>
        %select_n3A_681 = arith.select %lt3A_679, %add3A_680, %select_n3A_676 : vector<16xi1>, vector<16xi32>
        %max3A_682 = arith.constant 0 : i32
        %max3A_683 = vector.broadcast %max3A_682 : i32 to vector<16xi32>
        %max3A_684 = arith.maxsi %select_n3A_681, %max3A_683 : vector<16xi32>
        %sub3A_685 = arith.constant 1 : i32
        %sub3A_686 = vector.broadcast %sub3A_685 : i32 to vector<16xi32>
        %sub3A_687 = arith.subi %add3A_61, %sub3A_686 : vector<16xi32>
        %min3A_688 = arith.minsi %max3A_684, %sub3A_687 : vector<16xi32>
        %mul3A_689 = arith.constant 0 : i32
        %mul3A_690 = vector.broadcast %mul3A_689 : i32 to vector<16xi32>
        %mul3A_691 = arith.muli %min3A_605, %mul3A_690 : vector<16xi32>
        %add3A_692 = arith.constant 7 : i32
        %add3A_693 = vector.broadcast %add3A_692 : i32 to vector<16xi32>
        %add3A_694 = arith.addi %mul3A_691, %add3A_693 : vector<16xi32>
        %gather3A_695 = tpu.vector_load_idx %arg12[%add3A_694] : memref<16xi32, #tpu.memory_space<vmem>>[vector<16xi32>], vector<16xi32>,
        %le3A_696 = arith.cmpi sle, %gather3A_695, %min3A_605 : vector<16xi32>
        %jit3A_697 = arith.constant 8 : i32
        %jit3A_698 = arith.constant 0 : i32
        %broadcast_in_dim3A_699 = vector.broadcast %jit3A_697 : i32 to vector<16xi32>
        %broadcast_in_dim3A_700 = vector.broadcast %jit3A_698 : i32 to vector<16xi32>
        %select_n3A_701 = arith.select %le3A_696, %broadcast_in_dim3A_699, %broadcast_in_dim3A_700 : vector<16xi1>, vector<16xi32>
        %add3A_702 = arith.addi %mul3A_691, %select_n3A_701 : vector<16xi32>
        %add3A_703 = arith.constant 3 : i32
        %add3A_704 = vector.broadcast %add3A_703 : i32 to vector<16xi32>
        %add3A_705 = arith.addi %add3A_702, %add3A_704 : vector<16xi32>
        %gather3A_706 = tpu.vector_load_idx %arg12[%add3A_705] : memref<16xi32, #tpu.memory_space<vmem>>[vector<16xi32>], vector<16xi32>,
        %le3A_707 = arith.cmpi sle, %gather3A_706, %min3A_605 : vector<16xi32>
        %jit3A_708 = arith.constant 4 : i32
        %jit3A_709 = arith.constant 0 : i32
        %broadcast_in_dim3A_710 = vector.broadcast %jit3A_708 : i32 to vector<16xi32>
        %broadcast_in_dim3A_711 = vector.broadcast %jit3A_709 : i32 to vector<16xi32>
        %select_n3A_712 = arith.select %le3A_707, %broadcast_in_dim3A_710, %broadcast_in_dim3A_711 : vector<16xi1>, vector<16xi32>
        %add3A_713 = arith.addi %add3A_702, %select_n3A_712 : vector<16xi32>
        %add3A_714 = arith.constant 1 : i32
        %add3A_715 = vector.broadcast %add3A_714 : i32 to vector<16xi32>
        %add3A_716 = arith.addi %add3A_713, %add3A_715 : vector<16xi32>
        %gather3A_717 = tpu.vector_load_idx %arg12[%add3A_716] : memref<16xi32, #tpu.memory_space<vmem>>[vector<16xi32>], vector<16xi32>,
        %le3A_718 = arith.cmpi sle, %gather3A_717, %min3A_605 : vector<16xi32>
        %jit3A_719 = arith.constant 2 : i32
        %jit3A_720 = arith.constant 0 : i32
        %broadcast_in_dim3A_721 = vector.broadcast %jit3A_719 : i32 to vector<16xi32>
        %broadcast_in_dim3A_722 = vector.broadcast %jit3A_720 : i32 to vector<16xi32>
        %select_n3A_723 = arith.select %le3A_718, %broadcast_in_dim3A_721, %broadcast_in_dim3A_722 : vector<16xi1>, vector<16xi32>
        %add3A_724 = arith.addi %add3A_713, %select_n3A_723 : vector<16xi32>
        %add3A_725 = arith.constant 0 : i32
        %add3A_726 = vector.broadcast %add3A_725 : i32 to vector<16xi32>
        %add3A_727 = arith.addi %add3A_724, %add3A_726 : vector<16xi32>
        %gather3A_728 = tpu.vector_load_idx %arg12[%add3A_727] : memref<16xi32, #tpu.memory_space<vmem>>[vector<16xi32>], vector<16xi32>,
        %le3A_729 = arith.cmpi sle, %gather3A_728, %min3A_605 : vector<16xi32>
        %jit3A_730 = arith.constant 1 : i32
        %jit3A_731 = arith.constant 0 : i32
        %broadcast_in_dim3A_732 = vector.broadcast %jit3A_730 : i32 to vector<16xi32>
        %broadcast_in_dim3A_733 = vector.broadcast %jit3A_731 : i32 to vector<16xi32>
        %select_n3A_734 = arith.select %le3A_729, %broadcast_in_dim3A_732, %broadcast_in_dim3A_733 : vector<16xi1>, vector<16xi32>
        %add3A_735 = arith.addi %add3A_724, %select_n3A_734 : vector<16xi32>
        %shift_left3A_736 = arith.constant 11 : i32
        %shift_left3A_737 = vector.broadcast %shift_left3A_736 : i32 to vector<16xi32>
        %shift_left3A_738 = arith.shli %add3A_735, %shift_left3A_737 : vector<16xi32>
        %add3A_739 = arith.addi %shift_left3A_738, %min3A_605 : vector<16xi32>
        %gather3A_740 = tpu.vector_load_idx %arg13[%add3A_735] : memref<16xi32, #tpu.memory_space<vmem>>[vector<16xi32>], vector<16xi32>,
        %sub3A_741 = arith.subi %add3A_739, %gather3A_740 : vector<16xi32>
        %mul3A_742 = arith.constant 0 : i32
        %mul3A_743 = vector.broadcast %mul3A_742 : i32 to vector<16xi32>
        %mul3A_744 = arith.muli %min3A_688, %mul3A_743 : vector<16xi32>
        %add3A_745 = arith.constant 7 : i32
        %add3A_746 = vector.broadcast %add3A_745 : i32 to vector<16xi32>
        %add3A_747 = arith.addi %mul3A_744, %add3A_746 : vector<16xi32>
        %gather3A_748 = tpu.vector_load_idx %arg14[%add3A_747] : memref<16xi32, #tpu.memory_space<vmem>>[vector<16xi32>], vector<16xi32>,
        %le3A_749 = arith.cmpi sle, %gather3A_748, %min3A_688 : vector<16xi32>
        %jit3A_750 = arith.constant 8 : i32
        %jit3A_751 = arith.constant 0 : i32
        %broadcast_in_dim3A_752 = vector.broadcast %jit3A_750 : i32 to vector<16xi32>
        %broadcast_in_dim3A_753 = vector.broadcast %jit3A_751 : i32 to vector<16xi32>
        %select_n3A_754 = arith.select %le3A_749, %broadcast_in_dim3A_752, %broadcast_in_dim3A_753 : vector<16xi1>, vector<16xi32>
        %add3A_755 = arith.addi %mul3A_744, %select_n3A_754 : vector<16xi32>
        %add3A_756 = arith.constant 3 : i32
        %add3A_757 = vector.broadcast %add3A_756 : i32 to vector<16xi32>
        %add3A_758 = arith.addi %add3A_755, %add3A_757 : vector<16xi32>
        %gather3A_759 = tpu.vector_load_idx %arg14[%add3A_758] : memref<16xi32, #tpu.memory_space<vmem>>[vector<16xi32>], vector<16xi32>,
        %le3A_760 = arith.cmpi sle, %gather3A_759, %min3A_688 : vector<16xi32>
        %jit3A_761 = arith.constant 4 : i32
        %jit3A_762 = arith.constant 0 : i32
        %broadcast_in_dim3A_763 = vector.broadcast %jit3A_761 : i32 to vector<16xi32>
        %broadcast_in_dim3A_764 = vector.broadcast %jit3A_762 : i32 to vector<16xi32>
        %select_n3A_765 = arith.select %le3A_760, %broadcast_in_dim3A_763, %broadcast_in_dim3A_764 : vector<16xi1>, vector<16xi32>
        %add3A_766 = arith.addi %add3A_755, %select_n3A_765 : vector<16xi32>
        %add3A_767 = arith.constant 1 : i32
        %add3A_768 = vector.broadcast %add3A_767 : i32 to vector<16xi32>
        %add3A_769 = arith.addi %add3A_766, %add3A_768 : vector<16xi32>
        %gather3A_770 = tpu.vector_load_idx %arg14[%add3A_769] : memref<16xi32, #tpu.memory_space<vmem>>[vector<16xi32>], vector<16xi32>,
        %le3A_771 = arith.cmpi sle, %gather3A_770, %min3A_688 : vector<16xi32>
        %jit3A_772 = arith.constant 2 : i32
        %jit3A_773 = arith.constant 0 : i32
        %broadcast_in_dim3A_774 = vector.broadcast %jit3A_772 : i32 to vector<16xi32>
        %broadcast_in_dim3A_775 = vector.broadcast %jit3A_773 : i32 to vector<16xi32>
        %select_n3A_776 = arith.select %le3A_771, %broadcast_in_dim3A_774, %broadcast_in_dim3A_775 : vector<16xi1>, vector<16xi32>
        %add3A_777 = arith.addi %add3A_766, %select_n3A_776 : vector<16xi32>
        %add3A_778 = arith.constant 0 : i32
        %add3A_779 = vector.broadcast %add3A_778 : i32 to vector<16xi32>
        %add3A_780 = arith.addi %add3A_777, %add3A_779 : vector<16xi32>
        %gather3A_781 = tpu.vector_load_idx %arg14[%add3A_780] : memref<16xi32, #tpu.memory_space<vmem>>[vector<16xi32>], vector<16xi32>,
        %le3A_782 = arith.cmpi sle, %gather3A_781, %min3A_688 : vector<16xi32>
        %jit3A_783 = arith.constant 1 : i32
        %jit3A_784 = arith.constant 0 : i32
        %broadcast_in_dim3A_785 = vector.broadcast %jit3A_783 : i32 to vector<16xi32>
        %broadcast_in_dim3A_786 = vector.broadcast %jit3A_784 : i32 to vector<16xi32>
        %select_n3A_787 = arith.select %le3A_782, %broadcast_in_dim3A_785, %broadcast_in_dim3A_786 : vector<16xi1>, vector<16xi32>
        %add3A_788 = arith.addi %add3A_777, %select_n3A_787 : vector<16xi32>
        %shift_left3A_789 = arith.constant 11 : i32
        %shift_left3A_790 = vector.broadcast %shift_left3A_789 : i32 to vector<16xi32>
        %shift_left3A_791 = arith.shli %add3A_788, %shift_left3A_790 : vector<16xi32>
        %add3A_792 = arith.constant 1024 : i32
        %add3A_793 = vector.broadcast %add3A_792 : i32 to vector<16xi32>
        %add3A_794 = arith.addi %shift_left3A_791, %add3A_793 : vector<16xi32>
        %add3A_795 = arith.addi %add3A_794, %min3A_688 : vector<16xi32>
        %gather3A_796 = tpu.vector_load_idx %arg15[%add3A_788] : memref<16xi32, #tpu.memory_space<vmem>>[vector<16xi32>], vector<16xi32>,
        %sub3A_797 = arith.subi %add3A_795, %gather3A_796 : vector<16xi32>
        %swap3A_798 = arith.index_cast %mul3A_526 : i32 to index
        %swap3A_799 = tpu.vector_load %arg16[%swap3A_798] {strides = array<i32>} : memref<1024xi32, #tpu.memory_space<vmem>>, vector<16xi32>,
        tpu.vector_store %arg16[%swap3A_798], %sub3A_741 {strides = array<i32>} : memref<1024xi32, #tpu.memory_space<vmem>>, vector<16xi32>,
        %mul3A_800 = arith.constant 16 : i32
        %mul3A_801 = arith.muli %add3A_524, %mul3A_800 : i32
        %add3A_802 = arith.constant 512 : i32
        %add3A_803 = arith.addi %add3A_802, %mul3A_801 : i32
        %swap3A_804 = arith.index_cast %add3A_803 : i32 to index
        %swap3A_805 = tpu.vector_load %arg16[%swap3A_804] {strides = array<i32>} : memref<1024xi32, #tpu.memory_space<vmem>>, vector<16xi32>,
        tpu.vector_store %arg16[%swap3A_804], %sub3A_797 {strides = array<i32>} : memref<1024xi32, #tpu.memory_space<vmem>>, vector<16xi32>,
        %mul3A_806 = arith.constant 4 : i32
        %mul3A_807 = arith.muli %scan3A_241, %mul3A_806 : i32
        %add3A_808 = arith.constant 2 : i32
        %add3A_809 = arith.addi %mul3A_807, %add3A_808 : i32
        %mul3A_810 = arith.constant 16 : i32
        %mul3A_811 = arith.muli %add3A_809, %mul3A_810 : i32
        %get3A_812 = arith.index_cast %mul3A_811 : i32 to index
        %get3A_813 = tpu.vector_load %arg10[%get3A_812] {strides = array<i32>} : memref<2048xi32, #tpu.memory_space<vmem>>, vector<16xi32>,
        %mul3A_814 = arith.constant 16 : i32
        %mul3A_815 = arith.muli %add3A_809, %mul3A_814 : i32
        %add3A_816 = arith.constant 512 : i32
        %add3A_817 = arith.addi %add3A_816, %mul3A_815 : i32
        %get3A_818 = arith.index_cast %add3A_817 : i32 to index
        %get3A_819 = tpu.vector_load %arg10[%get3A_818] {strides = array<i32>} : memref<2048xi32, #tpu.memory_space<vmem>>, vector<16xi32>,
        %shift_right_logical3A_820 = arith.constant 16 : i32
        %shift_right_logical3A_821 = vector.broadcast %shift_right_logical3A_820 : i32 to vector<16xi32>
        %shift_right_logical3A_822 = arith.shrui %get3A_813, %shift_right_logical3A_821 : vector<16xi32>
        %and3A_823 = arith.constant 65535 : i32
        %and3A_824 = vector.broadcast %and3A_823 : i32 to vector<16xi32>
        %and3A_825 = arith.andi %get3A_813, %and3A_824 : vector<16xi32>
        %shift_right_logical3A_826 = arith.constant 16 : i32
        %shift_right_logical3A_827 = vector.broadcast %shift_right_logical3A_826 : i32 to vector<16xi32>
        %shift_right_logical3A_828 = arith.shrui %get3A_819, %shift_right_logical3A_827 : vector<16xi32>
        %and3A_829 = arith.constant 65535 : i32
        %and3A_830 = vector.broadcast %and3A_829 : i32 to vector<16xi32>
        %and3A_831 = arith.andi %get3A_819, %and3A_830 : vector<16xi32>
        %mul3A_832 = arith.muli %shift_right_logical3A_822, %select_n3A_139 : vector<16xi32>
        %mul3A_833 = arith.muli %and3A_825, %select_n3A_114 : vector<16xi32>
        %add3A_834 = arith.addi %mul3A_832, %mul3A_833 : vector<16xi32>
        %convert_element_type3A_835 = arith.sitofp %add3A_834 : vector<16xi32> to vector<16xf32>
        %mul3A_836 = arith.mulf %convert_element_type3A_835, %div3A_64 : vector<16xf32>
        %convert_element_type3A_837 = arith.fptosi %mul3A_836 : vector<16xf32> to vector<16xi32>
        %mul3A_838 = arith.muli %convert_element_type3A_837, %add3A_54 : vector<16xi32>
        %sub3A_839 = arith.subi %add3A_834, %mul3A_838 : vector<16xi32>
        %convert_element_type3A_840 = arith.sitofp %sub3A_839 : vector<16xi32> to vector<16xf32>
        %mul3A_841 = arith.mulf %convert_element_type3A_840, %div3A_64 : vector<16xf32>
        %convert_element_type3A_842 = arith.fptosi %mul3A_841 : vector<16xf32> to vector<16xi32>
        %mul3A_843 = arith.muli %convert_element_type3A_842, %add3A_54 : vector<16xi32>
        %sub3A_844 = arith.subi %sub3A_839, %mul3A_843 : vector<16xi32>
        %ge3A_845 = arith.cmpi sge, %sub3A_844, %add3A_54 : vector<16xi32>
        %sub3A_846 = arith.subi %sub3A_844, %add3A_54 : vector<16xi32>
        %select_n3A_847 = arith.select %ge3A_845, %sub3A_846, %sub3A_844 : vector<16xi1>, vector<16xi32>
        %lt3A_848 = arith.constant 0 : i32
        %lt3A_849 = vector.broadcast %lt3A_848 : i32 to vector<16xi32>
        %lt3A_850 = arith.cmpi slt, %select_n3A_847, %lt3A_849 : vector<16xi32>
        %add3A_851 = arith.addi %select_n3A_847, %add3A_54 : vector<16xi32>
        %select_n3A_852 = arith.select %lt3A_850, %add3A_851, %select_n3A_847 : vector<16xi1>, vector<16xi32>
        %lt3A_853 = arith.constant 0 : i32
        %lt3A_854 = vector.broadcast %lt3A_853 : i32 to vector<16xi32>
        %lt3A_855 = arith.cmpi slt, %select_n3A_852, %lt3A_854 : vector<16xi32>
        %add3A_856 = arith.addi %select_n3A_852, %add3A_54 : vector<16xi32>
        %select_n3A_857 = arith.select %lt3A_855, %add3A_856, %select_n3A_852 : vector<16xi1>, vector<16xi32>
        %mul3A_858 = arith.muli %shift_right_logical3A_828, %select_n3A_90 : vector<16xi32>
        %add3A_859 = arith.addi %select_n3A_857, %mul3A_858 : vector<16xi32>
        %add3A_860 = arith.addi %add3A_859, %and3A_831 : vector<16xi32>
        %convert_element_type3A_861 = arith.sitofp %add3A_860 : vector<16xi32> to vector<16xf32>
        %mul3A_862 = arith.mulf %convert_element_type3A_861, %div3A_64 : vector<16xf32>
        %convert_element_type3A_863 = arith.fptosi %mul3A_862 : vector<16xf32> to vector<16xi32>
        %mul3A_864 = arith.muli %convert_element_type3A_863, %add3A_54 : vector<16xi32>
        %sub3A_865 = arith.subi %add3A_860, %mul3A_864 : vector<16xi32>
        %convert_element_type3A_866 = arith.sitofp %sub3A_865 : vector<16xi32> to vector<16xf32>
        %mul3A_867 = arith.mulf %convert_element_type3A_866, %div3A_64 : vector<16xf32>
        %convert_element_type3A_868 = arith.fptosi %mul3A_867 : vector<16xf32> to vector<16xi32>
        %mul3A_869 = arith.muli %convert_element_type3A_868, %add3A_54 : vector<16xi32>
        %sub3A_870 = arith.subi %sub3A_865, %mul3A_869 : vector<16xi32>
        %ge3A_871 = arith.cmpi sge, %sub3A_870, %add3A_54 : vector<16xi32>
        %sub3A_872 = arith.subi %sub3A_870, %add3A_54 : vector<16xi32>
        %select_n3A_873 = arith.select %ge3A_871, %sub3A_872, %sub3A_870 : vector<16xi1>, vector<16xi32>
        %lt3A_874 = arith.constant 0 : i32
        %lt3A_875 = vector.broadcast %lt3A_874 : i32 to vector<16xi32>
        %lt3A_876 = arith.cmpi slt, %select_n3A_873, %lt3A_875 : vector<16xi32>
        %add3A_877 = arith.addi %select_n3A_873, %add3A_54 : vector<16xi32>
        %select_n3A_878 = arith.select %lt3A_876, %add3A_877, %select_n3A_873 : vector<16xi1>, vector<16xi32>
        %lt3A_879 = arith.constant 0 : i32
        %lt3A_880 = vector.broadcast %lt3A_879 : i32 to vector<16xi32>
        %lt3A_881 = arith.cmpi slt, %select_n3A_878, %lt3A_880 : vector<16xi32>
        %add3A_882 = arith.addi %select_n3A_878, %add3A_54 : vector<16xi32>
        %select_n3A_883 = arith.select %lt3A_881, %add3A_882, %select_n3A_878 : vector<16xi1>, vector<16xi32>
        %max3A_884 = arith.constant 0 : i32
        %max3A_885 = vector.broadcast %max3A_884 : i32 to vector<16xi32>
        %max3A_886 = arith.maxsi %select_n3A_883, %max3A_885 : vector<16xi32>
        %sub3A_887 = arith.constant 1 : i32
        %sub3A_888 = vector.broadcast %sub3A_887 : i32 to vector<16xi32>
        %sub3A_889 = arith.subi %add3A_54, %sub3A_888 : vector<16xi32>
        %min3A_890 = arith.minsi %max3A_886, %sub3A_889 : vector<16xi32>
        %mul3A_891 = arith.constant 16 : i32
        %mul3A_892 = arith.muli %add3A_809, %mul3A_891 : i32
        %add3A_893 = arith.constant 1024 : i32
        %add3A_894 = arith.addi %add3A_893, %mul3A_892 : i32
        %get3A_895 = arith.index_cast %add3A_894 : i32 to index
        %get3A_896 = tpu.vector_load %arg10[%get3A_895] {strides = array<i32>} : memref<2048xi32, #tpu.memory_space<vmem>>, vector<16xi32>,
        %mul3A_897 = arith.constant 16 : i32
        %mul3A_898 = arith.muli %add3A_809, %mul3A_897 : i32
        %add3A_899 = arith.constant 1536 : i32
        %add3A_900 = arith.addi %add3A_899, %mul3A_898 : i32
        %get3A_901 = arith.index_cast %add3A_900 : i32 to index
        %get3A_902 = tpu.vector_load %arg10[%get3A_901] {strides = array<i32>} : memref<2048xi32, #tpu.memory_space<vmem>>, vector<16xi32>,
        %shift_right_logical3A_903 = arith.constant 16 : i32
        %shift_right_logical3A_904 = vector.broadcast %shift_right_logical3A_903 : i32 to vector<16xi32>
        %shift_right_logical3A_905 = arith.shrui %get3A_896, %shift_right_logical3A_904 : vector<16xi32>
        %and3A_906 = arith.constant 65535 : i32
        %and3A_907 = vector.broadcast %and3A_906 : i32 to vector<16xi32>
        %and3A_908 = arith.andi %get3A_896, %and3A_907 : vector<16xi32>
        %shift_right_logical3A_909 = arith.constant 16 : i32
        %shift_right_logical3A_910 = vector.broadcast %shift_right_logical3A_909 : i32 to vector<16xi32>
        %shift_right_logical3A_911 = arith.shrui %get3A_902, %shift_right_logical3A_910 : vector<16xi32>
        %and3A_912 = arith.constant 65535 : i32
        %and3A_913 = vector.broadcast %and3A_912 : i32 to vector<16xi32>
        %and3A_914 = arith.andi %get3A_902, %and3A_913 : vector<16xi32>
        %mul3A_915 = arith.muli %shift_right_logical3A_905, %select_n3A_212 : vector<16xi32>
        %mul3A_916 = arith.muli %and3A_908, %select_n3A_186 : vector<16xi32>
        %add3A_917 = arith.addi %mul3A_915, %mul3A_916 : vector<16xi32>
        %convert_element_type3A_918 = arith.sitofp %add3A_917 : vector<16xi32> to vector<16xf32>
        %mul3A_919 = arith.mulf %convert_element_type3A_918, %div3A_68 : vector<16xf32>
        %convert_element_type3A_920 = arith.fptosi %mul3A_919 : vector<16xf32> to vector<16xi32>
        %mul3A_921 = arith.muli %convert_element_type3A_920, %add3A_61 : vector<16xi32>
        %sub3A_922 = arith.subi %add3A_917, %mul3A_921 : vector<16xi32>
        %convert_element_type3A_923 = arith.sitofp %sub3A_922 : vector<16xi32> to vector<16xf32>
        %mul3A_924 = arith.mulf %convert_element_type3A_923, %div3A_68 : vector<16xf32>
        %convert_element_type3A_925 = arith.fptosi %mul3A_924 : vector<16xf32> to vector<16xi32>
        %mul3A_926 = arith.muli %convert_element_type3A_925, %add3A_61 : vector<16xi32>
        %sub3A_927 = arith.subi %sub3A_922, %mul3A_926 : vector<16xi32>
        %ge3A_928 = arith.cmpi sge, %sub3A_927, %add3A_61 : vector<16xi32>
        %sub3A_929 = arith.subi %sub3A_927, %add3A_61 : vector<16xi32>
        %select_n3A_930 = arith.select %ge3A_928, %sub3A_929, %sub3A_927 : vector<16xi1>, vector<16xi32>
        %lt3A_931 = arith.constant 0 : i32
        %lt3A_932 = vector.broadcast %lt3A_931 : i32 to vector<16xi32>
        %lt3A_933 = arith.cmpi slt, %select_n3A_930, %lt3A_932 : vector<16xi32>
        %add3A_934 = arith.addi %select_n3A_930, %add3A_61 : vector<16xi32>
        %select_n3A_935 = arith.select %lt3A_933, %add3A_934, %select_n3A_930 : vector<16xi1>, vector<16xi32>
        %lt3A_936 = arith.constant 0 : i32
        %lt3A_937 = vector.broadcast %lt3A_936 : i32 to vector<16xi32>
        %lt3A_938 = arith.cmpi slt, %select_n3A_935, %lt3A_937 : vector<16xi32>
        %add3A_939 = arith.addi %select_n3A_935, %add3A_61 : vector<16xi32>
        %select_n3A_940 = arith.select %lt3A_938, %add3A_939, %select_n3A_935 : vector<16xi1>, vector<16xi32>
        %mul3A_941 = arith.muli %shift_right_logical3A_911, %select_n3A_162 : vector<16xi32>
        %add3A_942 = arith.addi %select_n3A_940, %mul3A_941 : vector<16xi32>
        %add3A_943 = arith.addi %add3A_942, %and3A_914 : vector<16xi32>
        %convert_element_type3A_944 = arith.sitofp %add3A_943 : vector<16xi32> to vector<16xf32>
        %mul3A_945 = arith.mulf %convert_element_type3A_944, %div3A_68 : vector<16xf32>
        %convert_element_type3A_946 = arith.fptosi %mul3A_945 : vector<16xf32> to vector<16xi32>
        %mul3A_947 = arith.muli %convert_element_type3A_946, %add3A_61 : vector<16xi32>
        %sub3A_948 = arith.subi %add3A_943, %mul3A_947 : vector<16xi32>
        %convert_element_type3A_949 = arith.sitofp %sub3A_948 : vector<16xi32> to vector<16xf32>
        %mul3A_950 = arith.mulf %convert_element_type3A_949, %div3A_68 : vector<16xf32>
        %convert_element_type3A_951 = arith.fptosi %mul3A_950 : vector<16xf32> to vector<16xi32>
        %mul3A_952 = arith.muli %convert_element_type3A_951, %add3A_61 : vector<16xi32>
        %sub3A_953 = arith.subi %sub3A_948, %mul3A_952 : vector<16xi32>
        %ge3A_954 = arith.cmpi sge, %sub3A_953, %add3A_61 : vector<16xi32>
        %sub3A_955 = arith.subi %sub3A_953, %add3A_61 : vector<16xi32>
        %select_n3A_956 = arith.select %ge3A_954, %sub3A_955, %sub3A_953 : vector<16xi1>, vector<16xi32>
        %lt3A_957 = arith.constant 0 : i32
        %lt3A_958 = vector.broadcast %lt3A_957 : i32 to vector<16xi32>
        %lt3A_959 = arith.cmpi slt, %select_n3A_956, %lt3A_958 : vector<16xi32>
        %add3A_960 = arith.addi %select_n3A_956, %add3A_61 : vector<16xi32>
        %select_n3A_961 = arith.select %lt3A_959, %add3A_960, %select_n3A_956 : vector<16xi1>, vector<16xi32>
        %lt3A_962 = arith.constant 0 : i32
        %lt3A_963 = vector.broadcast %lt3A_962 : i32 to vector<16xi32>
        %lt3A_964 = arith.cmpi slt, %select_n3A_961, %lt3A_963 : vector<16xi32>
        %add3A_965 = arith.addi %select_n3A_961, %add3A_61 : vector<16xi32>
        %select_n3A_966 = arith.select %lt3A_964, %add3A_965, %select_n3A_961 : vector<16xi1>, vector<16xi32>
        %max3A_967 = arith.constant 0 : i32
        %max3A_968 = vector.broadcast %max3A_967 : i32 to vector<16xi32>
        %max3A_969 = arith.maxsi %select_n3A_966, %max3A_968 : vector<16xi32>
        %sub3A_970 = arith.constant 1 : i32
        %sub3A_971 = vector.broadcast %sub3A_970 : i32 to vector<16xi32>
        %sub3A_972 = arith.subi %add3A_61, %sub3A_971 : vector<16xi32>
        %min3A_973 = arith.minsi %max3A_969, %sub3A_972 : vector<16xi32>
        %mul3A_974 = arith.constant 0 : i32
        %mul3A_975 = vector.broadcast %mul3A_974 : i32 to vector<16xi32>
        %mul3A_976 = arith.muli %min3A_890, %mul3A_975 : vector<16xi32>
        %add3A_977 = arith.constant 7 : i32
        %add3A_978 = vector.broadcast %add3A_977 : i32 to vector<16xi32>
        %add3A_979 = arith.addi %mul3A_976, %add3A_978 : vector<16xi32>
        %gather3A_980 = tpu.vector_load_idx %arg12[%add3A_979] : memref<16xi32, #tpu.memory_space<vmem>>[vector<16xi32>], vector<16xi32>,
        %le3A_981 = arith.cmpi sle, %gather3A_980, %min3A_890 : vector<16xi32>
        %jit3A_982 = arith.constant 8 : i32
        %jit3A_983 = arith.constant 0 : i32
        %broadcast_in_dim3A_984 = vector.broadcast %jit3A_982 : i32 to vector<16xi32>
        %broadcast_in_dim3A_985 = vector.broadcast %jit3A_983 : i32 to vector<16xi32>
        %select_n3A_986 = arith.select %le3A_981, %broadcast_in_dim3A_984, %broadcast_in_dim3A_985 : vector<16xi1>, vector<16xi32>
        %add3A_987 = arith.addi %mul3A_976, %select_n3A_986 : vector<16xi32>
        %add3A_988 = arith.constant 3 : i32
        %add3A_989 = vector.broadcast %add3A_988 : i32 to vector<16xi32>
        %add3A_990 = arith.addi %add3A_987, %add3A_989 : vector<16xi32>
        %gather3A_991 = tpu.vector_load_idx %arg12[%add3A_990] : memref<16xi32, #tpu.memory_space<vmem>>[vector<16xi32>], vector<16xi32>,
        %le3A_992 = arith.cmpi sle, %gather3A_991, %min3A_890 : vector<16xi32>
        %jit3A_993 = arith.constant 4 : i32
        %jit3A_994 = arith.constant 0 : i32
        %broadcast_in_dim3A_995 = vector.broadcast %jit3A_993 : i32 to vector<16xi32>
        %broadcast_in_dim3A_996 = vector.broadcast %jit3A_994 : i32 to vector<16xi32>
        %select_n3A_997 = arith.select %le3A_992, %broadcast_in_dim3A_995, %broadcast_in_dim3A_996 : vector<16xi1>, vector<16xi32>
        %add3A_998 = arith.addi %add3A_987, %select_n3A_997 : vector<16xi32>
        %add3A_999 = arith.constant 1 : i32
        %add3A_1000 = vector.broadcast %add3A_999 : i32 to vector<16xi32>
        %add3A_1001 = arith.addi %add3A_998, %add3A_1000 : vector<16xi32>
        %gather3A_1002 = tpu.vector_load_idx %arg12[%add3A_1001] : memref<16xi32, #tpu.memory_space<vmem>>[vector<16xi32>], vector<16xi32>,
        %le3A_1003 = arith.cmpi sle, %gather3A_1002, %min3A_890 : vector<16xi32>
        %jit3A_1004 = arith.constant 2 : i32
        %jit3A_1005 = arith.constant 0 : i32
        %broadcast_in_dim3A_1006 = vector.broadcast %jit3A_1004 : i32 to vector<16xi32>
        %broadcast_in_dim3A_1007 = vector.broadcast %jit3A_1005 : i32 to vector<16xi32>
        %select_n3A_1008 = arith.select %le3A_1003, %broadcast_in_dim3A_1006, %broadcast_in_dim3A_1007 : vector<16xi1>, vector<16xi32>
        %add3A_1009 = arith.addi %add3A_998, %select_n3A_1008 : vector<16xi32>
        %add3A_1010 = arith.constant 0 : i32
        %add3A_1011 = vector.broadcast %add3A_1010 : i32 to vector<16xi32>
        %add3A_1012 = arith.addi %add3A_1009, %add3A_1011 : vector<16xi32>
        %gather3A_1013 = tpu.vector_load_idx %arg12[%add3A_1012] : memref<16xi32, #tpu.memory_space<vmem>>[vector<16xi32>], vector<16xi32>,
        %le3A_1014 = arith.cmpi sle, %gather3A_1013, %min3A_890 : vector<16xi32>
        %jit3A_1015 = arith.constant 1 : i32
        %jit3A_1016 = arith.constant 0 : i32
        %broadcast_in_dim3A_1017 = vector.broadcast %jit3A_1015 : i32 to vector<16xi32>
        %broadcast_in_dim3A_1018 = vector.broadcast %jit3A_1016 : i32 to vector<16xi32>
        %select_n3A_1019 = arith.select %le3A_1014, %broadcast_in_dim3A_1017, %broadcast_in_dim3A_1018 : vector<16xi1>, vector<16xi32>
        %add3A_1020 = arith.addi %add3A_1009, %select_n3A_1019 : vector<16xi32>
        %shift_left3A_1021 = arith.constant 11 : i32
        %shift_left3A_1022 = vector.broadcast %shift_left3A_1021 : i32 to vector<16xi32>
        %shift_left3A_1023 = arith.shli %add3A_1020, %shift_left3A_1022 : vector<16xi32>
        %add3A_1024 = arith.addi %shift_left3A_1023, %min3A_890 : vector<16xi32>
        %gather3A_1025 = tpu.vector_load_idx %arg13[%add3A_1020] : memref<16xi32, #tpu.memory_space<vmem>>[vector<16xi32>], vector<16xi32>,
        %sub3A_1026 = arith.subi %add3A_1024, %gather3A_1025 : vector<16xi32>
        %mul3A_1027 = arith.constant 0 : i32
        %mul3A_1028 = vector.broadcast %mul3A_1027 : i32 to vector<16xi32>
        %mul3A_1029 = arith.muli %min3A_973, %mul3A_1028 : vector<16xi32>
        %add3A_1030 = arith.constant 7 : i32
        %add3A_1031 = vector.broadcast %add3A_1030 : i32 to vector<16xi32>
        %add3A_1032 = arith.addi %mul3A_1029, %add3A_1031 : vector<16xi32>
        %gather3A_1033 = tpu.vector_load_idx %arg14[%add3A_1032] : memref<16xi32, #tpu.memory_space<vmem>>[vector<16xi32>], vector<16xi32>,
        %le3A_1034 = arith.cmpi sle, %gather3A_1033, %min3A_973 : vector<16xi32>
        %jit3A_1035 = arith.constant 8 : i32
        %jit3A_1036 = arith.constant 0 : i32
        %broadcast_in_dim3A_1037 = vector.broadcast %jit3A_1035 : i32 to vector<16xi32>
        %broadcast_in_dim3A_1038 = vector.broadcast %jit3A_1036 : i32 to vector<16xi32>
        %select_n3A_1039 = arith.select %le3A_1034, %broadcast_in_dim3A_1037, %broadcast_in_dim3A_1038 : vector<16xi1>, vector<16xi32>
        %add3A_1040 = arith.addi %mul3A_1029, %select_n3A_1039 : vector<16xi32>
        %add3A_1041 = arith.constant 3 : i32
        %add3A_1042 = vector.broadcast %add3A_1041 : i32 to vector<16xi32>
        %add3A_1043 = arith.addi %add3A_1040, %add3A_1042 : vector<16xi32>
        %gather3A_1044 = tpu.vector_load_idx %arg14[%add3A_1043] : memref<16xi32, #tpu.memory_space<vmem>>[vector<16xi32>], vector<16xi32>,
        %le3A_1045 = arith.cmpi sle, %gather3A_1044, %min3A_973 : vector<16xi32>
        %jit3A_1046 = arith.constant 4 : i32
        %jit3A_1047 = arith.constant 0 : i32
        %broadcast_in_dim3A_1048 = vector.broadcast %jit3A_1046 : i32 to vector<16xi32>
        %broadcast_in_dim3A_1049 = vector.broadcast %jit3A_1047 : i32 to vector<16xi32>
        %select_n3A_1050 = arith.select %le3A_1045, %broadcast_in_dim3A_1048, %broadcast_in_dim3A_1049 : vector<16xi1>, vector<16xi32>
        %add3A_1051 = arith.addi %add3A_1040, %select_n3A_1050 : vector<16xi32>
        %add3A_1052 = arith.constant 1 : i32
        %add3A_1053 = vector.broadcast %add3A_1052 : i32 to vector<16xi32>
        %add3A_1054 = arith.addi %add3A_1051, %add3A_1053 : vector<16xi32>
        %gather3A_1055 = tpu.vector_load_idx %arg14[%add3A_1054] : memref<16xi32, #tpu.memory_space<vmem>>[vector<16xi32>], vector<16xi32>,
        %le3A_1056 = arith.cmpi sle, %gather3A_1055, %min3A_973 : vector<16xi32>
        %jit3A_1057 = arith.constant 2 : i32
        %jit3A_1058 = arith.constant 0 : i32
        %broadcast_in_dim3A_1059 = vector.broadcast %jit3A_1057 : i32 to vector<16xi32>
        %broadcast_in_dim3A_1060 = vector.broadcast %jit3A_1058 : i32 to vector<16xi32>
        %select_n3A_1061 = arith.select %le3A_1056, %broadcast_in_dim3A_1059, %broadcast_in_dim3A_1060 : vector<16xi1>, vector<16xi32>
        %add3A_1062 = arith.addi %add3A_1051, %select_n3A_1061 : vector<16xi32>
        %add3A_1063 = arith.constant 0 : i32
        %add3A_1064 = vector.broadcast %add3A_1063 : i32 to vector<16xi32>
        %add3A_1065 = arith.addi %add3A_1062, %add3A_1064 : vector<16xi32>
        %gather3A_1066 = tpu.vector_load_idx %arg14[%add3A_1065] : memref<16xi32, #tpu.memory_space<vmem>>[vector<16xi32>], vector<16xi32>,
        %le3A_1067 = arith.cmpi sle, %gather3A_1066, %min3A_973 : vector<16xi32>
        %jit3A_1068 = arith.constant 1 : i32
        %jit3A_1069 = arith.constant 0 : i32
        %broadcast_in_dim3A_1070 = vector.broadcast %jit3A_1068 : i32 to vector<16xi32>
        %broadcast_in_dim3A_1071 = vector.broadcast %jit3A_1069 : i32 to vector<16xi32>
        %select_n3A_1072 = arith.select %le3A_1067, %broadcast_in_dim3A_1070, %broadcast_in_dim3A_1071 : vector<16xi1>, vector<16xi32>
        %add3A_1073 = arith.addi %add3A_1062, %select_n3A_1072 : vector<16xi32>
        %shift_left3A_1074 = arith.constant 11 : i32
        %shift_left3A_1075 = vector.broadcast %shift_left3A_1074 : i32 to vector<16xi32>
        %shift_left3A_1076 = arith.shli %add3A_1073, %shift_left3A_1075 : vector<16xi32>
        %add3A_1077 = arith.constant 1024 : i32
        %add3A_1078 = vector.broadcast %add3A_1077 : i32 to vector<16xi32>
        %add3A_1079 = arith.addi %shift_left3A_1076, %add3A_1078 : vector<16xi32>
        %add3A_1080 = arith.addi %add3A_1079, %min3A_973 : vector<16xi32>
        %gather3A_1081 = tpu.vector_load_idx %arg15[%add3A_1073] : memref<16xi32, #tpu.memory_space<vmem>>[vector<16xi32>], vector<16xi32>,
        %sub3A_1082 = arith.subi %add3A_1080, %gather3A_1081 : vector<16xi32>
        %swap3A_1083 = arith.index_cast %mul3A_811 : i32 to index
        %swap3A_1084 = tpu.vector_load %arg16[%swap3A_1083] {strides = array<i32>} : memref<1024xi32, #tpu.memory_space<vmem>>, vector<16xi32>,
        tpu.vector_store %arg16[%swap3A_1083], %sub3A_1026 {strides = array<i32>} : memref<1024xi32, #tpu.memory_space<vmem>>, vector<16xi32>,
        %mul3A_1085 = arith.constant 16 : i32
        %mul3A_1086 = arith.muli %add3A_809, %mul3A_1085 : i32
        %add3A_1087 = arith.constant 512 : i32
        %add3A_1088 = arith.addi %add3A_1087, %mul3A_1086 : i32
        %swap3A_1089 = arith.index_cast %add3A_1088 : i32 to index
        %swap3A_1090 = tpu.vector_load %arg16[%swap3A_1089] {strides = array<i32>} : memref<1024xi32, #tpu.memory_space<vmem>>, vector<16xi32>,
        tpu.vector_store %arg16[%swap3A_1089], %sub3A_1082 {strides = array<i32>} : memref<1024xi32, #tpu.memory_space<vmem>>, vector<16xi32>,
        %mul3A_1091 = arith.constant 4 : i32
        %mul3A_1092 = arith.muli %scan3A_241, %mul3A_1091 : i32
        %add3A_1093 = arith.constant 3 : i32
        %add3A_1094 = arith.addi %mul3A_1092, %add3A_1093 : i32
        %mul3A_1095 = arith.constant 16 : i32
        %mul3A_1096 = arith.muli %add3A_1094, %mul3A_1095 : i32
        %get3A_1097 = arith.index_cast %mul3A_1096 : i32 to index
        %get3A_1098 = tpu.vector_load %arg10[%get3A_1097] {strides = array<i32>} : memref<2048xi32, #tpu.memory_space<vmem>>, vector<16xi32>,
        %mul3A_1099 = arith.constant 16 : i32
        %mul3A_1100 = arith.muli %add3A_1094, %mul3A_1099 : i32
        %add3A_1101 = arith.constant 512 : i32
        %add3A_1102 = arith.addi %add3A_1101, %mul3A_1100 : i32
        %get3A_1103 = arith.index_cast %add3A_1102 : i32 to index
        %get3A_1104 = tpu.vector_load %arg10[%get3A_1103] {strides = array<i32>} : memref<2048xi32, #tpu.memory_space<vmem>>, vector<16xi32>,
        %shift_right_logical3A_1105 = arith.constant 16 : i32
        %shift_right_logical3A_1106 = vector.broadcast %shift_right_logical3A_1105 : i32 to vector<16xi32>
        %shift_right_logical3A_1107 = arith.shrui %get3A_1098, %shift_right_logical3A_1106 : vector<16xi32>
        %and3A_1108 = arith.constant 65535 : i32
        %and3A_1109 = vector.broadcast %and3A_1108 : i32 to vector<16xi32>
        %and3A_1110 = arith.andi %get3A_1098, %and3A_1109 : vector<16xi32>
        %shift_right_logical3A_1111 = arith.constant 16 : i32
        %shift_right_logical3A_1112 = vector.broadcast %shift_right_logical3A_1111 : i32 to vector<16xi32>
        %shift_right_logical3A_1113 = arith.shrui %get3A_1104, %shift_right_logical3A_1112 : vector<16xi32>
        %and3A_1114 = arith.constant 65535 : i32
        %and3A_1115 = vector.broadcast %and3A_1114 : i32 to vector<16xi32>
        %and3A_1116 = arith.andi %get3A_1104, %and3A_1115 : vector<16xi32>
        %mul3A_1117 = arith.muli %shift_right_logical3A_1107, %select_n3A_139 : vector<16xi32>
        %mul3A_1118 = arith.muli %and3A_1110, %select_n3A_114 : vector<16xi32>
        %add3A_1119 = arith.addi %mul3A_1117, %mul3A_1118 : vector<16xi32>
        %convert_element_type3A_1120 = arith.sitofp %add3A_1119 : vector<16xi32> to vector<16xf32>
        %mul3A_1121 = arith.mulf %convert_element_type3A_1120, %div3A_64 : vector<16xf32>
        %convert_element_type3A_1122 = arith.fptosi %mul3A_1121 : vector<16xf32> to vector<16xi32>
        %mul3A_1123 = arith.muli %convert_element_type3A_1122, %add3A_54 : vector<16xi32>
        %sub3A_1124 = arith.subi %add3A_1119, %mul3A_1123 : vector<16xi32>
        %convert_element_type3A_1125 = arith.sitofp %sub3A_1124 : vector<16xi32> to vector<16xf32>
        %mul3A_1126 = arith.mulf %convert_element_type3A_1125, %div3A_64 : vector<16xf32>
        %convert_element_type3A_1127 = arith.fptosi %mul3A_1126 : vector<16xf32> to vector<16xi32>
        %mul3A_1128 = arith.muli %convert_element_type3A_1127, %add3A_54 : vector<16xi32>
        %sub3A_1129 = arith.subi %sub3A_1124, %mul3A_1128 : vector<16xi32>
        %ge3A_1130 = arith.cmpi sge, %sub3A_1129, %add3A_54 : vector<16xi32>
        %sub3A_1131 = arith.subi %sub3A_1129, %add3A_54 : vector<16xi32>
        %select_n3A_1132 = arith.select %ge3A_1130, %sub3A_1131, %sub3A_1129 : vector<16xi1>, vector<16xi32>
        %lt3A_1133 = arith.constant 0 : i32
        %lt3A_1134 = vector.broadcast %lt3A_1133 : i32 to vector<16xi32>
        %lt3A_1135 = arith.cmpi slt, %select_n3A_1132, %lt3A_1134 : vector<16xi32>
        %add3A_1136 = arith.addi %select_n3A_1132, %add3A_54 : vector<16xi32>
        %select_n3A_1137 = arith.select %lt3A_1135, %add3A_1136, %select_n3A_1132 : vector<16xi1>, vector<16xi32>
        %lt3A_1138 = arith.constant 0 : i32
        %lt3A_1139 = vector.broadcast %lt3A_1138 : i32 to vector<16xi32>
        %lt3A_1140 = arith.cmpi slt, %select_n3A_1137, %lt3A_1139 : vector<16xi32>
        %add3A_1141 = arith.addi %select_n3A_1137, %add3A_54 : vector<16xi32>
        %select_n3A_1142 = arith.select %lt3A_1140, %add3A_1141, %select_n3A_1137 : vector<16xi1>, vector<16xi32>
        %mul3A_1143 = arith.muli %shift_right_logical3A_1113, %select_n3A_90 : vector<16xi32>
        %add3A_1144 = arith.addi %select_n3A_1142, %mul3A_1143 : vector<16xi32>
        %add3A_1145 = arith.addi %add3A_1144, %and3A_1116 : vector<16xi32>
        %convert_element_type3A_1146 = arith.sitofp %add3A_1145 : vector<16xi32> to vector<16xf32>
        %mul3A_1147 = arith.mulf %convert_element_type3A_1146, %div3A_64 : vector<16xf32>
        %convert_element_type3A_1148 = arith.fptosi %mul3A_1147 : vector<16xf32> to vector<16xi32>
        %mul3A_1149 = arith.muli %convert_element_type3A_1148, %add3A_54 : vector<16xi32>
        %sub3A_1150 = arith.subi %add3A_1145, %mul3A_1149 : vector<16xi32>
        %convert_element_type3A_1151 = arith.sitofp %sub3A_1150 : vector<16xi32> to vector<16xf32>
        %mul3A_1152 = arith.mulf %convert_element_type3A_1151, %div3A_64 : vector<16xf32>
        %convert_element_type3A_1153 = arith.fptosi %mul3A_1152 : vector<16xf32> to vector<16xi32>
        %mul3A_1154 = arith.muli %convert_element_type3A_1153, %add3A_54 : vector<16xi32>
        %sub3A_1155 = arith.subi %sub3A_1150, %mul3A_1154 : vector<16xi32>
        %ge3A_1156 = arith.cmpi sge, %sub3A_1155, %add3A_54 : vector<16xi32>
        %sub3A_1157 = arith.subi %sub3A_1155, %add3A_54 : vector<16xi32>
        %select_n3A_1158 = arith.select %ge3A_1156, %sub3A_1157, %sub3A_1155 : vector<16xi1>, vector<16xi32>
        %lt3A_1159 = arith.constant 0 : i32
        %lt3A_1160 = vector.broadcast %lt3A_1159 : i32 to vector<16xi32>
        %lt3A_1161 = arith.cmpi slt, %select_n3A_1158, %lt3A_1160 : vector<16xi32>
        %add3A_1162 = arith.addi %select_n3A_1158, %add3A_54 : vector<16xi32>
        %select_n3A_1163 = arith.select %lt3A_1161, %add3A_1162, %select_n3A_1158 : vector<16xi1>, vector<16xi32>
        %lt3A_1164 = arith.constant 0 : i32
        %lt3A_1165 = vector.broadcast %lt3A_1164 : i32 to vector<16xi32>
        %lt3A_1166 = arith.cmpi slt, %select_n3A_1163, %lt3A_1165 : vector<16xi32>
        %add3A_1167 = arith.addi %select_n3A_1163, %add3A_54 : vector<16xi32>
        %select_n3A_1168 = arith.select %lt3A_1166, %add3A_1167, %select_n3A_1163 : vector<16xi1>, vector<16xi32>
        %max3A_1169 = arith.constant 0 : i32
        %max3A_1170 = vector.broadcast %max3A_1169 : i32 to vector<16xi32>
        %max3A_1171 = arith.maxsi %select_n3A_1168, %max3A_1170 : vector<16xi32>
        %sub3A_1172 = arith.constant 1 : i32
        %sub3A_1173 = vector.broadcast %sub3A_1172 : i32 to vector<16xi32>
        %sub3A_1174 = arith.subi %add3A_54, %sub3A_1173 : vector<16xi32>
        %min3A_1175 = arith.minsi %max3A_1171, %sub3A_1174 : vector<16xi32>
        %mul3A_1176 = arith.constant 16 : i32
        %mul3A_1177 = arith.muli %add3A_1094, %mul3A_1176 : i32
        %add3A_1178 = arith.constant 1024 : i32
        %add3A_1179 = arith.addi %add3A_1178, %mul3A_1177 : i32
        %get3A_1180 = arith.index_cast %add3A_1179 : i32 to index
        %get3A_1181 = tpu.vector_load %arg10[%get3A_1180] {strides = array<i32>} : memref<2048xi32, #tpu.memory_space<vmem>>, vector<16xi32>,
        %mul3A_1182 = arith.constant 16 : i32
        %mul3A_1183 = arith.muli %add3A_1094, %mul3A_1182 : i32
        %add3A_1184 = arith.constant 1536 : i32
        %add3A_1185 = arith.addi %add3A_1184, %mul3A_1183 : i32
        %get3A_1186 = arith.index_cast %add3A_1185 : i32 to index
        %get3A_1187 = tpu.vector_load %arg10[%get3A_1186] {strides = array<i32>} : memref<2048xi32, #tpu.memory_space<vmem>>, vector<16xi32>,
        %shift_right_logical3A_1188 = arith.constant 16 : i32
        %shift_right_logical3A_1189 = vector.broadcast %shift_right_logical3A_1188 : i32 to vector<16xi32>
        %shift_right_logical3A_1190 = arith.shrui %get3A_1181, %shift_right_logical3A_1189 : vector<16xi32>
        %and3A_1191 = arith.constant 65535 : i32
        %and3A_1192 = vector.broadcast %and3A_1191 : i32 to vector<16xi32>
        %and3A_1193 = arith.andi %get3A_1181, %and3A_1192 : vector<16xi32>
        %shift_right_logical3A_1194 = arith.constant 16 : i32
        %shift_right_logical3A_1195 = vector.broadcast %shift_right_logical3A_1194 : i32 to vector<16xi32>
        %shift_right_logical3A_1196 = arith.shrui %get3A_1187, %shift_right_logical3A_1195 : vector<16xi32>
        %and3A_1197 = arith.constant 65535 : i32
        %and3A_1198 = vector.broadcast %and3A_1197 : i32 to vector<16xi32>
        %and3A_1199 = arith.andi %get3A_1187, %and3A_1198 : vector<16xi32>
        %mul3A_1200 = arith.muli %shift_right_logical3A_1190, %select_n3A_212 : vector<16xi32>
        %mul3A_1201 = arith.muli %and3A_1193, %select_n3A_186 : vector<16xi32>
        %add3A_1202 = arith.addi %mul3A_1200, %mul3A_1201 : vector<16xi32>
        %convert_element_type3A_1203 = arith.sitofp %add3A_1202 : vector<16xi32> to vector<16xf32>
        %mul3A_1204 = arith.mulf %convert_element_type3A_1203, %div3A_68 : vector<16xf32>
        %convert_element_type3A_1205 = arith.fptosi %mul3A_1204 : vector<16xf32> to vector<16xi32>
        %mul3A_1206 = arith.muli %convert_element_type3A_1205, %add3A_61 : vector<16xi32>
        %sub3A_1207 = arith.subi %add3A_1202, %mul3A_1206 : vector<16xi32>
        %convert_element_type3A_1208 = arith.sitofp %sub3A_1207 : vector<16xi32> to vector<16xf32>
        %mul3A_1209 = arith.mulf %convert_element_type3A_1208, %div3A_68 : vector<16xf32>
        %convert_element_type3A_1210 = arith.fptosi %mul3A_1209 : vector<16xf32> to vector<16xi32>
        %mul3A_1211 = arith.muli %convert_element_type3A_1210, %add3A_61 : vector<16xi32>
        %sub3A_1212 = arith.subi %sub3A_1207, %mul3A_1211 : vector<16xi32>
        %ge3A_1213 = arith.cmpi sge, %sub3A_1212, %add3A_61 : vector<16xi32>
        %sub3A_1214 = arith.subi %sub3A_1212, %add3A_61 : vector<16xi32>
        %select_n3A_1215 = arith.select %ge3A_1213, %sub3A_1214, %sub3A_1212 : vector<16xi1>, vector<16xi32>
        %lt3A_1216 = arith.constant 0 : i32
        %lt3A_1217 = vector.broadcast %lt3A_1216 : i32 to vector<16xi32>
        %lt3A_1218 = arith.cmpi slt, %select_n3A_1215, %lt3A_1217 : vector<16xi32>
        %add3A_1219 = arith.addi %select_n3A_1215, %add3A_61 : vector<16xi32>
        %select_n3A_1220 = arith.select %lt3A_1218, %add3A_1219, %select_n3A_1215 : vector<16xi1>, vector<16xi32>
        %lt3A_1221 = arith.constant 0 : i32
        %lt3A_1222 = vector.broadcast %lt3A_1221 : i32 to vector<16xi32>
        %lt3A_1223 = arith.cmpi slt, %select_n3A_1220, %lt3A_1222 : vector<16xi32>
        %add3A_1224 = arith.addi %select_n3A_1220, %add3A_61 : vector<16xi32>
        %select_n3A_1225 = arith.select %lt3A_1223, %add3A_1224, %select_n3A_1220 : vector<16xi1>, vector<16xi32>
        %mul3A_1226 = arith.muli %shift_right_logical3A_1196, %select_n3A_162 : vector<16xi32>
        %add3A_1227 = arith.addi %select_n3A_1225, %mul3A_1226 : vector<16xi32>
        %add3A_1228 = arith.addi %add3A_1227, %and3A_1199 : vector<16xi32>
        %convert_element_type3A_1229 = arith.sitofp %add3A_1228 : vector<16xi32> to vector<16xf32>
        %mul3A_1230 = arith.mulf %convert_element_type3A_1229, %div3A_68 : vector<16xf32>
        %convert_element_type3A_1231 = arith.fptosi %mul3A_1230 : vector<16xf32> to vector<16xi32>
        %mul3A_1232 = arith.muli %convert_element_type3A_1231, %add3A_61 : vector<16xi32>
        %sub3A_1233 = arith.subi %add3A_1228, %mul3A_1232 : vector<16xi32>
        %convert_element_type3A_1234 = arith.sitofp %sub3A_1233 : vector<16xi32> to vector<16xf32>
        %mul3A_1235 = arith.mulf %convert_element_type3A_1234, %div3A_68 : vector<16xf32>
        %convert_element_type3A_1236 = arith.fptosi %mul3A_1235 : vector<16xf32> to vector<16xi32>
        %mul3A_1237 = arith.muli %convert_element_type3A_1236, %add3A_61 : vector<16xi32>
        %sub3A_1238 = arith.subi %sub3A_1233, %mul3A_1237 : vector<16xi32>
        %ge3A_1239 = arith.cmpi sge, %sub3A_1238, %add3A_61 : vector<16xi32>
        %sub3A_1240 = arith.subi %sub3A_1238, %add3A_61 : vector<16xi32>
        %select_n3A_1241 = arith.select %ge3A_1239, %sub3A_1240, %sub3A_1238 : vector<16xi1>, vector<16xi32>
        %lt3A_1242 = arith.constant 0 : i32
        %lt3A_1243 = vector.broadcast %lt3A_1242 : i32 to vector<16xi32>
        %lt3A_1244 = arith.cmpi slt, %select_n3A_1241, %lt3A_1243 : vector<16xi32>
        %add3A_1245 = arith.addi %select_n3A_1241, %add3A_61 : vector<16xi32>
        %select_n3A_1246 = arith.select %lt3A_1244, %add3A_1245, %select_n3A_1241 : vector<16xi1>, vector<16xi32>
        %lt3A_1247 = arith.constant 0 : i32
        %lt3A_1248 = vector.broadcast %lt3A_1247 : i32 to vector<16xi32>
        %lt3A_1249 = arith.cmpi slt, %select_n3A_1246, %lt3A_1248 : vector<16xi32>
        %add3A_1250 = arith.addi %select_n3A_1246, %add3A_61 : vector<16xi32>
        %select_n3A_1251 = arith.select %lt3A_1249, %add3A_1250, %select_n3A_1246 : vector<16xi1>, vector<16xi32>
        %max3A_1252 = arith.constant 0 : i32
        %max3A_1253 = vector.broadcast %max3A_1252 : i32 to vector<16xi32>
        %max3A_1254 = arith.maxsi %select_n3A_1251, %max3A_1253 : vector<16xi32>
        %sub3A_1255 = arith.constant 1 : i32
        %sub3A_1256 = vector.broadcast %sub3A_1255 : i32 to vector<16xi32>
        %sub3A_1257 = arith.subi %add3A_61, %sub3A_1256 : vector<16xi32>
        %min3A_1258 = arith.minsi %max3A_1254, %sub3A_1257 : vector<16xi32>
        %mul3A_1259 = arith.constant 0 : i32
        %mul3A_1260 = vector.broadcast %mul3A_1259 : i32 to vector<16xi32>
        %mul3A_1261 = arith.muli %min3A_1175, %mul3A_1260 : vector<16xi32>
        %add3A_1262 = arith.constant 7 : i32
        %add3A_1263 = vector.broadcast %add3A_1262 : i32 to vector<16xi32>
        %add3A_1264 = arith.addi %mul3A_1261, %add3A_1263 : vector<16xi32>
        %gather3A_1265 = tpu.vector_load_idx %arg12[%add3A_1264] : memref<16xi32, #tpu.memory_space<vmem>>[vector<16xi32>], vector<16xi32>,
        %le3A_1266 = arith.cmpi sle, %gather3A_1265, %min3A_1175 : vector<16xi32>
        %jit3A_1267 = arith.constant 8 : i32
        %jit3A_1268 = arith.constant 0 : i32
        %broadcast_in_dim3A_1269 = vector.broadcast %jit3A_1267 : i32 to vector<16xi32>
        %broadcast_in_dim3A_1270 = vector.broadcast %jit3A_1268 : i32 to vector<16xi32>
        %select_n3A_1271 = arith.select %le3A_1266, %broadcast_in_dim3A_1269, %broadcast_in_dim3A_1270 : vector<16xi1>, vector<16xi32>
        %add3A_1272 = arith.addi %mul3A_1261, %select_n3A_1271 : vector<16xi32>
        %add3A_1273 = arith.constant 3 : i32
        %add3A_1274 = vector.broadcast %add3A_1273 : i32 to vector<16xi32>
        %add3A_1275 = arith.addi %add3A_1272, %add3A_1274 : vector<16xi32>
        %gather3A_1276 = tpu.vector_load_idx %arg12[%add3A_1275] : memref<16xi32, #tpu.memory_space<vmem>>[vector<16xi32>], vector<16xi32>,
        %le3A_1277 = arith.cmpi sle, %gather3A_1276, %min3A_1175 : vector<16xi32>
        %jit3A_1278 = arith.constant 4 : i32
        %jit3A_1279 = arith.constant 0 : i32
        %broadcast_in_dim3A_1280 = vector.broadcast %jit3A_1278 : i32 to vector<16xi32>
        %broadcast_in_dim3A_1281 = vector.broadcast %jit3A_1279 : i32 to vector<16xi32>
        %select_n3A_1282 = arith.select %le3A_1277, %broadcast_in_dim3A_1280, %broadcast_in_dim3A_1281 : vector<16xi1>, vector<16xi32>
        %add3A_1283 = arith.addi %add3A_1272, %select_n3A_1282 : vector<16xi32>
        %add3A_1284 = arith.constant 1 : i32
        %add3A_1285 = vector.broadcast %add3A_1284 : i32 to vector<16xi32>
        %add3A_1286 = arith.addi %add3A_1283, %add3A_1285 : vector<16xi32>
        %gather3A_1287 = tpu.vector_load_idx %arg12[%add3A_1286] : memref<16xi32, #tpu.memory_space<vmem>>[vector<16xi32>], vector<16xi32>,
        %le3A_1288 = arith.cmpi sle, %gather3A_1287, %min3A_1175 : vector<16xi32>
        %jit3A_1289 = arith.constant 2 : i32
        %jit3A_1290 = arith.constant 0 : i32
        %broadcast_in_dim3A_1291 = vector.broadcast %jit3A_1289 : i32 to vector<16xi32>
        %broadcast_in_dim3A_1292 = vector.broadcast %jit3A_1290 : i32 to vector<16xi32>
        %select_n3A_1293 = arith.select %le3A_1288, %broadcast_in_dim3A_1291, %broadcast_in_dim3A_1292 : vector<16xi1>, vector<16xi32>
        %add3A_1294 = arith.addi %add3A_1283, %select_n3A_1293 : vector<16xi32>
        %add3A_1295 = arith.constant 0 : i32
        %add3A_1296 = vector.broadcast %add3A_1295 : i32 to vector<16xi32>
        %add3A_1297 = arith.addi %add3A_1294, %add3A_1296 : vector<16xi32>
        %gather3A_1298 = tpu.vector_load_idx %arg12[%add3A_1297] : memref<16xi32, #tpu.memory_space<vmem>>[vector<16xi32>], vector<16xi32>,
        %le3A_1299 = arith.cmpi sle, %gather3A_1298, %min3A_1175 : vector<16xi32>
        %jit3A_1300 = arith.constant 1 : i32
        %jit3A_1301 = arith.constant 0 : i32
        %broadcast_in_dim3A_1302 = vector.broadcast %jit3A_1300 : i32 to vector<16xi32>
        %broadcast_in_dim3A_1303 = vector.broadcast %jit3A_1301 : i32 to vector<16xi32>
        %select_n3A_1304 = arith.select %le3A_1299, %broadcast_in_dim3A_1302, %broadcast_in_dim3A_1303 : vector<16xi1>, vector<16xi32>
        %add3A_1305 = arith.addi %add3A_1294, %select_n3A_1304 : vector<16xi32>
        %shift_left3A_1306 = arith.constant 11 : i32
        %shift_left3A_1307 = vector.broadcast %shift_left3A_1306 : i32 to vector<16xi32>
        %shift_left3A_1308 = arith.shli %add3A_1305, %shift_left3A_1307 : vector<16xi32>
        %add3A_1309 = arith.addi %shift_left3A_1308, %min3A_1175 : vector<16xi32>
        %gather3A_1310 = tpu.vector_load_idx %arg13[%add3A_1305] : memref<16xi32, #tpu.memory_space<vmem>>[vector<16xi32>], vector<16xi32>,
        %sub3A_1311 = arith.subi %add3A_1309, %gather3A_1310 : vector<16xi32>
        %mul3A_1312 = arith.constant 0 : i32
        %mul3A_1313 = vector.broadcast %mul3A_1312 : i32 to vector<16xi32>
        %mul3A_1314 = arith.muli %min3A_1258, %mul3A_1313 : vector<16xi32>
        %add3A_1315 = arith.constant 7 : i32
        %add3A_1316 = vector.broadcast %add3A_1315 : i32 to vector<16xi32>
        %add3A_1317 = arith.addi %mul3A_1314, %add3A_1316 : vector<16xi32>
        %gather3A_1318 = tpu.vector_load_idx %arg14[%add3A_1317] : memref<16xi32, #tpu.memory_space<vmem>>[vector<16xi32>], vector<16xi32>,
        %le3A_1319 = arith.cmpi sle, %gather3A_1318, %min3A_1258 : vector<16xi32>
        %jit3A_1320 = arith.constant 8 : i32
        %jit3A_1321 = arith.constant 0 : i32
        %broadcast_in_dim3A_1322 = vector.broadcast %jit3A_1320 : i32 to vector<16xi32>
        %broadcast_in_dim3A_1323 = vector.broadcast %jit3A_1321 : i32 to vector<16xi32>
        %select_n3A_1324 = arith.select %le3A_1319, %broadcast_in_dim3A_1322, %broadcast_in_dim3A_1323 : vector<16xi1>, vector<16xi32>
        %add3A_1325 = arith.addi %mul3A_1314, %select_n3A_1324 : vector<16xi32>
        %add3A_1326 = arith.constant 3 : i32
        %add3A_1327 = vector.broadcast %add3A_1326 : i32 to vector<16xi32>
        %add3A_1328 = arith.addi %add3A_1325, %add3A_1327 : vector<16xi32>
        %gather3A_1329 = tpu.vector_load_idx %arg14[%add3A_1328] : memref<16xi32, #tpu.memory_space<vmem>>[vector<16xi32>], vector<16xi32>,
        %le3A_1330 = arith.cmpi sle, %gather3A_1329, %min3A_1258 : vector<16xi32>
        %jit3A_1331 = arith.constant 4 : i32
        %jit3A_1332 = arith.constant 0 : i32
        %broadcast_in_dim3A_1333 = vector.broadcast %jit3A_1331 : i32 to vector<16xi32>
        %broadcast_in_dim3A_1334 = vector.broadcast %jit3A_1332 : i32 to vector<16xi32>
        %select_n3A_1335 = arith.select %le3A_1330, %broadcast_in_dim3A_1333, %broadcast_in_dim3A_1334 : vector<16xi1>, vector<16xi32>
        %add3A_1336 = arith.addi %add3A_1325, %select_n3A_1335 : vector<16xi32>
        %add3A_1337 = arith.constant 1 : i32
        %add3A_1338 = vector.broadcast %add3A_1337 : i32 to vector<16xi32>
        %add3A_1339 = arith.addi %add3A_1336, %add3A_1338 : vector<16xi32>
        %gather3A_1340 = tpu.vector_load_idx %arg14[%add3A_1339] : memref<16xi32, #tpu.memory_space<vmem>>[vector<16xi32>], vector<16xi32>,
        %le3A_1341 = arith.cmpi sle, %gather3A_1340, %min3A_1258 : vector<16xi32>
        %jit3A_1342 = arith.constant 2 : i32
        %jit3A_1343 = arith.constant 0 : i32
        %broadcast_in_dim3A_1344 = vector.broadcast %jit3A_1342 : i32 to vector<16xi32>
        %broadcast_in_dim3A_1345 = vector.broadcast %jit3A_1343 : i32 to vector<16xi32>
        %select_n3A_1346 = arith.select %le3A_1341, %broadcast_in_dim3A_1344, %broadcast_in_dim3A_1345 : vector<16xi1>, vector<16xi32>
        %add3A_1347 = arith.addi %add3A_1336, %select_n3A_1346 : vector<16xi32>
        %add3A_1348 = arith.constant 0 : i32
        %add3A_1349 = vector.broadcast %add3A_1348 : i32 to vector<16xi32>
        %add3A_1350 = arith.addi %add3A_1347, %add3A_1349 : vector<16xi32>
        %gather3A_1351 = tpu.vector_load_idx %arg14[%add3A_1350] : memref<16xi32, #tpu.memory_space<vmem>>[vector<16xi32>], vector<16xi32>,
        %le3A_1352 = arith.cmpi sle, %gather3A_1351, %min3A_1258 : vector<16xi32>
        %jit3A_1353 = arith.constant 1 : i32
        %jit3A_1354 = arith.constant 0 : i32
        %broadcast_in_dim3A_1355 = vector.broadcast %jit3A_1353 : i32 to vector<16xi32>
        %broadcast_in_dim3A_1356 = vector.broadcast %jit3A_1354 : i32 to vector<16xi32>
        %select_n3A_1357 = arith.select %le3A_1352, %broadcast_in_dim3A_1355, %broadcast_in_dim3A_1356 : vector<16xi1>, vector<16xi32>
        %add3A_1358 = arith.addi %add3A_1347, %select_n3A_1357 : vector<16xi32>
        %shift_left3A_1359 = arith.constant 11 : i32
        %shift_left3A_1360 = vector.broadcast %shift_left3A_1359 : i32 to vector<16xi32>
        %shift_left3A_1361 = arith.shli %add3A_1358, %shift_left3A_1360 : vector<16xi32>
        %add3A_1362 = arith.constant 1024 : i32
        %add3A_1363 = vector.broadcast %add3A_1362 : i32 to vector<16xi32>
        %add3A_1364 = arith.addi %shift_left3A_1361, %add3A_1363 : vector<16xi32>
        %add3A_1365 = arith.addi %add3A_1364, %min3A_1258 : vector<16xi32>
        %gather3A_1366 = tpu.vector_load_idx %arg15[%add3A_1358] : memref<16xi32, #tpu.memory_space<vmem>>[vector<16xi32>], vector<16xi32>,
        %sub3A_1367 = arith.subi %add3A_1365, %gather3A_1366 : vector<16xi32>
        %swap3A_1368 = arith.index_cast %mul3A_1096 : i32 to index
        %swap3A_1369 = tpu.vector_load %arg16[%swap3A_1368] {strides = array<i32>} : memref<1024xi32, #tpu.memory_space<vmem>>, vector<16xi32>,
        tpu.vector_store %arg16[%swap3A_1368], %sub3A_1311 {strides = array<i32>} : memref<1024xi32, #tpu.memory_space<vmem>>, vector<16xi32>,
        %mul3A_1370 = arith.constant 16 : i32
        %mul3A_1371 = arith.muli %add3A_1094, %mul3A_1370 : i32
        %add3A_1372 = arith.constant 512 : i32
        %add3A_1373 = arith.addi %add3A_1372, %mul3A_1371 : i32
        %swap3A_1374 = arith.index_cast %add3A_1373 : i32 to index
        %swap3A_1375 = tpu.vector_load %arg16[%swap3A_1374] {strides = array<i32>} : memref<1024xi32, #tpu.memory_space<vmem>>, vector<16xi32>,
        tpu.vector_store %arg16[%swap3A_1374], %sub3A_1367 {strides = array<i32>} : memref<1024xi32, #tpu.memory_space<vmem>>, vector<16xi32>,
      }
      %scan3A_218 = arith.constant 8 : i32
      %mul3A_219 = arith.constant 2 : i32
      %mul3A_220 = arith.muli %arg1, %mul3A_219 : i32
      %mul3A_221 = arith.constant 512 : i32
      %mul3A_222 = arith.muli %mul3A_220, %mul3A_221 : i32
      "tpu.region"() ({
        %run_scoped3A = tpu.sem_alloc : memref<!tpu.dma_semaphore, #tpu.memory_space<semaphore_mem>>
        %dma_start3A_241 = tpu.memref_slice %arg28[%mul3A_222] : memref<16384xi32, #tpu.memory_space<vmem_shared>> -> memref<1024xi32, #tpu.memory_space<vmem_shared>>
        %dma_start3A_242 = tpu.memref_slice %arg28[%mul3A_222] : memref<16384xi32, #tpu.memory_space<vmem_shared>> -> memref<1024xi32, #tpu.memory_space<vmem_shared>>
        tpu.enqueue_dma source(%arg16 : memref<1024xi32, #tpu.memory_space<vmem>>) target(%dma_start3A_242 : memref<1024xi32, #tpu.memory_space<vmem_shared>>) target_semaphore(%run_scoped3A : memref<!tpu.dma_semaphore, #tpu.memory_space<semaphore_mem>>)
        %dma_wait3A_243 = tpu.memref_slice %arg28[%mul3A_222] : memref<16384xi32, #tpu.memory_space<vmem_shared>> -> memref<1024xi32, #tpu.memory_space<vmem_shared>>
        %dma_wait3A_244 = tpu.memref_slice %arg28[%mul3A_222] : memref<16384xi32, #tpu.memory_space<vmem_shared>> -> memref<1024xi32, #tpu.memory_space<vmem_shared>>
        tpu.wait_dma2 semaphore(%run_scoped3A : memref<!tpu.dma_semaphore, #tpu.memory_space<semaphore_mem>>) src(%arg16 : memref<1024xi32, #tpu.memory_space<vmem>>) dst(%dma_wait3A_244 : memref<1024xi32, #tpu.memory_space<vmem_shared>>)
        tpu.yield
      }) : () -> ()
      %barrier3A_223 = arith.constant 0 : index
      tpu.barrier barrier_id(%barrier3A_223)
      tpu.wait_dma2 semaphore(%arg23 : memref<!tpu.dma_semaphore, #tpu.memory_space<semaphore_mem>>) src(%arg25 : memref<32768xf32, #tpu.memory_space<vmem_shared>>) dst(%arg17 : memref<32768xf32, #tpu.memory_space<vmem>>)
      %barrier3A_224 = arith.constant 0 : index
      tpu.barrier barrier_id(%barrier3A_224)
      %broadcast_in_dim3A_225 = arith.constant 0.000000e+00 : f32
      %broadcast_in_dim3A_226 = vector.broadcast %broadcast_in_dim3A_225 : f32 to vector<16xf32>
      %scan3A_227 = arith.constant 0 : i32
      %scan3A_228 = arith.constant 4 : i32
      %scan3A_229 = arith.addi %scan3A_227, %scan3A_228 : i32
      %scan3A_230 = arith.constant 1 : i32
      %scan3A_231 = scf.for %scan3A_241 = %scan3A_227 to %scan3A_229 step %scan3A_230 iter_args(%scan3A_242 = %broadcast_in_dim3A_226) -> (vector<16xf32>)  : i32 {
        %mul3A_243 = arith.constant 8 : i32
        %mul3A_244 = arith.muli %scan3A_241, %mul3A_243 : i32
        %add3A_245 = arith.constant 0 : i32
        %add3A_246 = arith.addi %mul3A_244, %add3A_245 : i32
        %mul3A_247 = arith.constant 16 : i32
        %mul3A_248 = arith.muli %add3A_246, %mul3A_247 : i32
        %get3A = arith.index_cast %mul3A_248 : i32 to index
        %get3A_249 = tpu.vector_load %arg16[%get3A] {strides = array<i32>} : memref<1024xi32, #tpu.memory_space<vmem>>, vector<16xi32>,
        %add3A_250 = arith.constant 512 : i32
        %add3A_251 = arith.addi %add3A_250, %mul3A_248 : i32
        %get3A_252 = arith.index_cast %add3A_251 : i32 to index
        %get3A_253 = tpu.vector_load %arg16[%get3A_252] {strides = array<i32>} : memref<1024xi32, #tpu.memory_space<vmem>>, vector<16xi32>,
        %gather3A_254 = tpu.vector_load_idx %arg17[%get3A_249] : memref<32768xf32, #tpu.memory_space<vmem>>[vector<16xi32>], vector<16xf32>,
        %gather3A_255 = tpu.vector_load_idx %arg17[%get3A_253] : memref<32768xf32, #tpu.memory_space<vmem>>[vector<16xi32>], vector<16xf32>,
        %sub3A_256 = arith.subf %gather3A_255, %gather3A_254 : vector<16xf32>
        %add3A_257 = arith.constant 1.000000e-01 : f32
        %add3A_258 = vector.broadcast %add3A_257 : f32 to vector<16xf32>
        %add3A_259 = arith.addf %sub3A_256, %add3A_258 : vector<16xf32>
        %max3A_260 = arith.constant 0.000000e+00 : f32
        %max3A_261 = vector.broadcast %max3A_260 : f32 to vector<16xf32>
        %max3A_262 = arith.maximumf %add3A_259, %max3A_261 : vector<16xf32>
        %add3A_263 = arith.addf %scan3A_242, %max3A_262 : vector<16xf32>
        %mul3A_264 = arith.constant 8 : i32
        %mul3A_265 = arith.muli %scan3A_241, %mul3A_264 : i32
        %add3A_266 = arith.constant 1 : i32
        %add3A_267 = arith.addi %mul3A_265, %add3A_266 : i32
        %mul3A_268 = arith.constant 16 : i32
        %mul3A_269 = arith.muli %add3A_267, %mul3A_268 : i32
        %get3A_270 = arith.index_cast %mul3A_269 : i32 to index
        %get3A_271 = tpu.vector_load %arg16[%get3A_270] {strides = array<i32>} : memref<1024xi32, #tpu.memory_space<vmem>>, vector<16xi32>,
        %add3A_272 = arith.constant 512 : i32
        %add3A_273 = arith.addi %add3A_272, %mul3A_269 : i32
        %get3A_274 = arith.index_cast %add3A_273 : i32 to index
        %get3A_275 = tpu.vector_load %arg16[%get3A_274] {strides = array<i32>} : memref<1024xi32, #tpu.memory_space<vmem>>, vector<16xi32>,
        %gather3A_276 = tpu.vector_load_idx %arg17[%get3A_271] : memref<32768xf32, #tpu.memory_space<vmem>>[vector<16xi32>], vector<16xf32>,
        %gather3A_277 = tpu.vector_load_idx %arg17[%get3A_275] : memref<32768xf32, #tpu.memory_space<vmem>>[vector<16xi32>], vector<16xf32>,
        %sub3A_278 = arith.subf %gather3A_277, %gather3A_276 : vector<16xf32>
        %add3A_279 = arith.constant 1.000000e-01 : f32
        %add3A_280 = vector.broadcast %add3A_279 : f32 to vector<16xf32>
        %add3A_281 = arith.addf %sub3A_278, %add3A_280 : vector<16xf32>
        %max3A_282 = arith.constant 0.000000e+00 : f32
        %max3A_283 = vector.broadcast %max3A_282 : f32 to vector<16xf32>
        %max3A_284 = arith.maximumf %add3A_281, %max3A_283 : vector<16xf32>
        %add3A_285 = arith.addf %add3A_263, %max3A_284 : vector<16xf32>
        %mul3A_286 = arith.constant 8 : i32
        %mul3A_287 = arith.muli %scan3A_241, %mul3A_286 : i32
        %add3A_288 = arith.constant 2 : i32
        %add3A_289 = arith.addi %mul3A_287, %add3A_288 : i32
        %mul3A_290 = arith.constant 16 : i32
        %mul3A_291 = arith.muli %add3A_289, %mul3A_290 : i32
        %get3A_292 = arith.index_cast %mul3A_291 : i32 to index
        %get3A_293 = tpu.vector_load %arg16[%get3A_292] {strides = array<i32>} : memref<1024xi32, #tpu.memory_space<vmem>>, vector<16xi32>,
        %add3A_294 = arith.constant 512 : i32
        %add3A_295 = arith.addi %add3A_294, %mul3A_291 : i32
        %get3A_296 = arith.index_cast %add3A_295 : i32 to index
        %get3A_297 = tpu.vector_load %arg16[%get3A_296] {strides = array<i32>} : memref<1024xi32, #tpu.memory_space<vmem>>, vector<16xi32>,
        %gather3A_298 = tpu.vector_load_idx %arg17[%get3A_293] : memref<32768xf32, #tpu.memory_space<vmem>>[vector<16xi32>], vector<16xf32>,
        %gather3A_299 = tpu.vector_load_idx %arg17[%get3A_297] : memref<32768xf32, #tpu.memory_space<vmem>>[vector<16xi32>], vector<16xf32>,
        %sub3A_300 = arith.subf %gather3A_299, %gather3A_298 : vector<16xf32>
        %add3A_301 = arith.constant 1.000000e-01 : f32
        %add3A_302 = vector.broadcast %add3A_301 : f32 to vector<16xf32>
        %add3A_303 = arith.addf %sub3A_300, %add3A_302 : vector<16xf32>
        %max3A_304 = arith.constant 0.000000e+00 : f32
        %max3A_305 = vector.broadcast %max3A_304 : f32 to vector<16xf32>
        %max3A_306 = arith.maximumf %add3A_303, %max3A_305 : vector<16xf32>
        %add3A_307 = arith.addf %add3A_285, %max3A_306 : vector<16xf32>
        %mul3A_308 = arith.constant 8 : i32
        %mul3A_309 = arith.muli %scan3A_241, %mul3A_308 : i32
        %add3A_310 = arith.constant 3 : i32
        %add3A_311 = arith.addi %mul3A_309, %add3A_310 : i32
        %mul3A_312 = arith.constant 16 : i32
        %mul3A_313 = arith.muli %add3A_311, %mul3A_312 : i32
        %get3A_314 = arith.index_cast %mul3A_313 : i32 to index
        %get3A_315 = tpu.vector_load %arg16[%get3A_314] {strides = array<i32>} : memref<1024xi32, #tpu.memory_space<vmem>>, vector<16xi32>,
        %add3A_316 = arith.constant 512 : i32
        %add3A_317 = arith.addi %add3A_316, %mul3A_313 : i32
        %get3A_318 = arith.index_cast %add3A_317 : i32 to index
        %get3A_319 = tpu.vector_load %arg16[%get3A_318] {strides = array<i32>} : memref<1024xi32, #tpu.memory_space<vmem>>, vector<16xi32>,
        %gather3A_320 = tpu.vector_load_idx %arg17[%get3A_315] : memref<32768xf32, #tpu.memory_space<vmem>>[vector<16xi32>], vector<16xf32>,
        %gather3A_321 = tpu.vector_load_idx %arg17[%get3A_319] : memref<32768xf32, #tpu.memory_space<vmem>>[vector<16xi32>], vector<16xf32>,
        %sub3A_322 = arith.subf %gather3A_321, %gather3A_320 : vector<16xf32>
        %add3A_323 = arith.constant 1.000000e-01 : f32
        %add3A_324 = vector.broadcast %add3A_323 : f32 to vector<16xf32>
        %add3A_325 = arith.addf %sub3A_322, %add3A_324 : vector<16xf32>
        %max3A_326 = arith.constant 0.000000e+00 : f32
        %max3A_327 = vector.broadcast %max3A_326 : f32 to vector<16xf32>
        %max3A_328 = arith.maximumf %add3A_325, %max3A_327 : vector<16xf32>
        %add3A_329 = arith.addf %add3A_307, %max3A_328 : vector<16xf32>
        %mul3A_330 = arith.constant 8 : i32
        %mul3A_331 = arith.muli %scan3A_241, %mul3A_330 : i32
        %add3A_332 = arith.constant 4 : i32
        %add3A_333 = arith.addi %mul3A_331, %add3A_332 : i32
        %mul3A_334 = arith.constant 16 : i32
        %mul3A_335 = arith.muli %add3A_333, %mul3A_334 : i32
        %get3A_336 = arith.index_cast %mul3A_335 : i32 to index
        %get3A_337 = tpu.vector_load %arg16[%get3A_336] {strides = array<i32>} : memref<1024xi32, #tpu.memory_space<vmem>>, vector<16xi32>,
        %add3A_338 = arith.constant 512 : i32
        %add3A_339 = arith.addi %add3A_338, %mul3A_335 : i32
        %get3A_340 = arith.index_cast %add3A_339 : i32 to index
        %get3A_341 = tpu.vector_load %arg16[%get3A_340] {strides = array<i32>} : memref<1024xi32, #tpu.memory_space<vmem>>, vector<16xi32>,
        %gather3A_342 = tpu.vector_load_idx %arg17[%get3A_337] : memref<32768xf32, #tpu.memory_space<vmem>>[vector<16xi32>], vector<16xf32>,
        %gather3A_343 = tpu.vector_load_idx %arg17[%get3A_341] : memref<32768xf32, #tpu.memory_space<vmem>>[vector<16xi32>], vector<16xf32>,
        %sub3A_344 = arith.subf %gather3A_343, %gather3A_342 : vector<16xf32>
        %add3A_345 = arith.constant 1.000000e-01 : f32
        %add3A_346 = vector.broadcast %add3A_345 : f32 to vector<16xf32>
        %add3A_347 = arith.addf %sub3A_344, %add3A_346 : vector<16xf32>
        %max3A_348 = arith.constant 0.000000e+00 : f32
        %max3A_349 = vector.broadcast %max3A_348 : f32 to vector<16xf32>
        %max3A_350 = arith.maximumf %add3A_347, %max3A_349 : vector<16xf32>
        %add3A_351 = arith.addf %add3A_329, %max3A_350 : vector<16xf32>
        %mul3A_352 = arith.constant 8 : i32
        %mul3A_353 = arith.muli %scan3A_241, %mul3A_352 : i32
        %add3A_354 = arith.constant 5 : i32
        %add3A_355 = arith.addi %mul3A_353, %add3A_354 : i32
        %mul3A_356 = arith.constant 16 : i32
        %mul3A_357 = arith.muli %add3A_355, %mul3A_356 : i32
        %get3A_358 = arith.index_cast %mul3A_357 : i32 to index
        %get3A_359 = tpu.vector_load %arg16[%get3A_358] {strides = array<i32>} : memref<1024xi32, #tpu.memory_space<vmem>>, vector<16xi32>,
        %add3A_360 = arith.constant 512 : i32
        %add3A_361 = arith.addi %add3A_360, %mul3A_357 : i32
        %get3A_362 = arith.index_cast %add3A_361 : i32 to index
        %get3A_363 = tpu.vector_load %arg16[%get3A_362] {strides = array<i32>} : memref<1024xi32, #tpu.memory_space<vmem>>, vector<16xi32>,
        %gather3A_364 = tpu.vector_load_idx %arg17[%get3A_359] : memref<32768xf32, #tpu.memory_space<vmem>>[vector<16xi32>], vector<16xf32>,
        %gather3A_365 = tpu.vector_load_idx %arg17[%get3A_363] : memref<32768xf32, #tpu.memory_space<vmem>>[vector<16xi32>], vector<16xf32>,
        %sub3A_366 = arith.subf %gather3A_365, %gather3A_364 : vector<16xf32>
        %add3A_367 = arith.constant 1.000000e-01 : f32
        %add3A_368 = vector.broadcast %add3A_367 : f32 to vector<16xf32>
        %add3A_369 = arith.addf %sub3A_366, %add3A_368 : vector<16xf32>
        %max3A_370 = arith.constant 0.000000e+00 : f32
        %max3A_371 = vector.broadcast %max3A_370 : f32 to vector<16xf32>
        %max3A_372 = arith.maximumf %add3A_369, %max3A_371 : vector<16xf32>
        %add3A_373 = arith.addf %add3A_351, %max3A_372 : vector<16xf32>
        %mul3A_374 = arith.constant 8 : i32
        %mul3A_375 = arith.muli %scan3A_241, %mul3A_374 : i32
        %add3A_376 = arith.constant 6 : i32
        %add3A_377 = arith.addi %mul3A_375, %add3A_376 : i32
        %mul3A_378 = arith.constant 16 : i32
        %mul3A_379 = arith.muli %add3A_377, %mul3A_378 : i32
        %get3A_380 = arith.index_cast %mul3A_379 : i32 to index
        %get3A_381 = tpu.vector_load %arg16[%get3A_380] {strides = array<i32>} : memref<1024xi32, #tpu.memory_space<vmem>>, vector<16xi32>,
        %add3A_382 = arith.constant 512 : i32
        %add3A_383 = arith.addi %add3A_382, %mul3A_379 : i32
        %get3A_384 = arith.index_cast %add3A_383 : i32 to index
        %get3A_385 = tpu.vector_load %arg16[%get3A_384] {strides = array<i32>} : memref<1024xi32, #tpu.memory_space<vmem>>, vector<16xi32>,
        %gather3A_386 = tpu.vector_load_idx %arg17[%get3A_381] : memref<32768xf32, #tpu.memory_space<vmem>>[vector<16xi32>], vector<16xf32>,
        %gather3A_387 = tpu.vector_load_idx %arg17[%get3A_385] : memref<32768xf32, #tpu.memory_space<vmem>>[vector<16xi32>], vector<16xf32>,
        %sub3A_388 = arith.subf %gather3A_387, %gather3A_386 : vector<16xf32>
        %add3A_389 = arith.constant 1.000000e-01 : f32
        %add3A_390 = vector.broadcast %add3A_389 : f32 to vector<16xf32>
        %add3A_391 = arith.addf %sub3A_388, %add3A_390 : vector<16xf32>
        %max3A_392 = arith.constant 0.000000e+00 : f32
        %max3A_393 = vector.broadcast %max3A_392 : f32 to vector<16xf32>
        %max3A_394 = arith.maximumf %add3A_391, %max3A_393 : vector<16xf32>
        %add3A_395 = arith.addf %add3A_373, %max3A_394 : vector<16xf32>
        %mul3A_396 = arith.constant 8 : i32
        %mul3A_397 = arith.muli %scan3A_241, %mul3A_396 : i32
        %add3A_398 = arith.constant 7 : i32
        %add3A_399 = arith.addi %mul3A_397, %add3A_398 : i32
        %mul3A_400 = arith.constant 16 : i32
        %mul3A_401 = arith.muli %add3A_399, %mul3A_400 : i32
        %get3A_402 = arith.index_cast %mul3A_401 : i32 to index
        %get3A_403 = tpu.vector_load %arg16[%get3A_402] {strides = array<i32>} : memref<1024xi32, #tpu.memory_space<vmem>>, vector<16xi32>,
        %add3A_404 = arith.constant 512 : i32
        %add3A_405 = arith.addi %add3A_404, %mul3A_401 : i32
        %get3A_406 = arith.index_cast %add3A_405 : i32 to index
        %get3A_407 = tpu.vector_load %arg16[%get3A_406] {strides = array<i32>} : memref<1024xi32, #tpu.memory_space<vmem>>, vector<16xi32>,
        %gather3A_408 = tpu.vector_load_idx %arg17[%get3A_403] : memref<32768xf32, #tpu.memory_space<vmem>>[vector<16xi32>], vector<16xf32>,
        %gather3A_409 = tpu.vector_load_idx %arg17[%get3A_407] : memref<32768xf32, #tpu.memory_space<vmem>>[vector<16xi32>], vector<16xf32>,
        %sub3A_410 = arith.subf %gather3A_409, %gather3A_408 : vector<16xf32>
        %add3A_411 = arith.constant 1.000000e-01 : f32
        %add3A_412 = vector.broadcast %add3A_411 : f32 to vector<16xf32>
        %add3A_413 = arith.addf %sub3A_410, %add3A_412 : vector<16xf32>
        %max3A_414 = arith.constant 0.000000e+00 : f32
        %max3A_415 = vector.broadcast %max3A_414 : f32 to vector<16xf32>
        %max3A_416 = arith.maximumf %add3A_413, %max3A_415 : vector<16xf32>
        %add3A_417 = arith.addf %add3A_395, %max3A_416 : vector<16xf32>
        scf.yield %add3A_417 : vector<16xf32>
      }
      %scan3A_232 = arith.constant 4 : i32
      %swap3A_233 = arith.constant 0 : index
      %swap3A_234 = tpu.vector_load %arg19[%swap3A_233] {strides = array<i32>} : memref<16xf32, #tpu.memory_space<vmem>>, vector<16xf32>,
      tpu.vector_store %arg19[%swap3A_233], %scan3A_231 {strides = array<i32>} : memref<16xf32, #tpu.memory_space<vmem>>, vector<16xf32>,
      "tpu.region"() ({
        %run_scoped3A = tpu.sem_alloc : memref<!tpu.dma_semaphore, #tpu.memory_space<semaphore_mem>>
        %dma_start3A_241 = arith.constant 0 : i32
        %dma_start3A_242 = tpu.memref_slice %arg27[%arg1, %dma_start3A_241] : memref<16x16xf32, #tpu.memory_space<vmem_shared>> -> memref<1x16xf32, #tpu.memory_space<vmem_shared>>
        %dma_start3A_243 = tpu.memref_squeeze %dma_start3A_242 : memref<1x16xf32, #tpu.memory_space<vmem_shared>> -> memref<16xf32, #tpu.memory_space<vmem_shared>>
        %dma_start3A_244 = arith.constant 0 : i32
        %dma_start3A_245 = tpu.memref_slice %arg27[%arg1, %dma_start3A_244] : memref<16x16xf32, #tpu.memory_space<vmem_shared>> -> memref<1x16xf32, #tpu.memory_space<vmem_shared>>
        %dma_start3A_246 = tpu.memref_squeeze %dma_start3A_245 : memref<1x16xf32, #tpu.memory_space<vmem_shared>> -> memref<16xf32, #tpu.memory_space<vmem_shared>>
        tpu.enqueue_dma source(%arg19 : memref<16xf32, #tpu.memory_space<vmem>>) target(%dma_start3A_246 : memref<16xf32, #tpu.memory_space<vmem_shared>>) target_semaphore(%run_scoped3A : memref<!tpu.dma_semaphore, #tpu.memory_space<semaphore_mem>>)
        %dma_wait3A_247 = arith.constant 0 : i32
        %dma_wait3A_248 = tpu.memref_slice %arg27[%arg1, %dma_wait3A_247] : memref<16x16xf32, #tpu.memory_space<vmem_shared>> -> memref<1x16xf32, #tpu.memory_space<vmem_shared>>
        %dma_wait3A_249 = tpu.memref_squeeze %dma_wait3A_248 : memref<1x16xf32, #tpu.memory_space<vmem_shared>> -> memref<16xf32, #tpu.memory_space<vmem_shared>>
        %dma_wait3A_250 = arith.constant 0 : i32
        %dma_wait3A_251 = tpu.memref_slice %arg27[%arg1, %dma_wait3A_250] : memref<16x16xf32, #tpu.memory_space<vmem_shared>> -> memref<1x16xf32, #tpu.memory_space<vmem_shared>>
        %dma_wait3A_252 = tpu.memref_squeeze %dma_wait3A_251 : memref<1x16xf32, #tpu.memory_space<vmem_shared>> -> memref<16xf32, #tpu.memory_space<vmem_shared>>
        tpu.wait_dma2 semaphore(%run_scoped3A : memref<!tpu.dma_semaphore, #tpu.memory_space<semaphore_mem>>) src(%arg19 : memref<16xf32, #tpu.memory_space<vmem>>) dst(%dma_wait3A_252 : memref<16xf32, #tpu.memory_space<vmem_shared>>)
        tpu.yield
      }) : () -> ()
      %barrier3A_235 = arith.constant 0 : index
      tpu.barrier barrier_id(%barrier3A_235)
      %eq3A_236 = arith.constant 0 : i32
      %eq3A_237 = arith.cmpi eq, %arg1, %eq3A_236 : i32
      %convert_element_type3A_238 = arith.extui %eq3A_237 : i1 to i32
      %cond3A_239 = arith.constant 0 : i32
      %cond3A_240 = arith.cmpi ne, %convert_element_type3A_238, %cond3A_239 : i32
      scf.if %cond3A_240 {
        "tpu.region"() ({
          %run_scoped3A = tpu.sem_alloc : memref<!tpu.dma_semaphore, #tpu.memory_space<semaphore_mem>>
          tpu.enqueue_dma source(%arg27 : memref<16x16xf32, #tpu.memory_space<vmem_shared>>) target(%arg20 : memref<16x16xf32, #tpu.memory_space<vmem>>) target_semaphore(%run_scoped3A : memref<!tpu.dma_semaphore, #tpu.memory_space<semaphore_mem>>)
          tpu.wait_dma2 semaphore(%run_scoped3A : memref<!tpu.dma_semaphore, #tpu.memory_space<semaphore_mem>>) src(%arg27 : memref<16x16xf32, #tpu.memory_space<vmem_shared>>) dst(%arg20 : memref<16x16xf32, #tpu.memory_space<vmem>>)
          tpu.yield
        }) : () -> ()
        %broadcast_in_dim3A_241 = arith.constant 0.000000e+00 : f32
        %broadcast_in_dim3A_242 = vector.broadcast %broadcast_in_dim3A_241 : f32 to vector<16xf32>
        %mul3A_243 = arith.constant 0 : i32
        %mul3A_244 = vector.broadcast %mul3A_243 : i32 to vector<16xi32>
        %mul3A_245 = arith.muli %iota3A, %mul3A_244 : vector<16xi32>
        %add3A_246 = arith.constant 0 : i32
        %add3A_247 = vector.broadcast %add3A_246 : i32 to vector<16xi32>
        %add3A_248 = arith.addi %mul3A_245, %add3A_247 : vector<16xi32>
        %gather3A_249 = tpu.vector_load_idx %arg20[%add3A_248, %iota3A] : memref<16x16xf32, #tpu.memory_space<vmem>>[vector<16xi32>, vector<16xi32>], vector<16xf32>,
        %add3A_250 = arith.addf %broadcast_in_dim3A_242, %gather3A_249 : vector<16xf32>
        %mul3A_251 = arith.constant 0 : i32
        %mul3A_252 = vector.broadcast %mul3A_251 : i32 to vector<16xi32>
        %mul3A_253 = arith.muli %iota3A, %mul3A_252 : vector<16xi32>
        %add3A_254 = arith.constant 1 : i32
        %add3A_255 = vector.broadcast %add3A_254 : i32 to vector<16xi32>
        %add3A_256 = arith.addi %mul3A_253, %add3A_255 : vector<16xi32>
        %gather3A_257 = tpu.vector_load_idx %arg20[%add3A_256, %iota3A] : memref<16x16xf32, #tpu.memory_space<vmem>>[vector<16xi32>, vector<16xi32>], vector<16xf32>,
        %add3A_258 = arith.addf %add3A_250, %gather3A_257 : vector<16xf32>
        %mul3A_259 = arith.constant 0 : i32
        %mul3A_260 = vector.broadcast %mul3A_259 : i32 to vector<16xi32>
        %mul3A_261 = arith.muli %iota3A, %mul3A_260 : vector<16xi32>
        %add3A_262 = arith.constant 2 : i32
        %add3A_263 = vector.broadcast %add3A_262 : i32 to vector<16xi32>
        %add3A_264 = arith.addi %mul3A_261, %add3A_263 : vector<16xi32>
        %gather3A_265 = tpu.vector_load_idx %arg20[%add3A_264, %iota3A] : memref<16x16xf32, #tpu.memory_space<vmem>>[vector<16xi32>, vector<16xi32>], vector<16xf32>,
        %add3A_266 = arith.addf %add3A_258, %gather3A_265 : vector<16xf32>
        %mul3A_267 = arith.constant 0 : i32
        %mul3A_268 = vector.broadcast %mul3A_267 : i32 to vector<16xi32>
        %mul3A_269 = arith.muli %iota3A, %mul3A_268 : vector<16xi32>
        %add3A_270 = arith.constant 3 : i32
        %add3A_271 = vector.broadcast %add3A_270 : i32 to vector<16xi32>
        %add3A_272 = arith.addi %mul3A_269, %add3A_271 : vector<16xi32>
        %gather3A_273 = tpu.vector_load_idx %arg20[%add3A_272, %iota3A] : memref<16x16xf32, #tpu.memory_space<vmem>>[vector<16xi32>, vector<16xi32>], vector<16xf32>,
        %add3A_274 = arith.addf %add3A_266, %gather3A_273 : vector<16xf32>
        %mul3A_275 = arith.constant 0 : i32
        %mul3A_276 = vector.broadcast %mul3A_275 : i32 to vector<16xi32>
        %mul3A_277 = arith.muli %iota3A, %mul3A_276 : vector<16xi32>
        %add3A_278 = arith.constant 4 : i32
        %add3A_279 = vector.broadcast %add3A_278 : i32 to vector<16xi32>
        %add3A_280 = arith.addi %mul3A_277, %add3A_279 : vector<16xi32>
        %gather3A_281 = tpu.vector_load_idx %arg20[%add3A_280, %iota3A] : memref<16x16xf32, #tpu.memory_space<vmem>>[vector<16xi32>, vector<16xi32>], vector<16xf32>,
        %add3A_282 = arith.addf %add3A_274, %gather3A_281 : vector<16xf32>
        %mul3A_283 = arith.constant 0 : i32
        %mul3A_284 = vector.broadcast %mul3A_283 : i32 to vector<16xi32>
        %mul3A_285 = arith.muli %iota3A, %mul3A_284 : vector<16xi32>
        %add3A_286 = arith.constant 5 : i32
        %add3A_287 = vector.broadcast %add3A_286 : i32 to vector<16xi32>
        %add3A_288 = arith.addi %mul3A_285, %add3A_287 : vector<16xi32>
        %gather3A_289 = tpu.vector_load_idx %arg20[%add3A_288, %iota3A] : memref<16x16xf32, #tpu.memory_space<vmem>>[vector<16xi32>, vector<16xi32>], vector<16xf32>,
        %add3A_290 = arith.addf %add3A_282, %gather3A_289 : vector<16xf32>
        %mul3A_291 = arith.constant 0 : i32
        %mul3A_292 = vector.broadcast %mul3A_291 : i32 to vector<16xi32>
        %mul3A_293 = arith.muli %iota3A, %mul3A_292 : vector<16xi32>
        %add3A_294 = arith.constant 6 : i32
        %add3A_295 = vector.broadcast %add3A_294 : i32 to vector<16xi32>
        %add3A_296 = arith.addi %mul3A_293, %add3A_295 : vector<16xi32>
        %gather3A_297 = tpu.vector_load_idx %arg20[%add3A_296, %iota3A] : memref<16x16xf32, #tpu.memory_space<vmem>>[vector<16xi32>, vector<16xi32>], vector<16xf32>,
        %add3A_298 = arith.addf %add3A_290, %gather3A_297 : vector<16xf32>
        %mul3A_299 = arith.constant 0 : i32
        %mul3A_300 = vector.broadcast %mul3A_299 : i32 to vector<16xi32>
        %mul3A_301 = arith.muli %iota3A, %mul3A_300 : vector<16xi32>
        %add3A_302 = arith.constant 7 : i32
        %add3A_303 = vector.broadcast %add3A_302 : i32 to vector<16xi32>
        %add3A_304 = arith.addi %mul3A_301, %add3A_303 : vector<16xi32>
        %gather3A_305 = tpu.vector_load_idx %arg20[%add3A_304, %iota3A] : memref<16x16xf32, #tpu.memory_space<vmem>>[vector<16xi32>, vector<16xi32>], vector<16xf32>,
        %add3A_306 = arith.addf %add3A_298, %gather3A_305 : vector<16xf32>
        %mul3A_307 = arith.constant 0 : i32
        %mul3A_308 = vector.broadcast %mul3A_307 : i32 to vector<16xi32>
        %mul3A_309 = arith.muli %iota3A, %mul3A_308 : vector<16xi32>
        %add3A_310 = arith.constant 8 : i32
        %add3A_311 = vector.broadcast %add3A_310 : i32 to vector<16xi32>
        %add3A_312 = arith.addi %mul3A_309, %add3A_311 : vector<16xi32>
        %gather3A_313 = tpu.vector_load_idx %arg20[%add3A_312, %iota3A] : memref<16x16xf32, #tpu.memory_space<vmem>>[vector<16xi32>, vector<16xi32>], vector<16xf32>,
        %add3A_314 = arith.addf %add3A_306, %gather3A_313 : vector<16xf32>
        %mul3A_315 = arith.constant 0 : i32
        %mul3A_316 = vector.broadcast %mul3A_315 : i32 to vector<16xi32>
        %mul3A_317 = arith.muli %iota3A, %mul3A_316 : vector<16xi32>
        %add3A_318 = arith.constant 9 : i32
        %add3A_319 = vector.broadcast %add3A_318 : i32 to vector<16xi32>
        %add3A_320 = arith.addi %mul3A_317, %add3A_319 : vector<16xi32>
        %gather3A_321 = tpu.vector_load_idx %arg20[%add3A_320, %iota3A] : memref<16x16xf32, #tpu.memory_space<vmem>>[vector<16xi32>, vector<16xi32>], vector<16xf32>,
        %add3A_322 = arith.addf %add3A_314, %gather3A_321 : vector<16xf32>
        %mul3A_323 = arith.constant 0 : i32
        %mul3A_324 = vector.broadcast %mul3A_323 : i32 to vector<16xi32>
        %mul3A_325 = arith.muli %iota3A, %mul3A_324 : vector<16xi32>
        %add3A_326 = arith.constant 10 : i32
        %add3A_327 = vector.broadcast %add3A_326 : i32 to vector<16xi32>
        %add3A_328 = arith.addi %mul3A_325, %add3A_327 : vector<16xi32>
        %gather3A_329 = tpu.vector_load_idx %arg20[%add3A_328, %iota3A] : memref<16x16xf32, #tpu.memory_space<vmem>>[vector<16xi32>, vector<16xi32>], vector<16xf32>,
        %add3A_330 = arith.addf %add3A_322, %gather3A_329 : vector<16xf32>
        %mul3A_331 = arith.constant 0 : i32
        %mul3A_332 = vector.broadcast %mul3A_331 : i32 to vector<16xi32>
        %mul3A_333 = arith.muli %iota3A, %mul3A_332 : vector<16xi32>
        %add3A_334 = arith.constant 11 : i32
        %add3A_335 = vector.broadcast %add3A_334 : i32 to vector<16xi32>
        %add3A_336 = arith.addi %mul3A_333, %add3A_335 : vector<16xi32>
        %gather3A_337 = tpu.vector_load_idx %arg20[%add3A_336, %iota3A] : memref<16x16xf32, #tpu.memory_space<vmem>>[vector<16xi32>, vector<16xi32>], vector<16xf32>,
        %add3A_338 = arith.addf %add3A_330, %gather3A_337 : vector<16xf32>
        %mul3A_339 = arith.constant 0 : i32
        %mul3A_340 = vector.broadcast %mul3A_339 : i32 to vector<16xi32>
        %mul3A_341 = arith.muli %iota3A, %mul3A_340 : vector<16xi32>
        %add3A_342 = arith.constant 12 : i32
        %add3A_343 = vector.broadcast %add3A_342 : i32 to vector<16xi32>
        %add3A_344 = arith.addi %mul3A_341, %add3A_343 : vector<16xi32>
        %gather3A_345 = tpu.vector_load_idx %arg20[%add3A_344, %iota3A] : memref<16x16xf32, #tpu.memory_space<vmem>>[vector<16xi32>, vector<16xi32>], vector<16xf32>,
        %add3A_346 = arith.addf %add3A_338, %gather3A_345 : vector<16xf32>
        %mul3A_347 = arith.constant 0 : i32
        %mul3A_348 = vector.broadcast %mul3A_347 : i32 to vector<16xi32>
        %mul3A_349 = arith.muli %iota3A, %mul3A_348 : vector<16xi32>
        %add3A_350 = arith.constant 13 : i32
        %add3A_351 = vector.broadcast %add3A_350 : i32 to vector<16xi32>
        %add3A_352 = arith.addi %mul3A_349, %add3A_351 : vector<16xi32>
        %gather3A_353 = tpu.vector_load_idx %arg20[%add3A_352, %iota3A] : memref<16x16xf32, #tpu.memory_space<vmem>>[vector<16xi32>, vector<16xi32>], vector<16xf32>,
        %add3A_354 = arith.addf %add3A_346, %gather3A_353 : vector<16xf32>
        %mul3A_355 = arith.constant 0 : i32
        %mul3A_356 = vector.broadcast %mul3A_355 : i32 to vector<16xi32>
        %mul3A_357 = arith.muli %iota3A, %mul3A_356 : vector<16xi32>
        %add3A_358 = arith.constant 14 : i32
        %add3A_359 = vector.broadcast %add3A_358 : i32 to vector<16xi32>
        %add3A_360 = arith.addi %mul3A_357, %add3A_359 : vector<16xi32>
        %gather3A_361 = tpu.vector_load_idx %arg20[%add3A_360, %iota3A] : memref<16x16xf32, #tpu.memory_space<vmem>>[vector<16xi32>, vector<16xi32>], vector<16xf32>,
        %add3A_362 = arith.addf %add3A_354, %gather3A_361 : vector<16xf32>
        %mul3A_363 = arith.constant 0 : i32
        %mul3A_364 = vector.broadcast %mul3A_363 : i32 to vector<16xi32>
        %mul3A_365 = arith.muli %iota3A, %mul3A_364 : vector<16xi32>
        %add3A_366 = arith.constant 15 : i32
        %add3A_367 = vector.broadcast %add3A_366 : i32 to vector<16xi32>
        %add3A_368 = arith.addi %mul3A_365, %add3A_367 : vector<16xi32>
        %gather3A_369 = tpu.vector_load_idx %arg20[%add3A_368, %iota3A] : memref<16x16xf32, #tpu.memory_space<vmem>>[vector<16xi32>, vector<16xi32>], vector<16xf32>,
        %add3A_370 = arith.addf %add3A_362, %gather3A_369 : vector<16xf32>
        %reduce_sum3A = arith.constant true
        %reduce_sum3A_371 = vector.broadcast %reduce_sum3A : i1 to vector<16xi1>
        %reduce_sum3A_372 = tpu.scan <sum>, %add3A_370 masked %reduce_sum3A_371 : vector<16xf32>, vector<16xi1> -> vector<16xf32>
        %reduce_sum3A_373 = vector.extract %reduce_sum3A_372[15] : f32 from vector<16xf32>
        %mul3A_374 = arith.constant 1.22070313E-4 : f32
        %mul3A_375 = arith.mulf %reduce_sum3A_373, %mul3A_374 : f32
        %gt3A = arith.constant 0 : i32
        %gt3A_376 = arith.cmpi sgt, %squeeze3A, %gt3A : i32
        %gt3A_377 = arith.constant 0 : i32
        %gt3A_378 = arith.cmpi sgt, %sub3A_47, %gt3A_377 : i32
        %and3A = arith.andi %gt3A_376, %gt3A_378 : i1
        %jit3A = arith.constant 0.000000e+00 : f32
        %select_n3A_379 = arith.select %and3A, %mul3A_375, %jit3A : f32
        %broadcast_in_dim3A_380 = arith.constant 1.000000e+00 : f32
        %broadcast_in_dim3A_381 = vector.broadcast %broadcast_in_dim3A_380 : f32 to vector<16xf32>
        %mul3A_382 = vector.broadcast %select_n3A_379 : f32 to vector<16xf32>
        %mul3A_383 = arith.mulf %broadcast_in_dim3A_381, %mul3A_382 : vector<16xf32>
        %swap3A_384 = arith.constant 0 : index
        %swap3A_385 = tpu.vector_load %arg21[%swap3A_384] {strides = array<i32>} : memref<16xf32, #tpu.memory_space<vmem>>, vector<16xf32>,
        tpu.vector_store %arg21[%swap3A_384], %mul3A_383 {strides = array<i32>} : memref<16xf32, #tpu.memory_space<vmem>>, vector<16xf32>,
        "tpu.region"() ({
          %run_scoped3A = tpu.sem_alloc : memref<!tpu.dma_semaphore, #tpu.memory_space<semaphore_mem>>
          tpu.enqueue_dma source(%arg21 : memref<16xf32, #tpu.memory_space<vmem>>) target(%arg5 : memref<16xf32, #tpu.memory_space<hbm>>) target_semaphore(%run_scoped3A : memref<!tpu.dma_semaphore, #tpu.memory_space<semaphore_mem>>)
          tpu.wait_dma2 semaphore(%run_scoped3A : memref<!tpu.dma_semaphore, #tpu.memory_space<semaphore_mem>>) src(%arg21 : memref<16xf32, #tpu.memory_space<vmem>>) dst(%arg5 : memref<16xf32, #tpu.memory_space<hbm>>)
          tpu.yield
        }) : () -> ()
      } else {
      }
    } else {
    }
    return
  }
}

</mosaic_0001>

<sc_bundles>
// kernel: kernel.3.cloned.1.call-start
scs
__scs_entry_jumppad:
0x0: {  	(pc) =	sbr.rel $0x88, $3  }
0x1: {  	(tag) =	ssettag $0x0;
	lr =	simm.s32 $0x1  }
0x2: {  	[smem:$0x3F9F] =	sst lr;
	_ =	strace $0xD0000000  }
0x3: {  	_ = 	snop  }
0x4: {  	_ = 	snop  }
0x5: {  	_ = 	snop  }
0x6: {  	_ = 	snop  }
0x7: {  	_ = 	snop  }
__scs_overlays_trampoline_lowered:
0x8: {  	[smem:$0x3FAE] =	sst s0  }
0x9: {  	[smem:$0x3FAF] =	sst s1  }
0xa: {  	[smem:$0x3FB0] =	sst s2  }
0xb: {  	[smem:$0x3FB1] =	sst s3  }
0xc: {  	[smem:$0x3FB2] =	sst s4  }
0xd: {  	[smem:$0x3FB3] =	sst s5  }
0xe: {  	[smem:$0x3FB4] =	sst s6  }
0xf: {  	[smem:$0x3FB5] =	sst s7  }
0x10: {  	[smem:$0x3FB6] =	sst s8  }
0x11: {  	[smem:$0x3FB7] =	sst s9;
	s0 =	simm.s32 @!p0 $0x0  }
0x12: {  	s1 =	sld [smem:$0x3F9D];
	s0 =	simm.s32 @p0 $0x1  }
0x13: {  	[smem:$0x3FB8] =	sst s0;
	s0 =	simm.s32 @!p1 $0x0  }
0x14: {  	s2 =	sld [smem:$0x3F9C];
	s0 =	simm.s32 @p1 $0x1  }
0x15: {  	[smem:$0x3FB9] =	sst s0;
	s0 =	simm.s32 @!p2 $0x0  }
0x16: {  	s3 =	sld [smem:$0x3FDB];
	s0 =	simm.s32 @p2 $0x1  }
0x17: {  	s4 =	simm.s32 $0x1BF5;
	[smem:$0x3FBB] =	sst s0  }
0x18: {  	s0 =	sld [smem:$0x3F9E];
	_ =	swait.ge [sflag:s4], $0x0  }
0x19: {  	s7 =	sld [smem:$0x3F9F]  }
0x1a: {  	s8 =	sadd.s32 $0xFFFFE003, lr  }
0x1b: {  	s9 =	sadd.s32 $0xFFFFFEF7, lr;
	s5 =	simm.s32 $0xFFFFFFFF;
	p2 =	slt.u32 s8, $0xFFFFF086  }
0x1c: {  	p1 =	slt.u32 s9, $0xF7A;
	s5 =	simm.s32 @!p2 $0x0  }
0x1d: {  	s5 =	simm.s32 @p1 $0x1;
	p0 =	seq.s32 s7, s2  }
0x1e: {  	s7 =	smul.u32 @!p0 $0xF7A, s2;
	p2 =	seq.s32 @!p0 s5, $0x0  }
0x1f: {  	s9 =	smul.u32 $0xF7A, s1;
	s8 =	simm.s32 @!p0 $0x1BF5;
	p2 =	por !p2, p0  }
0x20: {  	[sflag:s8] =	ssyncset.s32 @!p0 $0xFFFFF086;
	s6 =	sadd.s32 @!p0 s3, s7;
	s7 =	simm.s32 @!p0 $0x108  }
0x21: {  	s3 =	sadd.s32 s3, s9;
	s6 =	sadd.s32 @!p0 $0x88, s6;
	s7 =	simm.s32 @p2 $0x1082  }
0x22: {  	[simem:s7], [sflag:s8] =	dma.local @!p0 [hbm:s6], $0xF7A  }
0x23: {  	s9 =	sor.u32 $0xD0000000, s2;
	s6 =	simm.s32 $0x108;
	_ =	swait.ge @!p0 [sflag:s8], $0x0  }
0x24: {  	s3 =	sadd.s32 $0x88, s3;
	s6 =	simm.s32 @!p1 $0x1082;
	[sflag:s4] =	ssyncset.s32 $0xFFFFF086  }
0x25: {  	[simem:s6], [sflag:s4] =	dma.local [hbm:s3], $0xF7A  }
0x26: {  	[smem:$0x3F9F] =	sst s1;
	(tag) =	ssettag s2;
	_ =	strace s9  }
0x27: {  	s1 =	sld [smem:$0x3FAF]  }
0x28: {  	s2 =	sld [smem:$0x3FB0]  }
0x29: {  	s4 =	sld [smem:$0x3FB2]  }
0x2a: {  	p0 =	seq.s32 s5, $0x0;
	s5 =	sld [smem:$0x3FB3]  }
0x2b: {  	s6 =	sld [smem:$0x3FB4]  }
0x2c: {  	s7 =	sld [smem:$0x3FB5]  }
0x2d: {  	s3 =	simm.s32 $0x108;
	s8 =	sld [smem:$0x3FB6]  }
0x2e: {  	s3 =	simm.s32 @!p0 $0x1082;
	s9 =	sld [smem:$0x3FB7]  }
0x2f: {  	lr =	sadd.s32 s0, s3;
	s0 =	sld [smem:$0x3FAE]  }
0x30: {  	s3 =	sld [smem:$0x3FB1]  }
0x31: {  	[smem:$0x3FBA] =	sst s10  }
0x32: {  	s10 =	sld [smem:$0x3FB8];
	_ =	sdelay $0x3  }
0x33: {  	p0 =	seq.s32 s10, $0x1;
	s10 =	sld [smem:$0x3FBA];
	_ =	sdelay $0x3  }
0x34: {  	[smem:$0x3FBA] =	sst s10  }
0x35: {  	s10 =	sld [smem:$0x3FB9];
	_ =	sdelay $0x3  }
0x36: {  	p1 =	seq.s32 s10, $0x1;
	s10 =	sld [smem:$0x3FBA];
	_ =	sdelay $0x3  }
0x37: {  	[smem:$0x3FBA] =	sst s10  }
0x38: {  	s10 =	sld [smem:$0x3FBB]  }
0x39: {  	_ = 	snop;
	(pc) =	sbr.ind lr, $3  }
0x3a: {  	_ = 	snop  }
0x3b: {  	_ = 	snop  }
0x3c: {  	p2 =	seq.s32 s10, $0x1;
	s10 =	sld [smem:$0x3FBA]  }
0x3d: {  	_ =	shalt  }
0x3e: {  	_ =	shalt  }
0x3f: {  	_ =	shalt  }
0x40: {  	_ =	shalt  }
0x41: {  	_ =	shalt  }
0x42: {  	_ =	shalt  }
0x43: {  	_ =	shalt  }
0x44: {  	_ =	shalt  }
0x45: {  	_ =	shalt  }
0x46: {  	_ =	shalt  }
0x47: {  	_ =	shalt  }
0x48: {  	_ =	shalt  }
0x49: {  	_ =	shalt  }
0x4a: {  	_ =	shalt  }
0x4b: {  	_ =	shalt  }
0x4c: {  	_ =	shalt  }
0x4d: {  	_ =	shalt  }
0x4e: {  	_ =	shalt  }
0x4f: {  	_ =	shalt  }
0x50: {  	_ =	shalt  }
0x51: {  	_ =	shalt  }
0x52: {  	_ =	shalt  }
0x53: {  	_ =	shalt  }
0x54: {  	_ =	shalt  }
0x55: {  	_ =	shalt  }
0x56: {  	_ =	shalt  }
0x57: {  	_ =	shalt  }
0x58: {  	_ =	shalt  }
0x59: {  	_ =	shalt  }
0x5a: {  	_ =	shalt  }
0x5b: {  	_ =	shalt  }
0x5c: {  	_ =	shalt  }
0x5d: {  	_ =	shalt  }
0x5e: {  	_ =	shalt  }
0x5f: {  	_ =	shalt  }
0x60: {  	_ =	shalt  }
0x61: {  	_ =	shalt  }
0x62: {  	_ =	shalt  }
0x63: {  	_ =	shalt  }
0x64: {  	_ =	shalt  }
0x65: {  	_ =	shalt  }
0x66: {  	_ =	shalt  }
0x67: {  	_ =	shalt  }
0x68: {  	_ =	shalt  }
0x69: {  	_ =	shalt  }
0x6a: {  	_ =	shalt  }
0x6b: {  	_ =	shalt  }
0x6c: {  	_ =	shalt  }
0x6d: {  	_ =	shalt  }
0x6e: {  	_ =	shalt  }
0x6f: {  	_ =	shalt  }
0x70: {  	_ =	shalt  }
0x71: {  	_ =	shalt  }
0x72: {  	_ =	shalt  }
0x73: {  	_ =	shalt  }
0x74: {  	_ =	shalt  }
0x75: {  	_ =	shalt  }
0x76: {  	_ =	shalt  }
0x77: {  	_ =	shalt  }
0x78: {  	_ =	shalt  }
0x79: {  	_ =	shalt  }
0x7a: {  	_ =	shalt  }
0x7b: {  	_ =	shalt  }
0x7c: {  	_ =	shalt  }
0x7d: {  	_ =	shalt  }
0x7e: {  	_ =	shalt  }
0x7f: {  	_ =	shalt  }
0x80: {  	_ =	shalt  }
0x81: {  	_ =	shalt  }
0x82: {  	_ =	shalt  }
0x83: {  	_ =	shalt  }
0x84: {  	_ =	shalt  }
0x85: {  	_ =	shalt  }
0x86: {  	_ =	shalt  }
0x87: {  	_ =	shalt  }
.Lfunc_end0:
.L_simem_size_0:
called_computation_lowered:
.L_overlay_start_0:
0x88: {  	s0 =	sld [smem:$0x3FD9]  }
0x89: {  	s1 =	sld [smem:$0x3FFE];
	_ =	sdelay $0x3  }
0x8a: {  	s0 =	sadd.s32 s1, s0  }
0x8b: {  	[smem:$0x3FC6] =	sst s0  }
0x8c: {  	_ = 	snop  }
0x8d: {  	s0 =	sld [smem:$0x3FC9]  }
0x8e: {  	s16 =	sld [smem:$0x3FC8]  }
0x8f: {  	s2 =	sld [smem:$0x3FD0];
	(tm) =	ssettm $0x1  }
0x90: {  	s3 =	sld [smem:$0x3FFB];
	_ =	sdelay $0x3  }
0x91: {  	_ =	strace s3  }
0x92: {  	s3 =	sld [smem:$0x3FFC];
	_ =	sdelay $0x3  }
0x93: {  	_ =	strace s3  }
0x94: {  	s3 =	sld [smem:$0x3FFD];
	_ =	sdelay $0x3  }
0x95: {  	_ =	strace s3  }
0x96: {  	_ =	strace $0x8FFFFFFF  }
0x97: {  	s17 =	sld [smem:$0x3FDB];
	_ =	sdelay $0x1  }
0x98: {  	s4 =	simm.s32 $_scs_section_size  }
0x99: {  	s5 =	simm.s32 $_size__tile_overlayer_lowered;
	s6 =	simm.s32 $_tile_overlayer_lowered  }
0x9a: {  	s20 =	simm.s32 $0x1BFF;
	s19 =	sshll.u32 s6, $0x1;
	s3 =	sadd.s32 s4, s17  }
0x9b: {  	s7 =	simm.s32 $0x0;
	s18 =	sshll.u32 s5, $0x1;
	s5 =	sadd.s32 s19, s3  }
0x9c: {  	[timem:s7], [sflag:s20] =	dma.local [hbm:s5], s18  }
0x9d: {  	_ =	swait.ge [sflag:s20], s18  }
0x9e: {  	s4 =	ssub.s32 $0x0, s18;
	[sflag:s20] =	ssyncset.done $0x0  }
0x9f: {  	[sflag:s20] =	ssyncadd.s32 s4;
	_ =	sdelay $0x1  }
0xa0: {  	s21 =	simm.s32 $0x1B8B  }
0xa1: {  	_ =	swait.ge [sflag:s21], $0x1  }
0xa2: {  	[sflag:s21] =	ssyncset.done $0x0  }
0xa3: {  	s23 =	simm.s32 $0x1B8E;
	s22 =	sld [smem:$0x3FFE];
	[sflag:s21] =	ssyncadd.s32 $0xFFFFFFFF  }
0xa4: {  	s24 =	simm.s32 $execute0_lowered;
	[smem:$0x3FD2] =	sst s23  }
0xa5: {  	s5 =	sshll.u32 s24, $0x1;
	_ =	strace $0x80000046;
	[dreg:$0x1] =	wrdreg $0xFFFFFFFF  }
0xa6: {  	s25 =	simm.s32 $_size_execute0_lowered;
	s3 =	sadd.s32 s3, s5;
	[dreg:$0x0] =	wrdreg $0x0  }
0xa7: {  	s5 =	sshll.u32 s25, $0x1;
	[dreg:$0x2] =	wrdreg s3  }
0xa8: {  	[dreg:$0x3] =	wrdreg s5  }
0xa9: {  	[dreg:$0x4] =	wrdreg $0xC0  }
0xaa: {  	_ =	task [dreg:s7], $0x5FFFF  }
0xab: {  	[dreg:$0x1] =	wrdreg $0xFFFFFFFF  }
0xac: {  	[dreg:$0x0] =	wrdreg $0x60  }
0xad: {  	[dreg:$0x2] =	wrdreg s0  }
0xae: {  	[dreg:$0x3] =	wrdreg s16  }
0xaf: {  	[dreg:$0x4] =	wrdreg s22  }
0xb0: {  	[dreg:$0x5] =	wrdreg s2  }
0xb1: {  	[dreg:$0x6] =	wrdreg $0xB7800  }
0xb2: {  	[dreg:$0x7] =	wrdreg $0xB7900  }
0xb3: {  	[dreg:$0x8] =	wrdreg $0xAF800  }
0xb4: {  	[dreg:$0x9] =	wrdreg $0xB7A00  }
0xb5: {  	[dreg:$0xa] =	wrdreg $0x9  }
0xb6: {  	_ =	task.clear_ibuf [dreg:s7], $0xBFFFF;
	_ =	strace $0x90000046  }
0xb7: {  	s26 =	simm.s32 $0x9;
	_ =	strace $0x80000048  }
0xb8: {  	_ =	swait.ge [sflag:s26], $0x1  }
0xb9: {  	[sflag:s26] =	ssyncadd.s32 $0xFFFFFFFF  }
0xba: {  	_ =	strace $0x90000048  }
0xbb: {  	_ =	sfence  }
0xbc: {  	s28 =	sld [smem:$0x0];
	_ =	sdelay $0x1  }
0xbd: {  	s29 =	srdreg.scid  }
0xbe: {  	s30 =	sshll.u32 s29, $0xD;
	s31 =	sshrl.u32 s29, $0x2  }
0xbf: {  	s1 =	sand.u32 $0x1, s29;
	s2 =	sand.u32 $0x4000, s30;
	s0 =	sadd.s32 s31, s28  }
0xc0: {  	s1 =	sor.u32 s2, s1;
	s0 =	sshll.u32 s0, $0x11  }
0xc1: {  	s0 =	sor.u32 s0, s1  }
0xc2: {  	s0 =	sadd.s32 $0x8F2B, s0  }
0xc3: {  	[sflag:s0] =	ssyncadd.remote.s32 $0x1  }
0xc4: {  	_ =	sfence.sel $0xFFFF  }
0xc5: {  	[dreg:$0x0] =	wrdreg $0xFFFFFFFF;
	(pc) =	sbr.abs _section_cstart, $3  }
0xc6: {  	[dreg:$0x1] =	wrdreg $0xFFFFFFFF  }
0xc7: {  	_ =	task.clear_ibuf [dreg:s7], $0x2FFFF;
	_ =	strace $0x9FFFFFFF  }
0xc8: {  	(tm) =	ssettm $0x7FFFFFFF  }
0xc9: {  	_ =	shalt  }
tec
execute0_lowered:
.L_overlay_start_1:
0x0: {  	(tag) =	ssettag $0x1  }
0x1: {  	s8 =	rddreg [dreg:$0x0]  }
0x2: {  	s9 =	rddreg [dreg:$0x1]  }
0x3: {  	s4 =	rddreg [dreg:$0x2]  }
0x4: {  	s1 =	rddreg [dreg:$0x3]  }
0x5: {  	s5 =	rddreg [dreg:$0x4]  }
0x6: {  	s2 =	rddreg [dreg:$0x5]  }
0x7: {  	s6 =	rddreg [dreg:$0x6]  }
0x8: {  	s7 =	rddreg [dreg:$0x7];
	s3 =	stileid.u32  }
0x9: {  	s0 =	rddreg [dreg:$0x8];
	s10 =	simm.s32 $0x0;
	s11 =	sshll.u32 s3, $0x8  }
0xa: {  	s12 =	simm.s32 $0x1080;
	[smem:$0x7FF] =	sst s10;
	s4 =	sadd.s32 s11, s4  }
0xb: {  	_ =	strace $0x80000047;
	s11 =	sadd.s32 $0x400, s4;
	s4 =	sshll.u32 s3, $0x7  }
0xc: {  	[tilespmem:s12], [sflag:$0x1] =	stream.linear.gather [hbm4b:s11+s10], $0x800, $0x38;
	[tilespmem:$0xBBA0] =	vst v63  }
0xd: {  	s8 =	sadd.s32 s8, s4  }
0xe: {  	[tilespmem:s10], [sflag:$0x3] =	stream.linear.gather [hbm4b:s8+s10], $0x400, $0x38;
	[tilespmem:$0xBBA0] =	vst v63  }
0xf: {  	s30 =	simm.s32 $0x400;
	s31 =	simm.s32 $0x3;
	s29 =	sadd.s32 s9, s4  }
0x10: {  	[tilespmem:s30], [sflag:$0x3] =	stream.linear.gather [hbm4b:s29+s10], $0x400, $0x38;
	[tilespmem:$0xBBA0] =	vst v63  }
0x11: {  	_ =	swait.ge [sflag:s31], $0x400  }
0x12: {  	[sflag:s31] =	ssyncset.done $0x0  }
0x13: {  	[sflag:s31] =	ssyncadd.s32 $0xFFFFFC00  }
0x14: {  	_ =	swait.ge [sflag:s31], $0x400  }
0x15: {  	s9 =	simm.s32 $0x440;
	s11 =	simm.s32 $0x800;
	[sflag:s31] =	ssyncset.done $0x0  }
0x16: {  	v0 =	vimm.s32 $0x0;
	v1 =	vlaneseq.u32;
	v2 =	vimm.s32 $0x0;
	s8 =	simm.s32 $0x470;
	s10 =	simm.s32 $0x40;
	[sflag:s31] =	ssyncadd.s32 $0xFFFFFC00  }
.LBB2_1:
0x17: {  	v3 =	vld [tilespmem:s9+$0xFFFFFFC0];
	_ =	sdelay $0x4  }
0x18: {  	vm0 =	veq.s32 v3, $0x1  }
0x19: {  	v3 =	vsel vm0, $0x1, v0  }
0x1a: {  	(xrf0) =	vadd.scan.msk.s32 $0xffff, v3;
	_ =	sdelay $0x5  }
0x1b: {  	v4, _, _ =	vpop (xrf0)  }
0x1c: {  	s12 =	sadd.s32 $0xFFFFFF90, s8;
	v3 =	vsub.s32 v4, v3  }
0x1d: {  	v34 =	vor.u32 s12, v1;
	v3 =	vadd.s32 v2, v3  }
0x1e: {  	v4 =	vsub.s32 v34, v3  }
0x1f: {  	v5 =	vld [tilespmem:s10+$0xFFFFFFC0];
	v3 =	vsel vm0, v3, v4;
	_ =	sdelay $0x4  }
0x20: {  	[tilespmem:v3+s11+$0x0] =	vst.idx.msk $0xffff, v5  }
0x21: {  	v3 =	vld [tilespmem:s9+$0xFFFFFFD0];
	_ =	sdelay $0x4  }
0x22: {  	vm1 =	veq.s32 v3, $0x1  }
0x23: {  	v3 =	vsel vm1, $0x1, v0  }
0x24: {  	(xrf0) =	vadd.scan.msk.s32 $0xffff, v3;
	_ =	sdelay $0x4  }
0x25: {  	v35 =	vmpcnt.ones.xlane vm0  }
0x26: {  	v36, _, _ =	vpop (xrf0)  }
0x27: {  	s25 =	sadd.s32 $0xFFFFFFA0, s8;
	v2 =	vadd.s32 v2, v35;
	v3 =	vsub.s32 v36, v3  }
0x28: {  	v37 =	vor.u32 s25, v1;
	v3 =	vadd.s32 v2, v3  }
0x29: {  	v4 =	vsub.s32 v37, v3  }
0x2a: {  	v38 =	vld [tilespmem:s10+$0xFFFFFFD0];
	v3 =	vsel vm1, v3, v4;
	_ =	sdelay $0x4  }
0x2b: {  	[tilespmem:v3+s11+$0x0] =	vst.idx.msk $0xffff, v38  }
0x2c: {  	v3 =	vld [tilespmem:s9+$0xFFFFFFE0];
	_ =	sdelay $0x4  }
0x2d: {  	vm10 =	veq.s32 v3, $0x1  }
0x2e: {  	v3 =	vsel vm10, $0x1, v0  }
0x2f: {  	(xrf0) =	vadd.scan.msk.s32 $0xffff, v3;
	_ =	sdelay $0x4  }
0x30: {  	v39 =	vmpcnt.ones.xlane vm1  }
0x31: {  	v40, _, _ =	vpop (xrf0)  }
0x32: {  	s26 =	sadd.s32 $0xFFFFFFB0, s8;
	v2 =	vadd.s32 v2, v39;
	v3 =	vsub.s32 v40, v3  }
0x33: {  	v41 =	vor.u32 s26, v1;
	v3 =	vadd.s32 v2, v3  }
0x34: {  	v4 =	vsub.s32 v41, v3  }
0x35: {  	v42 =	vld [tilespmem:s10+$0xFFFFFFE0];
	v3 =	vsel vm10, v3, v4;
	_ =	sdelay $0x4  }
0x36: {  	[tilespmem:v3+s11+$0x0] =	vst.idx.msk $0xffff, v42  }
0x37: {  	v3 =	vld [tilespmem:s9+$0xFFFFFFF0];
	_ =	sdelay $0x4  }
0x38: {  	vm11 =	veq.s32 v3, $0x1  }
0x39: {  	v3 =	vsel vm11, $0x1, v0  }
0x3a: {  	(xrf0) =	vadd.scan.msk.s32 $0xffff, v3;
	_ =	sdelay $0x4  }
0x3b: {  	v43 =	vmpcnt.ones.xlane vm10  }
0x3c: {  	v44, _, _ =	vpop (xrf0)  }
0x3d: {  	s28 =	sadd.s32 $0xFFFFFFC0, s8;
	v2 =	vadd.s32 v2, v43;
	v3 =	vsub.s32 v44, v3  }
0x3e: {  	v45 =	vor.u32 s28, v1;
	v3 =	vadd.s32 v2, v3  }
0x3f: {  	v4 =	vsub.s32 v45, v3  }
0x40: {  	v46 =	vld [tilespmem:s10+$0xFFFFFFF0];
	v3 =	vsel vm11, v3, v4;
	_ =	sdelay $0x4  }
0x41: {  	[tilespmem:v3+s11+$0x0] =	vst.idx.msk $0xffff, v46  }
0x42: {  	v3 =	vld [tilespmem:s9+$0x0];
	_ =	sdelay $0x4  }
0x43: {  	vm12 =	veq.s32 v3, $0x1  }
0x44: {  	v3 =	vsel vm12, $0x1, v0  }
0x45: {  	(xrf0) =	vadd.scan.msk.s32 $0xffff, v3;
	_ =	sdelay $0x4  }
0x46: {  	v47 =	vmpcnt.ones.xlane vm11  }
0x47: {  	v48, _, _ =	vpop (xrf0)  }
0x48: {  	s29 =	sadd.s32 $0xFFFFFFD0, s8;
	v2 =	vadd.s32 v2, v47;
	v3 =	vsub.s32 v48, v3  }
0x49: {  	v49 =	vor.u32 s29, v1;
	v3 =	vadd.s32 v2, v3  }
0x4a: {  	v4 =	vsub.s32 v49, v3  }
0x4b: {  	v50 =	vld [tilespmem:s10+$0x0];
	v3 =	vsel vm12, v3, v4;
	_ =	sdelay $0x4  }
0x4c: {  	[tilespmem:v3+s11+$0x0] =	vst.idx.msk $0xffff, v50  }
0x4d: {  	v3 =	vld [tilespmem:s9+$0x10];
	_ =	sdelay $0x4  }
0x4e: {  	vm13 =	veq.s32 v3, $0x1  }
0x4f: {  	v3 =	vsel vm13, $0x1, v0  }
0x50: {  	(xrf0) =	vadd.scan.msk.s32 $0xffff, v3;
	_ =	sdelay $0x4  }
0x51: {  	v51 =	vmpcnt.ones.xlane vm12  }
0x52: {  	v52, _, _ =	vpop (xrf0)  }
0x53: {  	s30 =	sadd.s32 $0xFFFFFFE0, s8;
	v2 =	vadd.s32 v2, v51;
	v3 =	vsub.s32 v52, v3  }
0x54: {  	v53 =	vor.u32 s30, v1;
	v3 =	vadd.s32 v2, v3  }
0x55: {  	v4 =	vsub.s32 v53, v3  }
0x56: {  	v54 =	vld [tilespmem:s10+$0x10];
	v3 =	vsel vm13, v3, v4;
	_ =	sdelay $0x4  }
0x57: {  	[tilespmem:v3+s11+$0x0] =	vst.idx.msk $0xffff, v54  }
0x58: {  	v3 =	vld [tilespmem:s9+$0x20];
	_ =	sdelay $0x4  }
0x59: {  	vm14 =	veq.s32 v3, $0x1  }
0x5a: {  	v3 =	vsel vm14, $0x1, v0  }
0x5b: {  	(xrf0) =	vadd.scan.msk.s32 $0xffff, v3;
	_ =	sdelay $0x4  }
0x5c: {  	v55 =	vmpcnt.ones.xlane vm13  }
0x5d: {  	v56, _, _ =	vpop (xrf0)  }
0x5e: {  	s31 =	sadd.s32 $0xFFFFFFF0, s8;
	v2 =	vadd.s32 v2, v55;
	v3 =	vsub.s32 v56, v3  }
0x5f: {  	v57 =	vor.u32 s31, v1;
	v3 =	vadd.s32 v2, v3  }
0x60: {  	v4 =	vsub.s32 v57, v3  }
0x61: {  	v58 =	vld [tilespmem:s10+$0x20];
	v3 =	vsel vm14, v3, v4;
	_ =	sdelay $0x4  }
0x62: {  	[tilespmem:v3+s11+$0x0] =	vst.idx.msk $0xffff, v58  }
0x63: {  	v3 =	vld [tilespmem:s9+$0x30];
	_ =	sdelay $0x4  }
0x64: {  	vm15 =	veq.s32 v3, $0x1  }
0x65: {  	v3 =	vsel vm15, $0x1, v0  }
0x66: {  	(xrf0) =	vadd.scan.msk.s32 $0xffff, v3;
	_ =	sdelay $0x4  }
0x67: {  	v59 =	vmpcnt.ones.xlane vm14  }
0x68: {  	v60, _, _ =	vpop (xrf0)  }
0x69: {  	v2 =	vadd.s32 v2, v59;
	v3 =	vsub.s32 v60, v3  }
0x6a: {  	v61 =	vor.u32 s8, v1;
	v3 =	vadd.s32 v2, v3  }
0x6b: {  	v4 =	vsub.s32 v61, v3  }
0x6c: {  	p0 =	sne.s32 s8, $0x7F0;
	v62 =	vld [tilespmem:s10+$0x30];
	v3 =	vsel vm15, v3, v4  }
.Ltmp0:
0x6d: {  	_ = 	snop;
	(pc) =	sbr.rel @p0 .LBB2_1-.Ltmp0, $3  }
0x6e: {  	_ = 	snop  }
0x6f: {  	v63 =	vmpcnt.ones.xlane vm15;
	_ =	sdelay $0x1  }
0x70: {  	s8 =	sadd.s32 $0x80, s8;
	s9 =	sadd.s32 $0x80, s9;
	s10 =	sadd.s32 $0x80, s10;
	v2 =	vadd.s32 v2, v63;
	[tilespmem:v3+s11+$0x0] =	vst.idx.msk $0xffff, v62  }
0x71: {  	s8 =	sshll.u32 s3, $0xB  }
0x72: {  	s9 =	simm.s32 $0x800;
	s26 =	simm.s32 $0x4;
	s8 =	sadd.s32 s8, s6  }
0x73: {  	[spmem:s8] =	stream.linear.scatter [tilespmem:s9], [sflag:$0x4], $0x800, $0x38;
	[tilespmem:$0xBBA0] =	vst v63  }
0x74: {  	_ =	swait.ge [sflag:s26], $0x800  }
0x75: {  	[sflag:s26] =	ssyncset.done $0x0  }
0x76: {  	[sflag:s26] =	ssyncadd.s32 $0xFFFFF800  }
0x77: {  	s28 =	sadd.s32 s4, s5;
	s10 =	simm.s32 $0x1000;
	[tilespmem:$0x1000] =	vst v2  }
0x78: {  	[spmem:s28] =	stream.linear.scatter [tilespmem:s10], [sflag:$0x4], $0x80, $0x38;
	[tilespmem:$0xBBA0] =	vst v63  }
0x79: {  	_ =	swait.ge [sflag:s26], $0x80  }
0x7a: {  	[sflag:s26] =	ssyncset.done $0x0  }
0x7b: {  	[sflag:s26] =	ssyncadd.s32 $0xFFFFFF80  }
0x7c: {  	s29 =	simm.s32 $0x2680;
	v0 =	vlaneseq.u32;
	[bflag:$0x0] =	sbarrier.arrive $0xFFFF  }
0x7d: {  	v0 =	vmul.u32 $0x80, v0;
	[tilespmem:s29], [sflag:$0x2] =	stream.linear.gather [spmem:s6], $0x8000, $0x38;
	[tilespmem:$0xBBA0] =	vst v63  }
0x7e: {  	s30 =	simm.s32 $0x1880  }
0x7f: {  	[tilespmem:s30], [sflag:$0x4] =	stream.linear.gather [spmem:s5], $0x800, $0x38;
	[tilespmem:$0xBBA0] =	vst v63  }
0x80: {  	_ =	swait.ge [sflag:s26], $0x800  }
0x81: {  	[sflag:s26] =	ssyncset.done $0x0  }
0x82: {  	[sflag:s26] =	ssyncadd.s32 $0xFFFFF800  }
0x83: {  	v0 =	vld.idx.msk [tilespmem:v0+s30+$0x0], $0xffff;
	_ =	sdelay $0x4  }
0x84: {  	(xrf0) =	vadd.scan.msk.s32 $0xffff, v0;
	_ =	sdelay $0x5  }
0x85: {  	v1, _, _ =	vpop (xrf0)  }
0x86: {  	(v2sf) =	vpush v1, $0xF;
	_ =	sdelay $0xb  }
0x87: {  	v2 =	vsub.s32 $0x400, v0  }
0x88: {  	(xrf0) =	vadd.scan.msk.s32 $0xffff, v2;
	_ =	sdelay $0x1  }
0x89: {  	s5 =	spop (v2sf)  }
0x8a: {  	s6 =	ssub.s32 $0x4000, s5;
	p0 =	sgt.s32 s5, $0x1;
	s8 =	smov.u32 s5  }
0x8b: {  	s8 =	simm.s32 @!p0 $0x1;
	p0 =	sgt.s32 s6, $0x1;
	s9 =	smov.u32 s6  }
0x8c: {  	v0 =	vsub.s32 v1, v0;
	[tilespmem:$0x2080] =	vst v1;
	v1 =	vmov s8;
	s9 =	simm.s32 @!p0 $0x1  }
0x8d: {  	[tilespmem:$0x2100] =	vst v0;
	v3, _, _ =	vpop (xrf0);
	v0 =	vbroadcast v1, $0x0;
	v1 =	vmov s9  }
0x8e: {  	v2 =	vsub.s32 v3, v2;
	[tilespmem:$0x2180] =	vst v3;
	v1 =	vbroadcast v1, $0x0  }
0x8f: {  	s31 =	simm.s32 $0x1;
	[tilespmem:$0x2200] =	vst v2;
	v2 =	vcvt.s32.f32 v0  }
0x90: {  	_ =	swait.ge [sflag:s31], $0x800;
	v3 =	vcvt.s32.f32 v1  }
0x91: {  	(erf) = vrcp.f32 v2  }
0x92: {  	(erf) = vrcp.f32 v3;
	_ =	sdelay $0x7  }
0x93: {  	v2 =	vpop (erf)  }
0x94: {  	v3 =	vpop (erf);
	v4 =	vmul.f32 $6.553600000e+04, v2  }
0x95: {  	v5 =	vmul.f32 $6.553600000e+04, v3  }
0x96: {  	v4 =	vtrunc.f32 v4  }
0x97: {  	v5 =	vtrunc.f32 v5;
	v4 =	vcvt.f32.s32 v4  }
0x98: {  	v5 =	vcvt.f32.s32 v5  }
0x99: {  	v4 =	vmul.u32 v4, v0  }
0x9a: {  	v5 =	vmul.u32 v5, v1  }
0x9b: {  	v4 =	vsub.s32 $0x10000, v4  }
0x9c: {  	v5 =	vsub.s32 $0x10000, v5;
	v6 =	vcvt.s32.f32 v4  }
0x9d: {  	v7 =	vcvt.s32.f32 v5  }
0x9e: {  	v6 =	vmul.f32 v6, v2  }
0x9f: {  	v7 =	vmul.f32 v7, v3  }
0xa0: {  	v6 =	vtrunc.f32 v6  }
0xa1: {  	v7 =	vtrunc.f32 v7;
	v6 =	vcvt.f32.s32 v6  }
0xa2: {  	v7 =	vcvt.f32.s32 v7  }
0xa3: {  	v6 =	vmul.u32 v6, v0  }
0xa4: {  	v7 =	vmul.u32 v7, v1  }
0xa5: {  	v4 =	vsub.s32 v4, v6  }
0xa6: {  	v5 =	vsub.s32 v5, v7;
	vm0 =	vlt.s32 v4, v0  }
0xa7: {  	vm1 =	vlt.s32 v5, v1;
	v6 =	vsel vm0, $0x0, v0  }
0xa8: {  	v7 =	vsel vm1, $0x0, v1;
	v4 =	vsub.s32 v4, v6  }
0xa9: {  	v5 =	vsub.s32 v5, v7;
	v6 =	vshra.s32 v4, $0x1F  }
0xaa: {  	v7 =	vshra.s32 v5, $0x1F;
	v6 =	vand.u32 v0, v6  }
0xab: {  	v7 =	vand.u32 v1, v7;
	v4 =	vadd.s32 v4, v6  }
0xac: {  	v5 =	vadd.s32 v5, v7;
	v6 =	vshra.s32 v4, $0x1F  }
0xad: {  	v7 =	vshra.s32 v5, $0x1F;
	v6 =	vand.u32 v0, v6  }
0xae: {  	v7 =	vand.u32 v1, v7;
	v4 =	vadd.s32 v4, v6  }
0xaf: {  	v5 =	vadd.s32 v5, v7;
	v6 =	vmul.u32 v4, v4  }
0xb0: {  	v7 =	vmul.u32 v5, v5  }
0xb1: {  	v8 =	vcvt.s32.f32 v6  }
0xb2: {  	v9 =	vcvt.s32.f32 v7  }
0xb3: {  	v8 =	vmul.f32 v8, v2  }
0xb4: {  	v9 =	vmul.f32 v9, v3  }
0xb5: {  	v8 =	vtrunc.f32 v8  }
0xb6: {  	v9 =	vtrunc.f32 v9;
	v8 =	vcvt.f32.s32 v8  }
0xb7: {  	v9 =	vcvt.f32.s32 v9  }
0xb8: {  	v8 =	vmul.u32 v8, v0  }
0xb9: {  	v9 =	vmul.u32 v9, v1  }
0xba: {  	v6 =	vsub.s32 v6, v8  }
0xbb: {  	v7 =	vsub.s32 v7, v9;
	v8 =	vcvt.s32.f32 v6  }
0xbc: {  	v9 =	vcvt.s32.f32 v7  }
0xbd: {  	v8 =	vmul.f32 v8, v2  }
0xbe: {  	v9 =	vmul.f32 v9, v3  }
0xbf: {  	v8 =	vtrunc.f32 v8  }
0xc0: {  	v9 =	vtrunc.f32 v9;
	v8 =	vcvt.f32.s32 v8  }
0xc1: {  	v9 =	vcvt.f32.s32 v9  }
0xc2: {  	v8 =	vmul.u32 v8, v0  }
0xc3: {  	v9 =	vmul.u32 v9, v1  }
0xc4: {  	v6 =	vsub.s32 v6, v8  }
0xc5: {  	v7 =	vsub.s32 v7, v9;
	vm12 =	vlt.s32 v6, v0  }
0xc6: {  	vm13 =	vlt.s32 v7, v1;
	v8 =	vsel vm12, $0x0, v0  }
0xc7: {  	v9 =	vsel vm13, $0x0, v1;
	v6 =	vsub.s32 v6, v8  }
0xc8: {  	v7 =	vsub.s32 v7, v9;
	v8 =	vshra.s32 v6, $0x1F  }
0xc9: {  	v9 =	vshra.s32 v7, $0x1F;
	v8 =	vand.u32 v0, v8  }
0xca: {  	v9 =	vand.u32 v1, v9;
	v6 =	vadd.s32 v6, v8  }
0xcb: {  	v7 =	vadd.s32 v7, v9;
	v8 =	vshra.s32 v6, $0x1F  }
0xcc: {  	v9 =	vshra.s32 v7, $0x1F;
	v8 =	vand.u32 v0, v8  }
0xcd: {  	v9 =	vand.u32 v1, v9;
	v6 =	vadd.s32 v6, v8  }
0xce: {  	v7 =	vadd.s32 v7, v9;
	v8 =	vshll.u32 v6, $0x10  }
0xcf: {  	v9 =	vshll.u32 v7, $0x10;
	v10 =	vcvt.s32.f32 v8  }
0xd0: {  	v11 =	vcvt.s32.f32 v9  }
0xd1: {  	v10 =	vmul.f32 v10, v2  }
0xd2: {  	v11 =	vmul.f32 v11, v3  }
0xd3: {  	v10 =	vtrunc.f32 v10  }
0xd4: {  	v11 =	vtrunc.f32 v11;
	v10 =	vcvt.f32.s32 v10  }
0xd5: {  	v11 =	vcvt.f32.s32 v11  }
0xd6: {  	v10 =	vmul.u32 v10, v0  }
0xd7: {  	v11 =	vmul.u32 v11, v1  }
0xd8: {  	v8 =	vsub.s32 v8, v10  }
0xd9: {  	v9 =	vsub.s32 v9, v11;
	v10 =	vcvt.s32.f32 v8  }
0xda: {  	v11 =	vcvt.s32.f32 v9  }
0xdb: {  	v10 =	vmul.f32 v10, v2  }
0xdc: {  	v11 =	vmul.f32 v11, v3  }
0xdd: {  	v10 =	vtrunc.f32 v10  }
0xde: {  	v11 =	vtrunc.f32 v11;
	v10 =	vcvt.f32.s32 v10  }
0xdf: {  	v11 =	vcvt.f32.s32 v11  }
0xe0: {  	v10 =	vmul.u32 v10, v0  }
0xe1: {  	v11 =	vmul.u32 v11, v1  }
0xe2: {  	v8 =	vsub.s32 v8, v10  }
0xe3: {  	v9 =	vsub.s32 v9, v11;
	vm14 =	vlt.s32 v8, v0  }
0xe4: {  	vm15 =	vlt.s32 v9, v1;
	v10 =	vsel vm14, $0x0, v0  }
0xe5: {  	v11 =	vsel vm15, $0x0, v1;
	v8 =	vsub.s32 v8, v10  }
0xe6: {  	v9 =	vsub.s32 v9, v11;
	v10 =	vshra.s32 v8, $0x1F  }
0xe7: {  	v12 =	vimm.s32 $0x7;
	v11 =	vshra.s32 v9, $0x1F;
	v10 =	vand.u32 v0, v10  }
0xe8: {  	v13 =	vimm.s32 $0x8;
	v11 =	vand.u32 v1, v11;
	v8 =	vadd.s32 v8, v10  }
0xe9: {  	v14 =	vimm.s32 $0x4;
	v9 =	vadd.s32 v9, v11;
	v10 =	vshra.s32 v8, $0x1F  }
0xea: {  	s11 =	simm.s32 $0x2080;
	v15 =	vimm.s32 $0x2;
	s12 =	simm.s32 $0x2100;
	s13 =	simm.s32 $0x2180;
	v11 =	vshra.s32 v9, $0x1F;
	v10 =	vand.u32 v0, v10  }
0xeb: {  	v16 =	vimm.s32 $0x0;
	s14 =	simm.s32 $0x2200;
	s10 =	simm.s32 $0x2480;
	[sflag:s31] =	ssyncset.done $0x0;
	v11 =	vand.u32 v1, v11;
	v8 =	vadd.s32 v8, v10  }
0xec: {  	[sflag:s31] =	ssyncadd.s32 $0xFFFFF800;
	s8 =	simm.s32 $0x0;
	s9 =	simm.s32 $0x1490;
	v10 =	vadd.s32 $0xFFFFFFFF, v0;
	v9 =	vadd.s32 v9, v11;
	v11 =	vadd.s32 $0xFFFFFFFF, v1  }
.LBB2_3:
0xed: {  	v17 =	vld [tilespmem:s9+$0xFFFFFBF0];
	_ =	sdelay $0x1  }
0xee: {  	s15 =	sand.u32 $0x1C0, s8  }
0xef: {  	v18 =	vld [tilespmem:s15+$0x1480];
	_ =	sdelay $0x1  }
0xf0: {  	v19 =	vshrl.u32 v17, $0x10;
	v17 =	vand.u32 $0xFFFF, v17  }
0xf1: {  	v19 =	vmul.u32 v8, v19;
	v17 =	vmul.u32 v6, v17;
	_ =	sdelay $0x1  }
0xf2: {  	v17 =	vadd.s32 v17, v19;
	v19 =	vshrl.u32 v18, $0x10;
	v18 =	vand.u32 $0xFFFF, v18  }
0xf3: {  	v19 =	vmul.u32 v9, v19;
	v18 =	vmul.u32 v7, v18  }
0xf4: {  	v20 =	vcvt.s32.f32 v17  }
0xf5: {  	v18 =	vadd.s32 v18, v19  }
0xf6: {  	v20 =	vmul.f32 v20, v2;
	v19 =	vcvt.s32.f32 v18;
	_ =	sdelay $0x1  }
0xf7: {  	v20 =	vtrunc.f32 v20;
	v19 =	vmul.f32 v19, v3  }
0xf8: {  	v20 =	vcvt.f32.s32 v20  }
0xf9: {  	v19 =	vtrunc.f32 v19  }
0xfa: {  	v20 =	vmul.u32 v20, v0;
	v19 =	vcvt.f32.s32 v19;
	_ =	sdelay $0x1  }
0xfb: {  	v17 =	vsub.s32 v17, v20;
	v19 =	vmul.u32 v19, v1  }
0xfc: {  	v20 =	vcvt.s32.f32 v17  }
0xfd: {  	v18 =	vsub.s32 v18, v19  }
0xfe: {  	v20 =	vmul.f32 v20, v2;
	v19 =	vcvt.s32.f32 v18;
	_ =	sdelay $0x1  }
0xff: {  	v20 =	vtrunc.f32 v20;
	v19 =	vmul.f32 v19, v3  }
0x100: {  	v20 =	vcvt.f32.s32 v20  }
0x101: {  	v22 =	vld [tilespmem:s15+$0x1680];
	v19 =	vtrunc.f32 v19  }
0x102: {  	v20 =	vmul.u32 v20, v0;
	v19 =	vcvt.f32.s32 v19  }
0x103: {  	v21 =	vld [tilespmem:s9+$0xFFFFFDF0]  }
0x104: {  	v17 =	vsub.s32 v17, v20;
	v19 =	vmul.u32 v19, v1  }
0x105: {  	vm0 =	vlt.s32 v17, v0  }
0x106: {  	v56 =	vshrl.u32 v22, $0x10;
	v55 =	vsel vm0, $0x0, v0;
	v18 =	vsub.s32 v18, v19  }
0x107: {  	v22 =	vand.u32 $0xFFFF, v22;
	v17 =	vsub.s32 v17, v55;
	vm13 =	vlt.s32 v18, v1  }
0x108: {  	v19 =	vshrl.u32 v21, $0x10;
	v20 =	vshra.s32 v17, $0x1F;
	v23 =	vsel vm13, $0x0, v1  }
0x109: {  	v19 =	vmul.u32 v4, v19;
	v20 =	vand.u32 v0, v20;
	v18 =	vsub.s32 v18, v23  }
0x10a: {  	v21 =	vand.u32 $0xFFFF, v21;
	v17 =	vadd.s32 v17, v20;
	v57 =	vshra.s32 v18, $0x1F  }
0x10b: {  	v19 =	vadd.s32 v21, v19;
	v20 =	vmul.u32 v5, v56;
	v21 =	vand.u32 v1, v57  }
0x10c: {  	v58 =	vshra.s32 v17, $0x1F;
	v17 =	vadd.s32 v17, v19;
	v18 =	vadd.s32 v18, v21  }
0x10d: {  	v23 =	vand.u32 v0, v58;
	v20 =	vadd.s32 v22, v20;
	v19 =	vshra.s32 v18, $0x1F  }
0x10e: {  	v17 =	vadd.s32 v23, v17;
	v18 =	vadd.s32 v18, v20;
	v19 =	vand.u32 v1, v19  }
0x10f: {  	v59 =	vcvt.s32.f32 v17;
	v18 =	vadd.s32 v19, v18  }
0x110: {  	v19 =	vcvt.s32.f32 v18  }
0x111: {  	v20 =	vmul.f32 v59, v2  }
0x112: {  	v19 =	vmul.f32 v19, v3  }
0x113: {  	v20 =	vtrunc.f32 v20  }
0x114: {  	v20 =	vcvt.f32.s32 v20;
	v19 =	vtrunc.f32 v19  }
0x115: {  	v19 =	vcvt.f32.s32 v19  }
0x116: {  	v20 =	vmul.u32 v20, v0  }
0x117: {  	v19 =	vmul.u32 v19, v1  }
0x118: {  	v17 =	vsub.s32 v17, v20  }
0x119: {  	v20 =	vcvt.s32.f32 v17;
	v18 =	vsub.s32 v18, v19  }
0x11a: {  	v19 =	vcvt.s32.f32 v18  }
0x11b: {  	v20 =	vmul.f32 v20, v2  }
0x11c: {  	v19 =	vmul.f32 v19, v3  }
0x11d: {  	v20 =	vtrunc.f32 v20  }
0x11e: {  	v20 =	vcvt.f32.s32 v20;
	v19 =	vtrunc.f32 v19  }
0x11f: {  	v19 =	vcvt.f32.s32 v19  }
0x120: {  	v20 =	vmul.u32 v20, v0  }
0x121: {  	v19 =	vmul.u32 v19, v1  }
0x122: {  	v17 =	vsub.s32 v17, v20  }
0x123: {  	vm14 =	vlt.s32 v17, v0;
	v18 =	vsub.s32 v18, v19  }
0x124: {  	v19 =	vsel vm14, $0x0, v0;
	vm15 =	vlt.s32 v18, v1  }
0x125: {  	v17 =	vsub.s32 v17, v19;
	v19 =	vsel vm15, $0x0, v1  }
0x126: {  	v60 =	vshra.s32 v17, $0x1F;
	v18 =	vsub.s32 v18, v19  }
0x127: {  	v19 =	vand.u32 v0, v60;
	v61 =	vshra.s32 v18, $0x1F  }
0x128: {  	v17 =	vadd.s32 v17, v19;
	v19 =	vand.u32 v1, v61  }
0x129: {  	v62 =	vshra.s32 v17, $0x1F;
	v18 =	vadd.s32 v18, v19  }
0x12a: {  	v19 =	vand.u32 v0, v62;
	v63 =	vshra.s32 v18, $0x1F  }
0x12b: {  	v24 =	vld.idx.msk [tilespmem:v12+s11+$0x0], $0xffff;
	v17 =	vadd.s32 v17, v19;
	v19 =	vand.u32 v1, v63  }
0x12c: {  	vm4 =	vgt.s32 v17, $0x0;
	v18 =	vadd.s32 v18, v19;
	v19 =	vld.idx.msk [tilespmem:v12+s13+$0x0], $0xffff  }
0x12d: {  	v17 =	vnsel vm4, $0x0, v17;
	vm5 =	vgt.s32 v18, $0x0  }
0x12e: {  	vm6 =	vlt.s32 v17, v10;
	v18 =	vnsel vm5, $0x0, v18  }
0x12f: {  	v17 =	vsel vm6, v17, v10;
	vm7 =	vlt.s32 v18, v11  }
0x130: {  	vm8 =	vgt.s32 v24, v17;
	v18 =	vsel vm7, v18, v11  }
0x131: {  	v20 =	vsel vm8, $0x0, v13;
	vm9 =	vgt.s32 v19, v18  }
0x132: {  	v19 =	vor.u32 $0x3, v20;
	v25 =	vsel vm9, $0x0, v13  }
0x133: {  	v26 =	vor.u32 $0x3, v25;
	_ =	sdelay $0x3  }
0x134: {  	v19 =	vld.idx.msk [tilespmem:v19+s11+$0x0], $0xffff  }
0x135: {  	v22 =	vld.idx.msk [tilespmem:v26+s13+$0x0], $0xffff;
	_ =	sdelay $0x3  }
0x136: {  	vm10 =	vgt.s32 v19, v17  }
0x137: {  	v19 =	vsel vm10, $0x0, v14;
	vm11 =	vgt.s32 v22, v18  }
0x138: {  	v19 =	vor.u32 v19, v20;
	v27 =	vsel vm11, $0x0, v14  }
0x139: {  	v28 =	vor.u32 $0x1, v19;
	v20 =	vor.u32 v27, v25  }
0x13a: {  	v21 =	vor.u32 $0x1, v20;
	_ =	sdelay $0x3  }
0x13b: {  	v22 =	vld.idx.msk [tilespmem:v28+s11+$0x0], $0xffff  }
0x13c: {  	v21 =	vld.idx.msk [tilespmem:v21+s13+$0x0], $0xffff;
	_ =	sdelay $0x3  }
0x13d: {  	vm12 =	vgt.s32 v22, v17  }
0x13e: {  	v22 =	vsel vm12, $0x0, v15;
	vm13 =	vgt.s32 v21, v18  }
0x13f: {  	v19 =	vor.u32 v22, v19;
	v21 =	vsel vm13, $0x0, v15  }
0x140: {  	v20 =	vor.u32 v21, v20;
	_ =	sdelay $0x3  }
0x141: {  	v29 =	vld.idx.msk [tilespmem:v19+s11+$0x0], $0xffff  }
0x142: {  	v30 =	vld.idx.msk [tilespmem:v20+s13+$0x0], $0xffff;
	_ =	sdelay $0x3  }
0x143: {  	vm14 =	vle.s32 v29, v17  }
0x144: {  	v21 =	vsel vm14, $0x1, v16;
	vm15 =	vle.s32 v30, v18  }
0x145: {  	v19 =	vor.u32 v21, v19;
	v31 =	vsel vm15, $0x1, v16  }
0x146: {  	v20 =	vor.u32 v31, v20;
	_ =	sdelay $0x3  }
0x147: {  	v32 =	vld.idx.msk [tilespmem:v19+s12+$0x0], $0xffff  }
0x148: {  	v33 =	vld.idx.msk [tilespmem:v20+s14+$0x0], $0xffff;
	_ =	sdelay $0x3  }
0x149: {  	v19 =	vshll.u32 v19, $0xB  }
0x14a: {  	v20 =	vshll.u32 v20, $0xB;
	v17 =	vsub.s32 v17, v32;
	v18 =	vsub.s32 v18, v33  }
0x14b: {  	v17 =	vadd.s32 v19, v17;
	v18 =	vadd.s32 v20, v18  }
0x14c: {  	[tilespmem:s10+$0xFFFFFE00] =	vst v17;
	v18 =	vadd.s32 $0x400, v18  }
0x14d: {  	[tilespmem:s10+$0x0] =	vst v18  }
0x14e: {  	v17 =	vld [tilespmem:s9+$0xFFFFFC00];
	_ =	sdelay $0x2  }
0x14f: {  	v18 =	vld [tilespmem:s9+$0x0];
	_ =	sdelay $0x1  }
0x150: {  	v19 =	vshrl.u32 v17, $0x10;
	v17 =	vand.u32 $0xFFFF, v17  }
0x151: {  	v19 =	vmul.u32 v8, v19;
	v17 =	vmul.u32 v6, v17;
	_ =	sdelay $0x1  }
0x152: {  	v17 =	vadd.s32 v17, v19;
	v19 =	vshrl.u32 v18, $0x10;
	v18 =	vand.u32 $0xFFFF, v18  }
0x153: {  	v19 =	vmul.u32 v9, v19;
	v18 =	vmul.u32 v7, v18  }
0x154: {  	v34 =	vcvt.s32.f32 v17  }
0x155: {  	v18 =	vadd.s32 v18, v19  }
0x156: {  	v20 =	vmul.f32 v34, v2;
	v19 =	vcvt.s32.f32 v18;
	_ =	sdelay $0x1  }
0x157: {  	v20 =	vtrunc.f32 v20;
	v19 =	vmul.f32 v19, v3  }
0x158: {  	v20 =	vcvt.f32.s32 v20  }
0x159: {  	v19 =	vtrunc.f32 v19  }
0x15a: {  	v20 =	vmul.u32 v20, v0;
	v19 =	vcvt.f32.s32 v19;
	_ =	sdelay $0x1  }
0x15b: {  	v17 =	vsub.s32 v17, v20;
	v19 =	vmul.u32 v19, v1  }
0x15c: {  	v20 =	vcvt.s32.f32 v17  }
0x15d: {  	v18 =	vsub.s32 v18, v19  }
0x15e: {  	v20 =	vmul.f32 v20, v2;
	v19 =	vcvt.s32.f32 v18;
	_ =	sdelay $0x1  }
0x15f: {  	v20 =	vtrunc.f32 v20;
	v19 =	vmul.f32 v19, v3  }
0x160: {  	v20 =	vcvt.f32.s32 v20  }
0x161: {  	v35 =	vld [tilespmem:s9+$0xFFFFFE00];
	v19 =	vtrunc.f32 v19  }
0x162: {  	v37 =	vld [tilespmem:s9+$0x200];
	v20 =	vmul.u32 v20, v0;
	v19 =	vcvt.f32.s32 v19;
	_ =	sdelay $0x1  }
0x163: {  	v17 =	vsub.s32 v17, v20;
	v19 =	vmul.u32 v19, v1  }
0x164: {  	vm4 =	vlt.s32 v17, v0  }
0x165: {  	v21 =	vand.u32 $0xFFFF, v35;
	v36 =	vsel vm4, $0x0, v0;
	v18 =	vsub.s32 v18, v19  }
0x166: {  	v39 =	vshrl.u32 v37, $0x10;
	v17 =	vsub.s32 v17, v36;
	vm5 =	vlt.s32 v18, v1  }
0x167: {  	v19 =	vshrl.u32 v35, $0x10;
	v20 =	vshra.s32 v17, $0x1F;
	v38 =	vsel vm5, $0x0, v1  }
0x168: {  	v19 =	vmul.u32 v4, v19;
	v20 =	vand.u32 v0, v20;
	v18 =	vsub.s32 v18, v38  }
0x169: {  	v22 =	vand.u32 $0xFFFF, v37;
	v17 =	vadd.s32 v17, v20;
	v40 =	vshra.s32 v18, $0x1F  }
0x16a: {  	v19 =	vadd.s32 v21, v19;
	v20 =	vmul.u32 v5, v39;
	v21 =	vand.u32 v1, v40  }
0x16b: {  	v41 =	vshra.s32 v17, $0x1F;
	v17 =	vadd.s32 v17, v19;
	v18 =	vadd.s32 v18, v21  }
0x16c: {  	v23 =	vand.u32 v0, v41;
	v20 =	vadd.s32 v22, v20;
	v19 =	vshra.s32 v18, $0x1F  }
0x16d: {  	v17 =	vadd.s32 v23, v17;
	v18 =	vadd.s32 v18, v20;
	v19 =	vand.u32 v1, v19  }
0x16e: {  	v42 =	vcvt.s32.f32 v17;
	v18 =	vadd.s32 v19, v18  }
0x16f: {  	v19 =	vcvt.s32.f32 v18  }
0x170: {  	v20 =	vmul.f32 v42, v2  }
0x171: {  	v19 =	vmul.f32 v19, v3  }
0x172: {  	v20 =	vtrunc.f32 v20  }
0x173: {  	v20 =	vcvt.f32.s32 v20;
	v19 =	vtrunc.f32 v19  }
0x174: {  	v19 =	vcvt.f32.s32 v19  }
0x175: {  	v20 =	vmul.u32 v20, v0  }
0x176: {  	v19 =	vmul.u32 v19, v1  }
0x177: {  	v17 =	vsub.s32 v17, v20  }
0x178: {  	v20 =	vcvt.s32.f32 v17;
	v18 =	vsub.s32 v18, v19  }
0x179: {  	v19 =	vcvt.s32.f32 v18  }
0x17a: {  	v20 =	vmul.f32 v20, v2  }
0x17b: {  	v19 =	vmul.f32 v19, v3  }
0x17c: {  	v20 =	vtrunc.f32 v20  }
0x17d: {  	v20 =	vcvt.f32.s32 v20;
	v19 =	vtrunc.f32 v19  }
0x17e: {  	v19 =	vcvt.f32.s32 v19  }
0x17f: {  	v20 =	vmul.u32 v20, v0  }
0x180: {  	v19 =	vmul.u32 v19, v1  }
0x181: {  	v17 =	vsub.s32 v17, v20  }
0x182: {  	vm6 =	vlt.s32 v17, v0;
	v18 =	vsub.s32 v18, v19  }
0x183: {  	v19 =	vsel vm6, $0x0, v0;
	vm7 =	vlt.s32 v18, v1  }
0x184: {  	v17 =	vsub.s32 v17, v19;
	v19 =	vsel vm7, $0x0, v1  }
0x185: {  	v43 =	vshra.s32 v17, $0x1F;
	v18 =	vsub.s32 v18, v19  }
0x186: {  	v19 =	vand.u32 v0, v43;
	v44 =	vshra.s32 v18, $0x1F  }
0x187: {  	v17 =	vadd.s32 v17, v19;
	v19 =	vand.u32 v1, v44  }
0x188: {  	v45 =	vshra.s32 v17, $0x1F;
	v18 =	vadd.s32 v18, v19  }
0x189: {  	v19 =	vand.u32 v0, v45;
	v46 =	vshra.s32 v18, $0x1F  }
0x18a: {  	v47 =	vld.idx.msk [tilespmem:v12+s11+$0x0], $0xffff;
	v17 =	vadd.s32 v17, v19;
	v19 =	vand.u32 v1, v46  }
0x18b: {  	vm8 =	vgt.s32 v17, $0x0;
	v18 =	vadd.s32 v18, v19;
	v19 =	vld.idx.msk [tilespmem:v12+s13+$0x0], $0xffff  }
0x18c: {  	v17 =	vnsel vm8, $0x0, v17;
	vm9 =	vgt.s32 v18, $0x0  }
0x18d: {  	vm10 =	vlt.s32 v17, v10;
	v18 =	vnsel vm9, $0x0, v18  }
0x18e: {  	v17 =	vsel vm10, v17, v10;
	vm11 =	vlt.s32 v18, v11  }
0x18f: {  	vm12 =	vgt.s32 v47, v17;
	v18 =	vsel vm11, v18, v11  }
0x190: {  	v20 =	vsel vm12, $0x0, v13;
	vm13 =	vgt.s32 v19, v18  }
0x191: {  	v19 =	vor.u32 $0x3, v20;
	v48 =	vsel vm13, $0x0, v13  }
0x192: {  	v49 =	vor.u32 $0x3, v48;
	_ =	sdelay $0x3  }
0x193: {  	v19 =	vld.idx.msk [tilespmem:v19+s11+$0x0], $0xffff  }
0x194: {  	v22 =	vld.idx.msk [tilespmem:v49+s13+$0x0], $0xffff;
	_ =	sdelay $0x3  }
0x195: {  	vm14 =	vgt.s32 v19, v17  }
0x196: {  	v19 =	vsel vm14, $0x0, v14;
	vm15 =	vgt.s32 v22, v18  }
0x197: {  	v19 =	vor.u32 v19, v20;
	v50 =	vsel vm15, $0x0, v14  }
0x198: {  	v51 =	vor.u32 $0x1, v19;
	v20 =	vor.u32 v50, v48  }
0x199: {  	v21 =	vor.u32 $0x1, v20;
	_ =	sdelay $0x3  }
0x19a: {  	v22 =	vld.idx.msk [tilespmem:v51+s11+$0x0], $0xffff  }
0x19b: {  	v21 =	vld.idx.msk [tilespmem:v21+s13+$0x0], $0xffff;
	_ =	sdelay $0x3  }
0x19c: {  	vm4 =	vgt.s32 v22, v17  }
0x19d: {  	v22 =	vsel vm4, $0x0, v15;
	vm5 =	vgt.s32 v21, v18  }
0x19e: {  	v19 =	vor.u32 v22, v19;
	v21 =	vsel vm5, $0x0, v15  }
0x19f: {  	v20 =	vor.u32 v21, v20;
	_ =	sdelay $0x3  }
0x1a0: {  	v52 =	vld.idx.msk [tilespmem:v19+s11+$0x0], $0xffff  }
0x1a1: {  	v53 =	vld.idx.msk [tilespmem:v20+s13+$0x0], $0xffff;
	_ =	sdelay $0x3  }
0x1a2: {  	vm6 =	vle.s32 v52, v17  }
0x1a3: {  	v21 =	vsel vm6, $0x1, v16;
	vm7 =	vle.s32 v53, v18  }
0x1a4: {  	v19 =	vor.u32 v21, v19;
	v54 =	vsel vm7, $0x1, v16  }
0x1a5: {  	v20 =	vor.u32 v54, v20;
	_ =	sdelay $0x3  }
0x1a6: {  	v55 =	vld.idx.msk [tilespmem:v19+s12+$0x0], $0xffff  }
0x1a7: {  	v56 =	vld.idx.msk [tilespmem:v20+s14+$0x0], $0xffff;
	_ =	sdelay $0x3  }
0x1a8: {  	v19 =	vshll.u32 v19, $0xB  }
0x1a9: {  	v20 =	vshll.u32 v20, $0xB;
	v17 =	vsub.s32 v17, v55;
	v18 =	vsub.s32 v18, v56  }
0x1aa: {  	v17 =	vadd.s32 v19, v17;
	v18 =	vadd.s32 v20, v18  }
0x1ab: {  	[tilespmem:s10+$0xFFFFFE10] =	vst v17;
	v18 =	vadd.s32 $0x400, v18  }
0x1ac: {  	[tilespmem:s10+$0x10] =	vst v18  }
0x1ad: {  	v17 =	vld [tilespmem:s9+$0xFFFFFC10];
	_ =	sdelay $0x2  }
0x1ae: {  	v18 =	vld [tilespmem:s9+$0x10];
	_ =	sdelay $0x1  }
0x1af: {  	v19 =	vshrl.u32 v17, $0x10;
	v17 =	vand.u32 $0xFFFF, v17  }
0x1b0: {  	v19 =	vmul.u32 v8, v19;
	v17 =	vmul.u32 v6, v17;
	_ =	sdelay $0x1  }
0x1b1: {  	v17 =	vadd.s32 v17, v19;
	v19 =	vshrl.u32 v18, $0x10;
	v18 =	vand.u32 $0xFFFF, v18  }
0x1b2: {  	v19 =	vmul.u32 v9, v19;
	v18 =	vmul.u32 v7, v18  }
0x1b3: {  	v57 =	vcvt.s32.f32 v17  }
0x1b4: {  	v18 =	vadd.s32 v18, v19  }
0x1b5: {  	v20 =	vmul.f32 v57, v2;
	v19 =	vcvt.s32.f32 v18;
	_ =	sdelay $0x1  }
0x1b6: {  	v20 =	vtrunc.f32 v20;
	v19 =	vmul.f32 v19, v3  }
0x1b7: {  	v20 =	vcvt.f32.s32 v20  }
0x1b8: {  	v19 =	vtrunc.f32 v19  }
0x1b9: {  	v20 =	vmul.u32 v20, v0;
	v19 =	vcvt.f32.s32 v19;
	_ =	sdelay $0x1  }
0x1ba: {  	v17 =	vsub.s32 v17, v20;
	v19 =	vmul.u32 v19, v1  }
0x1bb: {  	v20 =	vcvt.s32.f32 v17  }
0x1bc: {  	v18 =	vsub.s32 v18, v19  }
0x1bd: {  	v20 =	vmul.f32 v20, v2;
	v19 =	vcvt.s32.f32 v18;
	_ =	sdelay $0x1  }
0x1be: {  	v20 =	vtrunc.f32 v20;
	v19 =	vmul.f32 v19, v3  }
0x1bf: {  	v20 =	vcvt.f32.s32 v20  }
0x1c0: {  	v58 =	vld [tilespmem:s9+$0xFFFFFE10];
	v19 =	vtrunc.f32 v19  }
0x1c1: {  	v60 =	vld [tilespmem:s9+$0x210];
	v20 =	vmul.u32 v20, v0;
	v19 =	vcvt.f32.s32 v19;
	_ =	sdelay $0x1  }
0x1c2: {  	v17 =	vsub.s32 v17, v20;
	v19 =	vmul.u32 v19, v1  }
0x1c3: {  	vm8 =	vlt.s32 v17, v0  }
0x1c4: {  	v21 =	vand.u32 $0xFFFF, v58;
	v59 =	vsel vm8, $0x0, v0;
	v18 =	vsub.s32 v18, v19  }
0x1c5: {  	v62 =	vshrl.u32 v60, $0x10;
	v17 =	vsub.s32 v17, v59;
	vm9 =	vlt.s32 v18, v1  }
0x1c6: {  	v19 =	vshrl.u32 v58, $0x10;
	v20 =	vshra.s32 v17, $0x1F;
	v61 =	vsel vm9, $0x0, v1  }
0x1c7: {  	v19 =	vmul.u32 v4, v19;
	v20 =	vand.u32 v0, v20;
	v18 =	vsub.s32 v18, v61  }
0x1c8: {  	v22 =	vand.u32 $0xFFFF, v60;
	v17 =	vadd.s32 v17, v20;
	v63 =	vshra.s32 v18, $0x1F  }
0x1c9: {  	v19 =	vadd.s32 v21, v19;
	v20 =	vmul.u32 v5, v62;
	v21 =	vand.u32 v1, v63  }
0x1ca: {  	v24 =	vshra.s32 v17, $0x1F;
	v17 =	vadd.s32 v17, v19;
	v18 =	vadd.s32 v18, v21  }
0x1cb: {  	v23 =	vand.u32 v0, v24;
	v20 =	vadd.s32 v22, v20;
	v19 =	vshra.s32 v18, $0x1F  }
0x1cc: {  	v17 =	vadd.s32 v23, v17;
	v18 =	vadd.s32 v18, v20;
	v19 =	vand.u32 v1, v19  }
0x1cd: {  	v25 =	vcvt.s32.f32 v17;
	v18 =	vadd.s32 v19, v18  }
0x1ce: {  	v19 =	vcvt.s32.f32 v18  }
0x1cf: {  	v20 =	vmul.f32 v25, v2  }
0x1d0: {  	v19 =	vmul.f32 v19, v3  }
0x1d1: {  	v20 =	vtrunc.f32 v20  }
0x1d2: {  	v20 =	vcvt.f32.s32 v20;
	v19 =	vtrunc.f32 v19  }
0x1d3: {  	v19 =	vcvt.f32.s32 v19  }
0x1d4: {  	v20 =	vmul.u32 v20, v0  }
0x1d5: {  	v19 =	vmul.u32 v19, v1  }
0x1d6: {  	v17 =	vsub.s32 v17, v20  }
0x1d7: {  	v20 =	vcvt.s32.f32 v17;
	v18 =	vsub.s32 v18, v19  }
0x1d8: {  	v19 =	vcvt.s32.f32 v18  }
0x1d9: {  	v20 =	vmul.f32 v20, v2  }
0x1da: {  	v19 =	vmul.f32 v19, v3  }
0x1db: {  	v20 =	vtrunc.f32 v20  }
0x1dc: {  	v20 =	vcvt.f32.s32 v20;
	v19 =	vtrunc.f32 v19  }
0x1dd: {  	v19 =	vcvt.f32.s32 v19  }
0x1de: {  	v20 =	vmul.u32 v20, v0  }
0x1df: {  	v19 =	vmul.u32 v19, v1  }
0x1e0: {  	v17 =	vsub.s32 v17, v20  }
0x1e1: {  	vm10 =	vlt.s32 v17, v0;
	v18 =	vsub.s32 v18, v19  }
0x1e2: {  	v19 =	vsel vm10, $0x0, v0;
	vm11 =	vlt.s32 v18, v1  }
0x1e3: {  	v17 =	vsub.s32 v17, v19;
	v19 =	vsel vm11, $0x0, v1  }
0x1e4: {  	v26 =	vshra.s32 v17, $0x1F;
	v18 =	vsub.s32 v18, v19  }
0x1e5: {  	v19 =	vand.u32 v0, v26;
	v27 =	vshra.s32 v18, $0x1F  }
0x1e6: {  	v17 =	vadd.s32 v17, v19;
	v19 =	vand.u32 v1, v27  }
0x1e7: {  	v28 =	vshra.s32 v17, $0x1F;
	v18 =	vadd.s32 v18, v19  }
0x1e8: {  	v19 =	vand.u32 v0, v28;
	v29 =	vshra.s32 v18, $0x1F  }
0x1e9: {  	v30 =	vld.idx.msk [tilespmem:v12+s11+$0x0], $0xffff;
	v17 =	vadd.s32 v17, v19;
	v19 =	vand.u32 v1, v29  }
0x1ea: {  	vm12 =	vgt.s32 v17, $0x0;
	v18 =	vadd.s32 v18, v19;
	v19 =	vld.idx.msk [tilespmem:v12+s13+$0x0], $0xffff  }
0x1eb: {  	v17 =	vnsel vm12, $0x0, v17;
	vm13 =	vgt.s32 v18, $0x0  }
0x1ec: {  	vm14 =	vlt.s32 v17, v10;
	v18 =	vnsel vm13, $0x0, v18  }
0x1ed: {  	v17 =	vsel vm14, v17, v10;
	vm15 =	vlt.s32 v18, v11  }
0x1ee: {  	vm4 =	vgt.s32 v30, v17;
	v18 =	vsel vm15, v18, v11  }
0x1ef: {  	v20 =	vsel vm4, $0x0, v13;
	vm5 =	vgt.s32 v19, v18  }
0x1f0: {  	v19 =	vor.u32 $0x3, v20;
	v31 =	vsel vm5, $0x0, v13  }
0x1f1: {  	v32 =	vor.u32 $0x3, v31;
	_ =	sdelay $0x3  }
0x1f2: {  	v19 =	vld.idx.msk [tilespmem:v19+s11+$0x0], $0xffff  }
0x1f3: {  	v22 =	vld.idx.msk [tilespmem:v32+s13+$0x0], $0xffff;
	_ =	sdelay $0x3  }
0x1f4: {  	vm6 =	vgt.s32 v19, v17  }
0x1f5: {  	v19 =	vsel vm6, $0x0, v14;
	vm7 =	vgt.s32 v22, v18  }
0x1f6: {  	v19 =	vor.u32 v19, v20;
	v33 =	vsel vm7, $0x0, v14  }
0x1f7: {  	v34 =	vor.u32 $0x1, v19;
	v20 =	vor.u32 v33, v31  }
0x1f8: {  	v21 =	vor.u32 $0x1, v20;
	_ =	sdelay $0x3  }
0x1f9: {  	v22 =	vld.idx.msk [tilespmem:v34+s11+$0x0], $0xffff  }
0x1fa: {  	v21 =	vld.idx.msk [tilespmem:v21+s13+$0x0], $0xffff;
	_ =	sdelay $0x3  }
0x1fb: {  	vm8 =	vgt.s32 v22, v17  }
0x1fc: {  	v22 =	vsel vm8, $0x0, v15;
	vm9 =	vgt.s32 v21, v18  }
0x1fd: {  	v19 =	vor.u32 v22, v19;
	v21 =	vsel vm9, $0x0, v15  }
0x1fe: {  	v20 =	vor.u32 v21, v20;
	_ =	sdelay $0x3  }
0x1ff: {  	v35 =	vld.idx.msk [tilespmem:v19+s11+$0x0], $0xffff  }
0x200: {  	v36 =	vld.idx.msk [tilespmem:v20+s13+$0x0], $0xffff;
	_ =	sdelay $0x3  }
0x201: {  	vm10 =	vle.s32 v35, v17  }
0x202: {  	v21 =	vsel vm10, $0x1, v16;
	vm11 =	vle.s32 v36, v18  }
0x203: {  	v19 =	vor.u32 v21, v19;
	v37 =	vsel vm11, $0x1, v16  }
0x204: {  	v20 =	vor.u32 v37, v20;
	_ =	sdelay $0x3  }
0x205: {  	v38 =	vld.idx.msk [tilespmem:v19+s12+$0x0], $0xffff  }
0x206: {  	v39 =	vld.idx.msk [tilespmem:v20+s14+$0x0], $0xffff;
	_ =	sdelay $0x3  }
0x207: {  	v19 =	vshll.u32 v19, $0xB  }
0x208: {  	v20 =	vshll.u32 v20, $0xB;
	v17 =	vsub.s32 v17, v38;
	v18 =	vsub.s32 v18, v39  }
0x209: {  	v17 =	vadd.s32 v19, v17;
	v18 =	vadd.s32 v20, v18  }
0x20a: {  	[tilespmem:s10+$0xFFFFFE20] =	vst v17;
	v18 =	vadd.s32 $0x400, v18  }
0x20b: {  	[tilespmem:s10+$0x20] =	vst v18  }
0x20c: {  	v17 =	vld [tilespmem:s9+$0xFFFFFC20];
	_ =	sdelay $0x2  }
0x20d: {  	v18 =	vld [tilespmem:s9+$0x20];
	_ =	sdelay $0x1  }
0x20e: {  	v19 =	vshrl.u32 v17, $0x10;
	v17 =	vand.u32 $0xFFFF, v17  }
0x20f: {  	v19 =	vmul.u32 v8, v19;
	v17 =	vmul.u32 v6, v17;
	_ =	sdelay $0x1  }
0x210: {  	v17 =	vadd.s32 v17, v19;
	v19 =	vshrl.u32 v18, $0x10;
	v18 =	vand.u32 $0xFFFF, v18  }
0x211: {  	v19 =	vmul.u32 v9, v19;
	v18 =	vmul.u32 v7, v18  }
0x212: {  	v40 =	vcvt.s32.f32 v17  }
0x213: {  	v18 =	vadd.s32 v18, v19  }
0x214: {  	v20 =	vmul.f32 v40, v2;
	v19 =	vcvt.s32.f32 v18;
	_ =	sdelay $0x1  }
0x215: {  	v20 =	vtrunc.f32 v20;
	v19 =	vmul.f32 v19, v3  }
0x216: {  	v20 =	vcvt.f32.s32 v20  }
0x217: {  	v19 =	vtrunc.f32 v19  }
0x218: {  	v20 =	vmul.u32 v20, v0;
	v19 =	vcvt.f32.s32 v19;
	_ =	sdelay $0x1  }
0x219: {  	v17 =	vsub.s32 v17, v20;
	v19 =	vmul.u32 v19, v1  }
0x21a: {  	v20 =	vcvt.s32.f32 v17  }
0x21b: {  	v18 =	vsub.s32 v18, v19  }
0x21c: {  	v20 =	vmul.f32 v20, v2;
	v19 =	vcvt.s32.f32 v18;
	_ =	sdelay $0x1  }
0x21d: {  	v20 =	vtrunc.f32 v20;
	v19 =	vmul.f32 v19, v3  }
0x21e: {  	v20 =	vcvt.f32.s32 v20  }
0x21f: {  	v41 =	vld [tilespmem:s9+$0xFFFFFE20];
	v19 =	vtrunc.f32 v19  }
0x220: {  	v43 =	vld [tilespmem:s9+$0x220];
	v20 =	vmul.u32 v20, v0;
	v19 =	vcvt.f32.s32 v19;
	_ =	sdelay $0x1  }
0x221: {  	v17 =	vsub.s32 v17, v20;
	v19 =	vmul.u32 v19, v1  }
0x222: {  	vm12 =	vlt.s32 v17, v0  }
0x223: {  	v21 =	vand.u32 $0xFFFF, v41;
	v42 =	vsel vm12, $0x0, v0;
	v18 =	vsub.s32 v18, v19  }
0x224: {  	v45 =	vshrl.u32 v43, $0x10;
	v17 =	vsub.s32 v17, v42;
	vm13 =	vlt.s32 v18, v1  }
0x225: {  	v19 =	vshrl.u32 v41, $0x10;
	v20 =	vshra.s32 v17, $0x1F;
	v44 =	vsel vm13, $0x0, v1  }
0x226: {  	v19 =	vmul.u32 v4, v19;
	v20 =	vand.u32 v0, v20;
	v18 =	vsub.s32 v18, v44  }
0x227: {  	v22 =	vand.u32 $0xFFFF, v43;
	v17 =	vadd.s32 v17, v20;
	v46 =	vshra.s32 v18, $0x1F  }
0x228: {  	v19 =	vadd.s32 v21, v19;
	v20 =	vmul.u32 v5, v45;
	v21 =	vand.u32 v1, v46  }
0x229: {  	v47 =	vshra.s32 v17, $0x1F;
	v17 =	vadd.s32 v17, v19;
	v18 =	vadd.s32 v18, v21  }
0x22a: {  	v48 =	vand.u32 v0, v47;
	v20 =	vadd.s32 v22, v20;
	v19 =	vshra.s32 v18, $0x1F  }
0x22b: {  	v17 =	vadd.s32 v48, v17;
	v18 =	vadd.s32 v18, v20;
	v19 =	vand.u32 v1, v19  }
0x22c: {  	v49 =	vcvt.s32.f32 v17;
	v18 =	vadd.s32 v19, v18  }
0x22d: {  	v19 =	vcvt.s32.f32 v18  }
0x22e: {  	v20 =	vmul.f32 v49, v2  }
0x22f: {  	v19 =	vmul.f32 v19, v3  }
0x230: {  	v20 =	vtrunc.f32 v20  }
0x231: {  	v20 =	vcvt.f32.s32 v20;
	v19 =	vtrunc.f32 v19  }
0x232: {  	v19 =	vcvt.f32.s32 v19  }
0x233: {  	v20 =	vmul.u32 v20, v0  }
0x234: {  	v19 =	vmul.u32 v19, v1  }
0x235: {  	v17 =	vsub.s32 v17, v20  }
0x236: {  	v20 =	vcvt.s32.f32 v17;
	v18 =	vsub.s32 v18, v19  }
0x237: {  	v19 =	vcvt.s32.f32 v18  }
0x238: {  	v20 =	vmul.f32 v20, v2  }
0x239: {  	v19 =	vmul.f32 v19, v3  }
0x23a: {  	v20 =	vtrunc.f32 v20  }
0x23b: {  	v20 =	vcvt.f32.s32 v20;
	v19 =	vtrunc.f32 v19  }
0x23c: {  	v19 =	vcvt.f32.s32 v19  }
0x23d: {  	v20 =	vmul.u32 v20, v0  }
0x23e: {  	v19 =	vmul.u32 v19, v1  }
0x23f: {  	v17 =	vsub.s32 v17, v20  }
0x240: {  	vm14 =	vlt.s32 v17, v0;
	v18 =	vsub.s32 v18, v19  }
0x241: {  	v19 =	vsel vm14, $0x0, v0;
	vm15 =	vlt.s32 v18, v1  }
0x242: {  	v17 =	vsub.s32 v17, v19;
	v19 =	vsel vm15, $0x0, v1  }
0x243: {  	v50 =	vshra.s32 v17, $0x1F;
	v18 =	vsub.s32 v18, v19  }
0x244: {  	v19 =	vand.u32 v0, v50;
	v51 =	vshra.s32 v18, $0x1F  }
0x245: {  	v17 =	vadd.s32 v17, v19;
	v19 =	vand.u32 v1, v51  }
0x246: {  	v52 =	vshra.s32 v17, $0x1F;
	v18 =	vadd.s32 v18, v19  }
0x247: {  	v19 =	vand.u32 v0, v52;
	v53 =	vshra.s32 v18, $0x1F  }
0x248: {  	v54 =	vld.idx.msk [tilespmem:v12+s11+$0x0], $0xffff;
	v17 =	vadd.s32 v17, v19;
	v19 =	vand.u32 v1, v53  }
0x249: {  	vm4 =	vgt.s32 v17, $0x0;
	v18 =	vadd.s32 v18, v19;
	v19 =	vld.idx.msk [tilespmem:v12+s13+$0x0], $0xffff  }
0x24a: {  	v17 =	vnsel vm4, $0x0, v17;
	vm5 =	vgt.s32 v18, $0x0  }
0x24b: {  	vm6 =	vlt.s32 v17, v10;
	v18 =	vnsel vm5, $0x0, v18  }
0x24c: {  	v17 =	vsel vm6, v17, v10;
	vm7 =	vlt.s32 v18, v11  }
0x24d: {  	vm8 =	vgt.s32 v54, v17;
	v18 =	vsel vm7, v18, v11  }
0x24e: {  	v20 =	vsel vm8, $0x0, v13;
	vm9 =	vgt.s32 v19, v18  }
0x24f: {  	v19 =	vor.u32 $0x3, v20;
	v55 =	vsel vm9, $0x0, v13  }
0x250: {  	v56 =	vor.u32 $0x3, v55;
	_ =	sdelay $0x3  }
0x251: {  	v19 =	vld.idx.msk [tilespmem:v19+s11+$0x0], $0xffff  }
0x252: {  	v22 =	vld.idx.msk [tilespmem:v56+s13+$0x0], $0xffff;
	_ =	sdelay $0x3  }
0x253: {  	vm10 =	vgt.s32 v19, v17  }
0x254: {  	v19 =	vsel vm10, $0x0, v14;
	vm11 =	vgt.s32 v22, v18  }
0x255: {  	v19 =	vor.u32 v19, v20;
	v57 =	vsel vm11, $0x0, v14  }
0x256: {  	v58 =	vor.u32 $0x1, v19;
	v20 =	vor.u32 v57, v55  }
0x257: {  	v21 =	vor.u32 $0x1, v20;
	_ =	sdelay $0x3  }
0x258: {  	v22 =	vld.idx.msk [tilespmem:v58+s11+$0x0], $0xffff  }
0x259: {  	v21 =	vld.idx.msk [tilespmem:v21+s13+$0x0], $0xffff;
	_ =	sdelay $0x3  }
0x25a: {  	vm12 =	vgt.s32 v22, v17  }
0x25b: {  	v22 =	vsel vm12, $0x0, v15;
	vm13 =	vgt.s32 v21, v18  }
0x25c: {  	v19 =	vor.u32 v22, v19;
	v21 =	vsel vm13, $0x0, v15  }
0x25d: {  	v20 =	vor.u32 v21, v20;
	_ =	sdelay $0x3  }
0x25e: {  	v59 =	vld.idx.msk [tilespmem:v19+s11+$0x0], $0xffff  }
0x25f: {  	v60 =	vld.idx.msk [tilespmem:v20+s13+$0x0], $0xffff;
	_ =	sdelay $0x3  }
0x260: {  	vm14 =	vle.s32 v59, v17  }
0x261: {  	v21 =	vsel vm14, $0x1, v16;
	vm15 =	vle.s32 v60, v18  }
0x262: {  	v19 =	vor.u32 v21, v19;
	v61 =	vsel vm15, $0x1, v16  }
0x263: {  	v20 =	vor.u32 v61, v20;
	_ =	sdelay $0x3  }
0x264: {  	v62 =	vld.idx.msk [tilespmem:v19+s12+$0x0], $0xffff  }
0x265: {  	v63 =	vld.idx.msk [tilespmem:v20+s14+$0x0], $0xffff;
	_ =	sdelay $0x2  }
0x266: {  	p0 =	sne.s32 s8, $0x1C0  }
.Ltmp1:
0x267: {  	v19 =	vshll.u32 v19, $0xB;
	(pc) =	sbr.rel @p0 .LBB2_3-.Ltmp1, $4  }
0x268: {  	v20 =	vshll.u32 v20, $0xB;
	v17 =	vsub.s32 v17, v62;
	v18 =	vsub.s32 v18, v63  }
0x269: {  	v17 =	vadd.s32 v19, v17;
	v18 =	vadd.s32 v20, v18  }
0x26a: {  	[tilespmem:s10+$0xFFFFFE30] =	vst v17;
	v18 =	vadd.s32 $0x400, v18  }
0x26b: {  	s8 =	sadd.s32 $0x40, s8;
	s9 =	sadd.s32 $0x40, s9;
	[tilespmem:s10+$0x30] =	vst v18;
	s10 =	sadd.s32 $0x40, s10  }
0x26c: {  	s8 =	sshll.u32 s3, $0xA  }
0x26d: {  	s28 =	simm.s32 $0x2280;
	s29 =	simm.s32 $0x4;
	s7 =	sadd.s32 s8, s7  }
0x26e: {  	[spmem:s7] =	stream.linear.scatter [tilespmem:s28], [sflag:$0x4], $0x400, $0x38;
	[tilespmem:$0xBBA0] =	vst v63  }
0x26f: {  	_ =	swait.ge [sflag:s29], $0x400  }
0x270: {  	[sflag:s29] =	ssyncset.done $0x0  }
0x271: {  	[sflag:s29] =	ssyncadd.s32 $0xFFFFFC00  }
0x272: {  	s30 =	simm.s32 $0x2;
	[bflag:$0x0] =	sbarrier.arrive $0xFFFF  }
0x273: {  	_ =	swait.ge [sflag:s30], $0x8000  }
0x274: {  	[sflag:s30] =	ssyncset.done $0x0  }
0x275: {  	[sflag:s30] =	ssyncadd.s32 $0xFFFF8000  }
0x276: {  	s31 =	simm.s32 $0x40;
	[bflag:$0x0] =	sbarrier.arrive $0xFFFF  }
0x277: {  	v0 =	vld [tilespmem:s31+$0x22B0]  }
0x278: {  	v1 =	vld [tilespmem:s31+$0x24B0]  }
0x279: {  	v2 =	vld [tilespmem:s31+$0x22A0]  }
0x27a: {  	v3 =	vld [tilespmem:s31+$0x24A0]  }
0x27b: {  	v4 =	vld [tilespmem:s31+$0x2290]  }
0x27c: {  	v5 =	vld [tilespmem:s31+$0x2490]  }
0x27d: {  	v6 =	vld [tilespmem:s31+$0x2280]  }
0x27e: {  	v7 =	vld [tilespmem:s31+$0x2480]  }
0x27f: {  	v8 =	vld [tilespmem:s31+$0x2240]  }
0x280: {  	v9 =	vld [tilespmem:s31+$0x2440]  }
0x281: {  	v10 =	vld [tilespmem:s31+$0x2250]  }
0x282: {  	v11 =	vld [tilespmem:s31+$0x2450]  }
0x283: {  	v12 =	vld [tilespmem:s31+$0x2260]  }
0x284: {  	v13 =	vld [tilespmem:s31+$0x2460]  }
0x285: {  	v14 =	vld [tilespmem:s31+$0x2270]  }
0x286: {  	s7 =	simm.s32 $0x2680;
	v15 =	vld [tilespmem:s31+$0x2470]  }
0x287: {  	v8 =	vld.idx.msk [tilespmem:v8+s7+$0x0], $0xffff  }
0x288: {  	v9 =	vld.idx.msk [tilespmem:v9+s7+$0x0], $0xffff  }
0x289: {  	v10 =	vld.idx.msk [tilespmem:v10+s7+$0x0], $0xffff  }
0x28a: {  	v11 =	vld.idx.msk [tilespmem:v11+s7+$0x0], $0xffff  }
0x28b: {  	v12 =	vld.idx.msk [tilespmem:v12+s7+$0x0], $0xffff  }
0x28c: {  	v13 =	vld.idx.msk [tilespmem:v13+s7+$0x0], $0xffff  }
0x28d: {  	v14 =	vld.idx.msk [tilespmem:v14+s7+$0x0], $0xffff  }
0x28e: {  	v6 =	vld.idx.msk [tilespmem:v6+s7+$0x0], $0xffff;
	v8 =	vsub.f32 v9, v8  }
0x28f: {  	v9 =	vld.idx.msk [tilespmem:v15+s7+$0x0], $0xffff  }
0x290: {  	v7 =	vld.idx.msk [tilespmem:v7+s7+$0x0], $0xffff;
	v10 =	vsub.f32 v11, v10;
	v8 =	vadd.f32 $1.000000010e-01, v8  }
0x291: {  	v4 =	vld.idx.msk [tilespmem:v4+s7+$0x0], $0xffff;
	v11 =	vimm.f32 $0.0e+00  }
0x292: {  	v5 =	vld.idx.msk [tilespmem:v5+s7+$0x0], $0xffff;
	v12 =	vsub.f32 v13, v12;
	v10 =	vadd.f32 $1.000000010e-01, v10;
	v8 =	vmax.f32 v8, $0.0e+00  }
0x293: {  	v63 =	vld.idx.msk [tilespmem:v3+s7+$0x0], $0xffff;
	v8 =	vadd.f32 v8, v11  }
0x294: {  	v11 =	vld.idx.msk [tilespmem:v2+s7+$0x0], $0xffff;
	v2 =	vmax.f32 v10, $0.0e+00;
	v10 =	vadd.f32 $1.000000010e-01, v12;
	v9 =	vsub.f32 v9, v14  }
0x295: {  	v6 =	vsub.f32 v7, v6;
	v7 =	vld.idx.msk [tilespmem:v1+s7+$0x0], $0xffff;
	v2 =	vadd.f32 v2, v8  }
0x296: {  	s9 =	simm.s32 $0xC0;
	v8 =	vld.idx.msk [tilespmem:v0+s7+$0x0], $0xffff;
	v0 =	vmax.f32 v10, $0.0e+00;
	v3 =	vadd.f32 $1.000000010e-01, v9  }
0x297: {  	v1 =	vld [tilespmem:s9+$0x22B0];
	v4 =	vsub.f32 v5, v4;
	v2 =	vadd.f32 v0, v2  }
0x298: {  	v5 =	vld [tilespmem:s9+$0x2290];
	v6 =	vadd.f32 $1.000000010e-01, v6;
	v9 =	vmax.f32 v3, $0.0e+00  }
0x299: {  	v10 =	vadd.f32 $1.000000010e-01, v4;
	v4 =	vld [tilespmem:s9+$0x2490];
	v9 =	vadd.f32 v9, v2  }
0x29a: {  	v6 =	vmax.f32 v6, $0.0e+00;
	v0 =	vld [tilespmem:s9+$0x24B0];
	v11 =	vsub.f32 v63, v11  }
0x29b: {  	v3 =	vld [tilespmem:s9+$0x22A0];
	v6 =	vadd.f32 v6, v9  }
0x29c: {  	v2 =	vld [tilespmem:s9+$0x24A0];
	v8 =	vsub.f32 v7, v8;
	v9 =	vmax.f32 v10, $0.0e+00;
	v10 =	vadd.f32 $1.000000010e-01, v11  }
0x29d: {  	v7 =	vld [tilespmem:s9+$0x2280];
	v11 =	vadd.f32 v9, v6  }
0x29e: {  	v6 =	vld [tilespmem:s9+$0x2480];
	v10 =	vmax.f32 v10, $0.0e+00;
	v9 =	vadd.f32 $1.000000010e-01, v8  }
0x29f: {  	s8 =	simm.s32 $0x500;
	v8 =	vld [tilespmem:s9+$0x2240];
	v10 =	vadd.f32 v10, v11  }
.LBB2_5:
0x2a0: {  	p0 =	sne.s32 s8, $0x700;
	v11 =	vld [tilespmem:s9+$0x2440];
	v9 =	vmax.f32 v9, $0.0e+00  }
0x2a1: {  	v12 =	vld [tilespmem:s9+$0x2250];
	v9 =	vadd.f32 v9, v10  }
0x2a2: {  	v10 =	vld [tilespmem:s9+$0x2450]  }
0x2a3: {  	v13 =	vld [tilespmem:s9+$0x2260]  }
0x2a4: {  	v14 =	vld [tilespmem:s9+$0x2460]  }
0x2a5: {  	v15 =	vld [tilespmem:s9+$0x2270]  }
0x2a6: {  	v16 =	vld [tilespmem:s9+$0x2470]  }
0x2a7: {  	v8 =	vld.idx.msk [tilespmem:v8+s7+$0x0], $0xffff  }
0x2a8: {  	v11 =	vld.idx.msk [tilespmem:v11+s7+$0x0], $0xffff  }
0x2a9: {  	v12 =	vld.idx.msk [tilespmem:v12+s7+$0x0], $0xffff  }
0x2aa: {  	v10 =	vld.idx.msk [tilespmem:v10+s7+$0x0], $0xffff  }
0x2ab: {  	v13 =	vld.idx.msk [tilespmem:v13+s7+$0x0], $0xffff  }
0x2ac: {  	v14 =	vld.idx.msk [tilespmem:v14+s7+$0x0], $0xffff  }
0x2ad: {  	v15 =	vld.idx.msk [tilespmem:v15+s7+$0x0], $0xffff  }
0x2ae: {  	v8 =	vsub.f32 v11, v8;
	v11 =	vld.idx.msk [tilespmem:v16+s7+$0x0], $0xffff  }
0x2af: {  	v7 =	vld.idx.msk [tilespmem:v7+s7+$0x0], $0xffff  }
0x2b0: {  	v8 =	vadd.f32 $1.000000010e-01, v8;
	v10 =	vsub.f32 v10, v12;
	v6 =	vld.idx.msk [tilespmem:v6+s7+$0x0], $0xffff  }
0x2b1: {  	v5 =	vld.idx.msk [tilespmem:v5+s7+$0x0], $0xffff  }
0x2b2: {  	v8 =	vmax.f32 v8, $0.0e+00;
	v10 =	vadd.f32 $1.000000010e-01, v10;
	v12 =	vsub.f32 v14, v13;
	v4 =	vld.idx.msk [tilespmem:v4+s7+$0x0], $0xffff  }
0x2b3: {  	v8 =	vadd.f32 v8, v9;
	v9 =	vld.idx.msk [tilespmem:v3+s7+$0x0], $0xffff  }
0x2b4: {  	v3 =	vmax.f32 v10, $0.0e+00;
	v10 =	vadd.f32 $1.000000010e-01, v12;
	v11 =	vsub.f32 v11, v15;
	v12 =	vld.idx.msk [tilespmem:v2+s7+$0x0], $0xffff  }
0x2b5: {  	v2 =	vadd.f32 v3, v8;
	v8 =	vld.idx.msk [tilespmem:v1+s7+$0x0], $0xffff  }
0x2b6: {  	s9 =	sshra.s32 s8, $0x2;
	v3 =	vmax.f32 v10, $0.0e+00;
	v10 =	vadd.f32 $1.000000010e-01, v11;
	v6 =	vsub.f32 v6, v7;
	v7 =	vld.idx.msk [tilespmem:v0+s7+$0x0], $0xffff  }
0x2b7: {  	v2 =	vadd.f32 v3, v2;
	v1 =	vld [tilespmem:s9+$0x22B0]  }
0x2b8: {  	v10 =	vmax.f32 v10, $0.0e+00;
	v6 =	vadd.f32 $1.000000010e-01, v6;
	v4 =	vsub.f32 v4, v5;
	v0 =	vld [tilespmem:s9+$0x24B0]  }
0x2b9: {  	v10 =	vadd.f32 v10, v2;
	v3 =	vld [tilespmem:s9+$0x22A0]  }
0x2ba: {  	v6 =	vmax.f32 v6, $0.0e+00;
	v11 =	vadd.f32 $1.000000010e-01, v4;
	v9 =	vsub.f32 v12, v9;
	v2 =	vld [tilespmem:s9+$0x24A0]  }
.Ltmp2:
0x2bb: {  	v6 =	vadd.f32 v6, v10;
	v5 =	vld [tilespmem:s9+$0x2290];
	(pc) =	sbr.rel @p0 .LBB2_5-.Ltmp2, $4  }
0x2bc: {  	v10 =	vmax.f32 v11, $0.0e+00;
	v9 =	vadd.f32 $1.000000010e-01, v9;
	v8 =	vsub.f32 v7, v8;
	v4 =	vld [tilespmem:s9+$0x2490]  }
0x2bd: {  	v10 =	vadd.f32 v10, v6;
	v7 =	vld [tilespmem:s9+$0x2280]  }
0x2be: {  	v11 =	vmax.f32 v9, $0.0e+00;
	v9 =	vadd.f32 $1.000000010e-01, v8;
	v6 =	vld [tilespmem:s9+$0x2480]  }
0x2bf: {  	s8 =	sadd.s32 $0x200, s8;
	v10 =	vadd.f32 v11, v10;
	v8 =	vld [tilespmem:s9+$0x2240]  }
0x2c0: {  	_ = 	snop  }
0x2c1: {  	v11 =	vld [tilespmem:s9+$0x2440]  }
0x2c2: {  	v12 =	vld [tilespmem:s9+$0x2250]  }
0x2c3: {  	v13 =	vld [tilespmem:s9+$0x2450]  }
0x2c4: {  	v14 =	vld [tilespmem:s9+$0x2260]  }
0x2c5: {  	v15 =	vld [tilespmem:s9+$0x2460]  }
0x2c6: {  	v16 =	vld [tilespmem:s9+$0x2270]  }
0x2c7: {  	v17 =	vld [tilespmem:s9+$0x2470]  }
0x2c8: {  	v8 =	vld.idx.msk [tilespmem:v8+s7+$0x0], $0xffff  }
0x2c9: {  	v11 =	vld.idx.msk [tilespmem:v11+s7+$0x0], $0xffff  }
0x2ca: {  	v12 =	vld.idx.msk [tilespmem:v12+s7+$0x0], $0xffff  }
0x2cb: {  	v13 =	vld.idx.msk [tilespmem:v13+s7+$0x0], $0xffff  }
0x2cc: {  	v14 =	vld.idx.msk [tilespmem:v14+s7+$0x0], $0xffff  }
0x2cd: {  	v15 =	vld.idx.msk [tilespmem:v15+s7+$0x0], $0xffff  }
0x2ce: {  	v51 =	vld.idx.msk [tilespmem:v16+s7+$0x0], $0xffff;
	v8 =	vsub.f32 v11, v8  }
0x2cf: {  	v52 =	vld.idx.msk [tilespmem:v17+s7+$0x0], $0xffff  }
0x2d0: {  	v9 =	vmax.f32 v9, $0.0e+00;
	v7 =	vld.idx.msk [tilespmem:v7+s7+$0x0], $0xffff;
	v12 =	vsub.f32 v13, v12;
	v8 =	vadd.f32 $1.000000010e-01, v8  }
0x2d1: {  	v9 =	vadd.f32 v9, v10;
	v6 =	vld.idx.msk [tilespmem:v6+s7+$0x0], $0xffff  }
0x2d2: {  	v5 =	vld.idx.msk [tilespmem:v5+s7+$0x0], $0xffff;
	v54 =	vsub.f32 v15, v14;
	v53 =	vadd.f32 $1.000000010e-01, v12;
	v8 =	vmax.f32 v8, $0.0e+00  }
0x2d3: {  	v4 =	vld.idx.msk [tilespmem:v4+s7+$0x0], $0xffff;
	v8 =	vadd.f32 v8, v9  }
0x2d4: {  	v3 =	vld.idx.msk [tilespmem:v3+s7+$0x0], $0xffff;
	v11 =	vsub.f32 v52, v51;
	v56 =	vadd.f32 $1.000000010e-01, v54;
	v55 =	vmax.f32 v53, $0.0e+00  }
0x2d5: {  	v2 =	vld.idx.msk [tilespmem:v2+s7+$0x0], $0xffff;
	v8 =	vadd.f32 v55, v8  }
0x2d6: {  	v1 =	vld.idx.msk [tilespmem:v1+s7+$0x0], $0xffff;
	v6 =	vsub.f32 v6, v7;
	v58 =	vadd.f32 $1.000000010e-01, v11;
	v57 =	vmax.f32 v56, $0.0e+00  }
0x2d7: {  	v0 =	vld.idx.msk [tilespmem:v0+s7+$0x0], $0xffff;
	v59 =	vadd.f32 v57, v8  }
0x2d8: {  	v4 =	vsub.f32 v4, v5;
	v6 =	vadd.f32 $1.000000010e-01, v6;
	v60 =	vmax.f32 v58, $0.0e+00  }
0x2d9: {  	v61 =	vadd.f32 v60, v59  }
0x2da: {  	v2 =	vsub.f32 v2, v3;
	v4 =	vadd.f32 $1.000000010e-01, v4;
	v6 =	vmax.f32 v6, $0.0e+00  }
0x2db: {  	v62 =	vadd.f32 v6, v61  }
0x2dc: {  	v0 =	vsub.f32 v0, v1;
	v2 =	vadd.f32 $1.000000010e-01, v2;
	v4 =	vmax.f32 v4, $0.0e+00  }
0x2dd: {  	v63 =	vadd.f32 v4, v62  }
0x2de: {  	v0 =	vadd.f32 $1.000000010e-01, v0;
	v2 =	vmax.f32 v2, $0.0e+00  }
0x2df: {  	v1 =	vadd.f32 v2, v63  }
0x2e0: {  	v0 =	vmax.f32 v0, $0.0e+00  }
0x2e1: {  	v0 =	vadd.f32 v0, v1;
	_ =	sdelay $0x1  }
0x2e2: {  	s4 =	sadd.s32 s4, s2;
	s31 =	simm.s32 $0xA680;
	[tilespmem:$0xA680] =	vst v0  }
0x2e3: {  	[spmem:s4] =	stream.linear.scatter [tilespmem:s31], [sflag:$0x4], $0x80, $0x38;
	[tilespmem:$0xBBA0] =	vst v63  }
0x2e4: {  	s4 =	simm.s32 $0x4  }
0x2e5: {  	_ =	swait.ge [sflag:s4], $0x80  }
0x2e6: {  	[sflag:s4] =	ssyncset.done $0x0  }
0x2e7: {  	[sflag:s4] =	ssyncadd.s32 $0xFFFFFF80  }
0x2e8: {  	p0 =	sne.s32 s3, $0x0;
	[bflag:$0x0] =	sbarrier.arrive $0xFFFF  }
0x2e9: {  	_ =	sfence.sel @p0 $0x180000  }
0x2ea: {  	[bflag:$0x0] =	sbarrier.arrive @p0 $0xFFFF  }
0x2eb: {  	_ =	strace @p0 $0x90000047  }
0x2ec: {  	[bflag:$0x2] =	sbarrier.arrive @p0 $0xFFFF  }
0x2ed: {  	_ =	shalt @p0  }
.LBB2_7:
0x2ee: {  	s3 =	simm.s32 $0xA700;
	v0 =	vlaneseq.u32  }
0x2ef: {  	[tilespmem:s3], [sflag:$0x4] =	stream.linear.gather [spmem:s2], $0x800, $0x38;
	[tilespmem:$0xBBA0] =	vst v63  }
0x2f0: {  	v1 =	vor.u32 $0x80, v0;
	_ =	swait.ge [sflag:s4], $0x800  }
0x2f1: {  	[sflag:s4] =	ssyncset.done $0x0  }
0x2f2: {  	v2 =	vor.u32 $0x100, v0;
	[sflag:s4] =	ssyncadd.s32 $0xFFFFF800  }
0x2f3: {  	v3 =	vld.idx.msk [tilespmem:v0+s3+$0x0], $0xffff  }
0x2f4: {  	v4 =	vor.u32 $0x180, v0  }
0x2f5: {  	v1 =	vld.idx.msk [tilespmem:v1+s3+$0x0], $0xffff  }
0x2f6: {  	v5 =	vor.u32 $0x200, v0  }
0x2f7: {  	v2 =	vld.idx.msk [tilespmem:v2+s3+$0x0], $0xffff  }
0x2f8: {  	v6 =	vor.u32 $0x280, v0;
	v3 =	vadd.f32 $0.0e+00, v3  }
0x2f9: {  	v4 =	vld.idx.msk [tilespmem:v4+s3+$0x0], $0xffff  }
0x2fa: {  	v53 =	vor.u32 $0x300, v0;
	v1 =	vadd.f32 v1, v3  }
0x2fb: {  	v5 =	vld.idx.msk [tilespmem:v5+s3+$0x0], $0xffff  }
0x2fc: {  	v54 =	vor.u32 $0x380, v0;
	v1 =	vadd.f32 v2, v1  }
0x2fd: {  	v6 =	vld.idx.msk [tilespmem:v6+s3+$0x0], $0xffff  }
0x2fe: {  	v55 =	vor.u32 $0x400, v0;
	v1 =	vadd.f32 v4, v1  }
0x2ff: {  	v3 =	vld.idx.msk [tilespmem:v53+s3+$0x0], $0xffff  }
0x300: {  	v56 =	vor.u32 $0x480, v0;
	v1 =	vadd.f32 v5, v1  }
0x301: {  	v2 =	vld.idx.msk [tilespmem:v54+s3+$0x0], $0xffff  }
0x302: {  	v57 =	vor.u32 $0x500, v0;
	v1 =	vadd.f32 v6, v1  }
0x303: {  	v4 =	vld.idx.msk [tilespmem:v55+s3+$0x0], $0xffff  }
0x304: {  	v58 =	vor.u32 $0x580, v0;
	v1 =	vadd.f32 v3, v1  }
0x305: {  	v5 =	vld.idx.msk [tilespmem:v56+s3+$0x0], $0xffff  }
0x306: {  	v59 =	vor.u32 $0x600, v0;
	v1 =	vadd.f32 v2, v1  }
0x307: {  	v6 =	vld.idx.msk [tilespmem:v57+s3+$0x0], $0xffff  }
0x308: {  	v60 =	vor.u32 $0x680, v0;
	v1 =	vadd.f32 v4, v1  }
0x309: {  	v3 =	vld.idx.msk [tilespmem:v58+s3+$0x0], $0xffff  }
0x30a: {  	v61 =	vor.u32 $0x700, v0;
	v1 =	vadd.f32 v5, v1  }
0x30b: {  	v2 =	vld.idx.msk [tilespmem:v59+s3+$0x0], $0xffff  }
0x30c: {  	v0 =	vor.u32 $0x780, v0;
	v1 =	vadd.f32 v6, v1  }
0x30d: {  	v4 =	vld.idx.msk [tilespmem:v60+s3+$0x0], $0xffff  }
0x30e: {  	v1 =	vadd.f32 v3, v1  }
0x30f: {  	v62 =	vld.idx.msk [tilespmem:v61+s3+$0x0], $0xffff  }
0x310: {  	v1 =	vadd.f32 v2, v1  }
0x311: {  	v0 =	vld.idx.msk [tilespmem:v0+s3+$0x0], $0xffff  }
0x312: {  	v1 =	vadd.f32 v4, v1;
	_ =	sdelay $0x1  }
0x313: {  	v1 =	vadd.f32 v62, v1;
	_ =	sdelay $0x1  }
0x314: {  	v0 =	vadd.f32 v0, v1;
	_ =	sdelay $0x1  }
0x315: {  	(xrf2) =	vadd.scan.msk.f32 $0xffff, v0;
	_ =	sdelay $0x9  }
0x316: {  	v0, _, _ =	vpop (xrf2)  }
0x317: {  	(v2sf) =	vpush v0, $0xF;
	_ =	sdelay $0xe  }
0x318: {  	s29 =	spop (v2sf)  }
0x319: {  	s2 =	smul.f32 $1.220703130e-04, s29  }
0x31a: {  	p0 =	sgt.s32 s6, $0x0  }
0x31b: {  	p1 =	sgt.s32 s5, $0x0;
	s2 =	simm.s32 @!p0 $0x0  }
0x31c: {  	s2 =	simm.s32 @!p1 $0x0  }
0x31d: {  	v63 =	vmov s2  }
0x31e: {  	s30 =	simm.s32 $0x0;
	s31 =	simm.s32 $0xAF00;
	[tilespmem:$0xAF00] =	vst v63  }
0x31f: {  	[hbm4b:s1+s30] =	stream.linear.scatter [tilespmem:s31], [sflag:$0x4], $0x80, $0x38;
	[tilespmem:$0xBBA0] =	vst v63  }
0x320: {  	_ =	swait.ge [sflag:s4], $0x80  }
0x321: {  	[sflag:s4] =	ssyncset.done $0x0  }
0x322: {  	[sflag:s4] =	ssyncadd.s32 $0xFFFFFF80  }
0x323: {  	_ =	sfence.sel $0x180000  }
0x324: {  	[bflag:$0x0] =	sbarrier.arrive $0xFFFF  }
0x325: {  	_ =	strace $0x90000047  }
0x326: {  	s0 =	sadd.s32 $0x100000, s0;
	[bflag:$0x2] =	sbarrier.arrive $0xFFFF  }
0x327: {  	[sflag:s0] =	ssyncadd.tile.s32 $0x1;
	_ =	shalt  }
.Lfunc_end2:
_tile_overlayer_lowered:
.L_overlay_start_2:
0x328: {  	(tag) =	ssettag $0x2  }
0x329: {  	s0 =	rddreg [dreg:$0x0];
	s2 =	stileid.u32  }
0x32a: {  	s1 =	rddreg [dreg:$0x1];
	p0 =	sne.s32 s2, $0x0  }
0x32b: {  	s3 =	rddreg [dreg:$0x2];
	[bflag:$0x3] =	sbarrier.arrive $0xFFFF;
	s2 =	simm.s32 @!p0 $0x1C04  }
0x32c: {  	[timem:s3], [sflag:s2] =	dma.local @!p0 [hbm:s0], s1  }
0x32d: {  	s0 =	simm.s32 @!p0 $0x4  }
0x32e: {  	_ =	swait.ge @!p0 [sflag:s0], s1  }
0x32f: {  	s1 =	ssub.s32 @!p0 $0x0, s1;
	[sflag:s0] =	ssyncset.done @!p0 $0x0  }
0x330: {  	[sflag:s0] =	ssyncadd.s32 @!p0 s1  }
0x331: {  	[bflag:$0x3] =	sbarrier.arrive $0xFFFF  }
0x332: {  	_ =	shalt  }

</sc_bundles>
